<compile_context>
chip_gen: v7x
topology: tpu7x:2x2x1
jax: 0.10.2.dev20260603
libtpu: 0.0.44.dev20260713+nightly
codegen_flags: <defaults>
</compile_context>

<pallas_src>
import functools

import jax
import jax.numpy as jnp
from jax import lax
from jax.experimental import pallas as pl
from jax.experimental.pallas import tpu as pltpu
from jax.experimental.pallas import tpu_sc as plsc

_LANES = 16


def _build_call(B, NP1, E, N, P, n_rows_pos, n_rows_time):
  NW = 32
  tokens = NP1 - 1
  tok_pw = tokens // NW
  n_pw = N // NW
  chunk = tok_pw * E
  row_pad = ((E + _LANES - 1) // _LANES) * _LANES
  nvec = chunk // _LANES
  nvec_row = row_pad // _LANES
  b_pw = B // NW

  assert tokens % NW == 0 and N % NW == 0 and chunk % _LANES == 0
  assert B % NW == 0

  mesh = plsc.VectorSubcoreMesh(core_axis_name="c", subcore_axis_name="s")

  @functools.partial(
      pl.kernel,
      mesh=mesh,
      out_type=jax.ShapeDtypeStruct((B * NP1 * E,), jnp.float32),
      scratch_types=[
          pltpu.VMEM((chunk,), jnp.float32),
          pltpu.VMEM((chunk,), jnp.float32),
          pltpu.VMEM((chunk,), jnp.float32),
          pltpu.VMEM((chunk,), jnp.float32),
          pltpu.VMEM((row_pad,), jnp.float32),
      ],
  )
  def sc_kernel(x_hbm, pos_hbm, time_hbm, out_hbm, comb, t4, buf0, buf1, prow):
    wid = lax.axis_index("s") * 2 + lax.axis_index("c")

    for j in range(n_pw):
      src = pl.multiple_of((1 + wid * n_pw + j) * E, 8)
      for p in range(P):
        dst = ((j * P + p) * E)
        pltpu.sync_copy(pos_hbm.at[pl.ds(src, E)], comb.at[pl.ds(dst, E)])
    for j in range(tok_pw // P):
      pltpu.sync_copy(time_hbm.at[pl.ds(0, P * E)],
                      t4.at[pl.ds(j * P * E, P * E)])

    def add_time(i, _):
      sl = pl.ds(i * _LANES, _LANES)
      comb[sl] = comb[sl] + t4[sl]
      return 0
    lax.fori_loop(0, nvec, add_time, 0)

    pltpu.sync_copy(pos_hbm.at[pl.ds(0, E)], prow.at[pl.ds(0, E)])
    for bi in range(b_pw):
      b = wid * b_pw + bi
      off = pl.multiple_of(b * NP1 * E, 8)
      pltpu.sync_copy(x_hbm.at[pl.ds(off, E)], buf0.at[pl.ds(0, E)])
      for i in range(nvec_row - 1):
        sl = pl.ds(i * _LANES, _LANES)
        buf0[sl] = buf0[sl] + prow[sl]
      sl = pl.ds((nvec_row - 1) * _LANES, _LANES)
      buf0[sl] = buf0[sl] + prow[sl]
      pltpu.sync_copy(buf0.at[pl.ds(0, E)], out_hbm.at[pl.ds(off, E)])

    t0_off = (1 + wid * tok_pw) * E

    def do_batch(b, buf):
      off = pl.multiple_of(b * NP1 * E + t0_off, 8)
      pltpu.sync_copy(x_hbm.at[pl.ds(off, chunk)], buf)

      def add_comb(i, _):
        sl = pl.ds(i * _LANES, _LANES)
        buf[sl] = buf[sl] + comb[sl]
        return 0
      lax.fori_loop(0, nvec, add_comb, 0)
      pltpu.sync_copy(buf, out_hbm.at[pl.ds(off, chunk)])

    def body(bb, _):
      do_batch(2 * bb, buf0)
      do_batch(2 * bb + 1, buf1)
      return 0
    lax.fori_loop(0, B // 2, body, 0)

  return sc_kernel


def kernel(x, N, P, pos_embed, time_embed):
  del N, P
  B, NP1, E = x.shape
  Ns = pos_embed.shape[0] - 1
  Ps = time_embed.shape[0]
  call = _build_call(B, NP1, E, Ns, Ps,
                     pos_embed.shape[0], time_embed.shape[0])
  out = call(x.reshape(-1), pos_embed.reshape(-1), time_embed.reshape(-1))
  return out.reshape(B, NP1, E)

# --- scband reference (transcript-rebuilt; emitter-appended) ---
"""Pipeline reference for scband-spatial-temporal-embedding-25915832664343 (READ-ONLY COPY).

The authoritative reference and input builder live on the scoring server;
editing this copy changes nothing except your own understanding.
"""

import jax, jax.numpy as jnp
import numpy as np

EMBED_DIM = 200
MAX_CHANNELS = 128
MAX_PATCHES = 16
B = 64
N = 128
P = 16

def setup_inputs(seed: int = 0) -> dict:
    key = jax.random.key(seed)
    k1, k2, k3 = jax.random.split(key, 3)
    x = jax.random.normal(k1, (B, N * P + 1, EMBED_DIM), dtype=jnp.float32)
    # learned params (trunc-normal std=0.02 approximated by scaled normal)
    pos_embed = jax.random.normal(k2, (MAX_CHANNELS + 1, EMBED_DIM), dtype=jnp.float32) * 0.02
    time_embed = jax.random.normal(k3, (MAX_PATCHES, EMBED_DIM), dtype=jnp.float32) * 0.02
    return {"x": x, "N": N, "P": P, "pos_embed": pos_embed, "time_embed": time_embed}


def reference(x, N, P, pos_embed, time_embed):
    # x: [B, N*P+1, E]
    Bq, seq_len_plus_one, E = x.shape
    Ns = pos_embed.shape[0] - 1
    Ps = time_embed.shape[0]
    # spatial (positional) embedding
    pe = pos_embed[1:, :]                                  # [N, E] (input_channels is None)
    pe = jnp.broadcast_to(pe[None, :, None, :], (Bq, Ns, Ps, E))
    pe = pe.reshape(Bq, Ns * Ps, E)                        # flatten(1, 2)
    appendage = jnp.broadcast_to(pos_embed[0][None, None, :], (Bq, 1, E))
    pe_full = jnp.concatenate([appendage, pe], axis=1)     # [B, N*P+1, E]
    x = x + pe_full + (jnp.asarray(N + P) * 0).astype(x.dtype)
    # temporal embedding added to all tokens after the first
    te = time_embed[:Ps]                                   # [P, E]
    te = jnp.broadcast_to(te[None, None, :, :], (Bq, Ns, Ps, E))
    te = te.reshape(Bq, Ns * Ps, E)
    x = x.at[:, 1:, :].add(te)
    # dropout with p=0.0 is identity
    return x

if __name__ == "__main__":
    import jax
    _d = setup_inputs()
    print(jax.jit(kernel)(*tuple(_d.values())))

</pallas_src>

<mosaic_0001>
#map = affine_map<(d0, d1) -> (0)>
module attributes {stable_mosaic.version = 14 : i64} {
  func.func @sc_kernel(%arg0: i32, %arg1: i32, %arg2: memref<26227200xf32, #tpu.memory_space<hbm>>, %arg3: memref<25800xf32, #tpu.memory_space<hbm>>, %arg4: memref<3200xf32, #tpu.memory_space<hbm>>, %arg5: memref<26227200xf32, #tpu.memory_space<hbm>>, %arg6: memref<12800xf32, #tpu.memory_space<vmem>>, %arg7: memref<12800xf32, #tpu.memory_space<vmem>>, %arg8: memref<12800xf32, #tpu.memory_space<vmem>>, %arg9: memref<12800xf32, #tpu.memory_space<vmem>>, %arg10: memref<208xf32, #tpu.memory_space<vmem>>) attributes {dimension_semantics = [#tpu.dimension_semantics<core_parallel>, #tpu.dimension_semantics<subcore_parallel>], iteration_bounds = array<i64: 2, 16>, scalar_prefetch = 0 : i64, scratch_operands = 5 : i64, tpu.core_type = #tpu.core_type<sc_vector_subcore>, window_params = [{transform_indices = #map}, {transform_indices = #map}, {transform_indices = #map}, {transform_indices = #map}]} {
    %mul3A = arith.constant 2 : i32
    %mul3A_0 = arith.muli %arg1, %mul3A : i32
    %add3A = arith.addi %mul3A_0, %arg0 : i32
    %mul3A_1 = arith.constant 4 : i32
    %mul3A_2 = arith.muli %add3A, %mul3A_1 : i32
    %add3A_3 = arith.constant 1 : i32
    %add3A_4 = arith.addi %add3A_3, %mul3A_2 : i32
    %add3A_5 = arith.constant 0 : i32
    %add3A_6 = arith.addi %add3A_4, %add3A_5 : i32
    %mul3A_7 = arith.constant 200 : i32
    %mul3A_8 = arith.muli %add3A_6, %mul3A_7 : i32
    %multiple_of3A = tpu.assume_multiple %mul3A_8, 8 : i32
    "tpu.region"() ({
      %run_scoped3A = tpu.sem_alloc : memref<!tpu.dma_semaphore, #tpu.memory_space<semaphore_mem>>
      %dma_start3A = arith.constant 0 : i32
      %dma_start3A_357 = tpu.memref_slice %arg6[%dma_start3A] : memref<12800xf32, #tpu.memory_space<vmem>> -> memref<200xf32, #tpu.memory_space<vmem>>
      %dma_start3A_358 = tpu.memref_slice %arg3[%multiple_of3A] : memref<25800xf32, #tpu.memory_space<hbm>> -> memref<200xf32, #tpu.memory_space<hbm>>
      %dma_start3A_359 = arith.constant 0 : i32
      %dma_start3A_360 = tpu.memref_slice %arg6[%dma_start3A_359] : memref<12800xf32, #tpu.memory_space<vmem>> -> memref<200xf32, #tpu.memory_space<vmem>>
      %dma_start3A_361 = tpu.memref_slice %arg3[%multiple_of3A] : memref<25800xf32, #tpu.memory_space<hbm>> -> memref<200xf32, #tpu.memory_space<hbm>>
      tpu.enqueue_dma source(%dma_start3A_361 : memref<200xf32, #tpu.memory_space<hbm>>) target(%dma_start3A_360 : memref<200xf32, #tpu.memory_space<vmem>>) target_semaphore(%run_scoped3A : memref<!tpu.dma_semaphore, #tpu.memory_space<semaphore_mem>>)
      %dma_wait3A = arith.constant 0 : i32
      %dma_wait3A_362 = tpu.memref_slice %arg6[%dma_wait3A] : memref<12800xf32, #tpu.memory_space<vmem>> -> memref<200xf32, #tpu.memory_space<vmem>>
      %dma_wait3A_363 = tpu.memref_slice %arg3[%multiple_of3A] : memref<25800xf32, #tpu.memory_space<hbm>> -> memref<200xf32, #tpu.memory_space<hbm>>
      %dma_wait3A_364 = arith.constant 0 : i32
      %dma_wait3A_365 = tpu.memref_slice %arg6[%dma_wait3A_364] : memref<12800xf32, #tpu.memory_space<vmem>> -> memref<200xf32, #tpu.memory_space<vmem>>
      %dma_wait3A_366 = tpu.memref_slice %arg3[%multiple_of3A] : memref<25800xf32, #tpu.memory_space<hbm>> -> memref<200xf32, #tpu.memory_space<hbm>>
      tpu.wait_dma2 semaphore(%run_scoped3A : memref<!tpu.dma_semaphore, #tpu.memory_space<semaphore_mem>>) src(%dma_wait3A_366 : memref<200xf32, #tpu.memory_space<hbm>>) dst(%dma_wait3A_365 : memref<200xf32, #tpu.memory_space<vmem>>)
      tpu.yield
    }) : () -> ()
    "tpu.region"() ({
      %run_scoped3A = tpu.sem_alloc : memref<!tpu.dma_semaphore, #tpu.memory_space<semaphore_mem>>
      %dma_start3A = arith.constant 200 : i32
      %dma_start3A_357 = tpu.memref_slice %arg6[%dma_start3A] : memref<12800xf32, #tpu.memory_space<vmem>> -> memref<200xf32, #tpu.memory_space<vmem>>
      %dma_start3A_358 = tpu.memref_slice %arg3[%multiple_of3A] : memref<25800xf32, #tpu.memory_space<hbm>> -> memref<200xf32, #tpu.memory_space<hbm>>
      %dma_start3A_359 = arith.constant 200 : i32
      %dma_start3A_360 = tpu.memref_slice %arg6[%dma_start3A_359] : memref<12800xf32, #tpu.memory_space<vmem>> -> memref<200xf32, #tpu.memory_space<vmem>>
      %dma_start3A_361 = tpu.memref_slice %arg3[%multiple_of3A] : memref<25800xf32, #tpu.memory_space<hbm>> -> memref<200xf32, #tpu.memory_space<hbm>>
      tpu.enqueue_dma source(%dma_start3A_361 : memref<200xf32, #tpu.memory_space<hbm>>) target(%dma_start3A_360 : memref<200xf32, #tpu.memory_space<vmem>>) target_semaphore(%run_scoped3A : memref<!tpu.dma_semaphore, #tpu.memory_space<semaphore_mem>>)
      %dma_wait3A = arith.constant 200 : i32
      %dma_wait3A_362 = tpu.memref_slice %arg6[%dma_wait3A] : memref<12800xf32, #tpu.memory_space<vmem>> -> memref<200xf32, #tpu.memory_space<vmem>>
      %dma_wait3A_363 = tpu.memref_slice %arg3[%multiple_of3A] : memref<25800xf32, #tpu.memory_space<hbm>> -> memref<200xf32, #tpu.memory_space<hbm>>
      %dma_wait3A_364 = arith.constant 200 : i32
      %dma_wait3A_365 = tpu.memref_slice %arg6[%dma_wait3A_364] : memref<12800xf32, #tpu.memory_space<vmem>> -> memref<200xf32, #tpu.memory_space<vmem>>
      %dma_wait3A_366 = tpu.memref_slice %arg3[%multiple_of3A] : memref<25800xf32, #tpu.memory_space<hbm>> -> memref<200xf32, #tpu.memory_space<hbm>>
      tpu.wait_dma2 semaphore(%run_scoped3A : memref<!tpu.dma_semaphore, #tpu.memory_space<semaphore_mem>>) src(%dma_wait3A_366 : memref<200xf32, #tpu.memory_space<hbm>>) dst(%dma_wait3A_365 : memref<200xf32, #tpu.memory_space<vmem>>)
      tpu.yield
    }) : () -> ()
    "tpu.region"() ({
      %run_scoped3A = tpu.sem_alloc : memref<!tpu.dma_semaphore, #tpu.memory_space<semaphore_mem>>
      %dma_start3A = arith.constant 400 : i32
      %dma_start3A_357 = tpu.memref_slice %arg6[%dma_start3A] : memref<12800xf32, #tpu.memory_space<vmem>> -> memref<200xf32, #tpu.memory_space<vmem>>
      %dma_start3A_358 = tpu.memref_slice %arg3[%multiple_of3A] : memref<25800xf32, #tpu.memory_space<hbm>> -> memref<200xf32, #tpu.memory_space<hbm>>
      %dma_start3A_359 = arith.constant 400 : i32
      %dma_start3A_360 = tpu.memref_slice %arg6[%dma_start3A_359] : memref<12800xf32, #tpu.memory_space<vmem>> -> memref<200xf32, #tpu.memory_space<vmem>>
      %dma_start3A_361 = tpu.memref_slice %arg3[%multiple_of3A] : memref<25800xf32, #tpu.memory_space<hbm>> -> memref<200xf32, #tpu.memory_space<hbm>>
      tpu.enqueue_dma source(%dma_start3A_361 : memref<200xf32, #tpu.memory_space<hbm>>) target(%dma_start3A_360 : memref<200xf32, #tpu.memory_space<vmem>>) target_semaphore(%run_scoped3A : memref<!tpu.dma_semaphore, #tpu.memory_space<semaphore_mem>>)
      %dma_wait3A = arith.constant 400 : i32
      %dma_wait3A_362 = tpu.memref_slice %arg6[%dma_wait3A] : memref<12800xf32, #tpu.memory_space<vmem>> -> memref<200xf32, #tpu.memory_space<vmem>>
      %dma_wait3A_363 = tpu.memref_slice %arg3[%multiple_of3A] : memref<25800xf32, #tpu.memory_space<hbm>> -> memref<200xf32, #tpu.memory_space<hbm>>
      %dma_wait3A_364 = arith.constant 400 : i32
      %dma_wait3A_365 = tpu.memref_slice %arg6[%dma_wait3A_364] : memref<12800xf32, #tpu.memory_space<vmem>> -> memref<200xf32, #tpu.memory_space<vmem>>
      %dma_wait3A_366 = tpu.memref_slice %arg3[%multiple_of3A] : memref<25800xf32, #tpu.memory_space<hbm>> -> memref<200xf32, #tpu.memory_space<hbm>>
      tpu.wait_dma2 semaphore(%run_scoped3A : memref<!tpu.dma_semaphore, #tpu.memory_space<semaphore_mem>>) src(%dma_wait3A_366 : memref<200xf32, #tpu.memory_space<hbm>>) dst(%dma_wait3A_365 : memref<200xf32, #tpu.memory_space<vmem>>)
      tpu.yield
    }) : () -> ()
    "tpu.region"() ({
      %run_scoped3A = tpu.sem_alloc : memref<!tpu.dma_semaphore, #tpu.memory_space<semaphore_mem>>
      %dma_start3A = arith.constant 600 : i32
      %dma_start3A_357 = tpu.memref_slice %arg6[%dma_start3A] : memref<12800xf32, #tpu.memory_space<vmem>> -> memref<200xf32, #tpu.memory_space<vmem>>
      %dma_start3A_358 = tpu.memref_slice %arg3[%multiple_of3A] : memref<25800xf32, #tpu.memory_space<hbm>> -> memref<200xf32, #tpu.memory_space<hbm>>
      %dma_start3A_359 = arith.constant 600 : i32
      %dma_start3A_360 = tpu.memref_slice %arg6[%dma_start3A_359] : memref<12800xf32, #tpu.memory_space<vmem>> -> memref<200xf32, #tpu.memory_space<vmem>>
      %dma_start3A_361 = tpu.memref_slice %arg3[%multiple_of3A] : memref<25800xf32, #tpu.memory_space<hbm>> -> memref<200xf32, #tpu.memory_space<hbm>>
      tpu.enqueue_dma source(%dma_start3A_361 : memref<200xf32, #tpu.memory_space<hbm>>) target(%dma_start3A_360 : memref<200xf32, #tpu.memory_space<vmem>>) target_semaphore(%run_scoped3A : memref<!tpu.dma_semaphore, #tpu.memory_space<semaphore_mem>>)
      %dma_wait3A = arith.constant 600 : i32
      %dma_wait3A_362 = tpu.memref_slice %arg6[%dma_wait3A] : memref<12800xf32, #tpu.memory_space<vmem>> -> memref<200xf32, #tpu.memory_space<vmem>>
      %dma_wait3A_363 = tpu.memref_slice %arg3[%multiple_of3A] : memref<25800xf32, #tpu.memory_space<hbm>> -> memref<200xf32, #tpu.memory_space<hbm>>
      %dma_wait3A_364 = arith.constant 600 : i32
      %dma_wait3A_365 = tpu.memref_slice %arg6[%dma_wait3A_364] : memref<12800xf32, #tpu.memory_space<vmem>> -> memref<200xf32, #tpu.memory_space<vmem>>
      %dma_wait3A_366 = tpu.memref_slice %arg3[%multiple_of3A] : memref<25800xf32, #tpu.memory_space<hbm>> -> memref<200xf32, #tpu.memory_space<hbm>>
      tpu.wait_dma2 semaphore(%run_scoped3A : memref<!tpu.dma_semaphore, #tpu.memory_space<semaphore_mem>>) src(%dma_wait3A_366 : memref<200xf32, #tpu.memory_space<hbm>>) dst(%dma_wait3A_365 : memref<200xf32, #tpu.memory_space<vmem>>)
      tpu.yield
    }) : () -> ()
    "tpu.region"() ({
      %run_scoped3A = tpu.sem_alloc : memref<!tpu.dma_semaphore, #tpu.memory_space<semaphore_mem>>
      %dma_start3A = arith.constant 800 : i32
      %dma_start3A_357 = tpu.memref_slice %arg6[%dma_start3A] : memref<12800xf32, #tpu.memory_space<vmem>> -> memref<200xf32, #tpu.memory_space<vmem>>
      %dma_start3A_358 = tpu.memref_slice %arg3[%multiple_of3A] : memref<25800xf32, #tpu.memory_space<hbm>> -> memref<200xf32, #tpu.memory_space<hbm>>
      %dma_start3A_359 = arith.constant 800 : i32
      %dma_start3A_360 = tpu.memref_slice %arg6[%dma_start3A_359] : memref<12800xf32, #tpu.memory_space<vmem>> -> memref<200xf32, #tpu.memory_space<vmem>>
      %dma_start3A_361 = tpu.memref_slice %arg3[%multiple_of3A] : memref<25800xf32, #tpu.memory_space<hbm>> -> memref<200xf32, #tpu.memory_space<hbm>>
      tpu.enqueue_dma source(%dma_start3A_361 : memref<200xf32, #tpu.memory_space<hbm>>) target(%dma_start3A_360 : memref<200xf32, #tpu.memory_space<vmem>>) target_semaphore(%run_scoped3A : memref<!tpu.dma_semaphore, #tpu.memory_space<semaphore_mem>>)
      %dma_wait3A = arith.constant 800 : i32
      %dma_wait3A_362 = tpu.memref_slice %arg6[%dma_wait3A] : memref<12800xf32, #tpu.memory_space<vmem>> -> memref<200xf32, #tpu.memory_space<vmem>>
      %dma_wait3A_363 = tpu.memref_slice %arg3[%multiple_of3A] : memref<25800xf32, #tpu.memory_space<hbm>> -> memref<200xf32, #tpu.memory_space<hbm>>
      %dma_wait3A_364 = arith.constant 800 : i32
      %dma_wait3A_365 = tpu.memref_slice %arg6[%dma_wait3A_364] : memref<12800xf32, #tpu.memory_space<vmem>> -> memref<200xf32, #tpu.memory_space<vmem>>
      %dma_wait3A_366 = tpu.memref_slice %arg3[%multiple_of3A] : memref<25800xf32, #tpu.memory_space<hbm>> -> memref<200xf32, #tpu.memory_space<hbm>>
      tpu.wait_dma2 semaphore(%run_scoped3A : memref<!tpu.dma_semaphore, #tpu.memory_space<semaphore_mem>>) src(%dma_wait3A_366 : memref<200xf32, #tpu.memory_space<hbm>>) dst(%dma_wait3A_365 : memref<200xf32, #tpu.memory_space<vmem>>)
      tpu.yield
    }) : () -> ()
    "tpu.region"() ({
      %run_scoped3A = tpu.sem_alloc : memref<!tpu.dma_semaphore, #tpu.memory_space<semaphore_mem>>
      %dma_start3A = arith.constant 1000 : i32
      %dma_start3A_357 = tpu.memref_slice %arg6[%dma_start3A] : memref<12800xf32, #tpu.memory_space<vmem>> -> memref<200xf32, #tpu.memory_space<vmem>>
      %dma_start3A_358 = tpu.memref_slice %arg3[%multiple_of3A] : memref<25800xf32, #tpu.memory_space<hbm>> -> memref<200xf32, #tpu.memory_space<hbm>>
      %dma_start3A_359 = arith.constant 1000 : i32
      %dma_start3A_360 = tpu.memref_slice %arg6[%dma_start3A_359] : memref<12800xf32, #tpu.memory_space<vmem>> -> memref<200xf32, #tpu.memory_space<vmem>>
      %dma_start3A_361 = tpu.memref_slice %arg3[%multiple_of3A] : memref<25800xf32, #tpu.memory_space<hbm>> -> memref<200xf32, #tpu.memory_space<hbm>>
      tpu.enqueue_dma source(%dma_start3A_361 : memref<200xf32, #tpu.memory_space<hbm>>) target(%dma_start3A_360 : memref<200xf32, #tpu.memory_space<vmem>>) target_semaphore(%run_scoped3A : memref<!tpu.dma_semaphore, #tpu.memory_space<semaphore_mem>>)
      %dma_wait3A = arith.constant 1000 : i32
      %dma_wait3A_362 = tpu.memref_slice %arg6[%dma_wait3A] : memref<12800xf32, #tpu.memory_space<vmem>> -> memref<200xf32, #tpu.memory_space<vmem>>
      %dma_wait3A_363 = tpu.memref_slice %arg3[%multiple_of3A] : memref<25800xf32, #tpu.memory_space<hbm>> -> memref<200xf32, #tpu.memory_space<hbm>>
      %dma_wait3A_364 = arith.constant 1000 : i32
      %dma_wait3A_365 = tpu.memref_slice %arg6[%dma_wait3A_364] : memref<12800xf32, #tpu.memory_space<vmem>> -> memref<200xf32, #tpu.memory_space<vmem>>
      %dma_wait3A_366 = tpu.memref_slice %arg3[%multiple_of3A] : memref<25800xf32, #tpu.memory_space<hbm>> -> memref<200xf32, #tpu.memory_space<hbm>>
      tpu.wait_dma2 semaphore(%run_scoped3A : memref<!tpu.dma_semaphore, #tpu.memory_space<semaphore_mem>>) src(%dma_wait3A_366 : memref<200xf32, #tpu.memory_space<hbm>>) dst(%dma_wait3A_365 : memref<200xf32, #tpu.memory_space<vmem>>)
      tpu.yield
    }) : () -> ()
    "tpu.region"() ({
      %run_scoped3A = tpu.sem_alloc : memref<!tpu.dma_semaphore, #tpu.memory_space<semaphore_mem>>
      %dma_start3A = arith.constant 1200 : i32
      %dma_start3A_357 = tpu.memref_slice %arg6[%dma_start3A] : memref<12800xf32, #tpu.memory_space<vmem>> -> memref<200xf32, #tpu.memory_space<vmem>>
      %dma_start3A_358 = tpu.memref_slice %arg3[%multiple_of3A] : memref<25800xf32, #tpu.memory_space<hbm>> -> memref<200xf32, #tpu.memory_space<hbm>>
      %dma_start3A_359 = arith.constant 1200 : i32
      %dma_start3A_360 = tpu.memref_slice %arg6[%dma_start3A_359] : memref<12800xf32, #tpu.memory_space<vmem>> -> memref<200xf32, #tpu.memory_space<vmem>>
      %dma_start3A_361 = tpu.memref_slice %arg3[%multiple_of3A] : memref<25800xf32, #tpu.memory_space<hbm>> -> memref<200xf32, #tpu.memory_space<hbm>>
      tpu.enqueue_dma source(%dma_start3A_361 : memref<200xf32, #tpu.memory_space<hbm>>) target(%dma_start3A_360 : memref<200xf32, #tpu.memory_space<vmem>>) target_semaphore(%run_scoped3A : memref<!tpu.dma_semaphore, #tpu.memory_space<semaphore_mem>>)
      %dma_wait3A = arith.constant 1200 : i32
      %dma_wait3A_362 = tpu.memref_slice %arg6[%dma_wait3A] : memref<12800xf32, #tpu.memory_space<vmem>> -> memref<200xf32, #tpu.memory_space<vmem>>
      %dma_wait3A_363 = tpu.memref_slice %arg3[%multiple_of3A] : memref<25800xf32, #tpu.memory_space<hbm>> -> memref<200xf32, #tpu.memory_space<hbm>>
      %dma_wait3A_364 = arith.constant 1200 : i32
      %dma_wait3A_365 = tpu.memref_slice %arg6[%dma_wait3A_364] : memref<12800xf32, #tpu.memory_space<vmem>> -> memref<200xf32, #tpu.memory_space<vmem>>
      %dma_wait3A_366 = tpu.memref_slice %arg3[%multiple_of3A] : memref<25800xf32, #tpu.memory_space<hbm>> -> memref<200xf32, #tpu.memory_space<hbm>>
      tpu.wait_dma2 semaphore(%run_scoped3A : memref<!tpu.dma_semaphore, #tpu.memory_space<semaphore_mem>>) src(%dma_wait3A_366 : memref<200xf32, #tpu.memory_space<hbm>>) dst(%dma_wait3A_365 : memref<200xf32, #tpu.memory_space<vmem>>)
      tpu.yield
    }) : () -> ()
    "tpu.region"() ({
      %run_scoped3A = tpu.sem_alloc : memref<!tpu.dma_semaphore, #tpu.memory_space<semaphore_mem>>
      %dma_start3A = arith.constant 1400 : i32
      %dma_start3A_357 = tpu.memref_slice %arg6[%dma_start3A] : memref<12800xf32, #tpu.memory_space<vmem>> -> memref<200xf32, #tpu.memory_space<vmem>>
      %dma_start3A_358 = tpu.memref_slice %arg3[%multiple_of3A] : memref<25800xf32, #tpu.memory_space<hbm>> -> memref<200xf32, #tpu.memory_space<hbm>>
      %dma_start3A_359 = arith.constant 1400 : i32
      %dma_start3A_360 = tpu.memref_slice %arg6[%dma_start3A_359] : memref<12800xf32, #tpu.memory_space<vmem>> -> memref<200xf32, #tpu.memory_space<vmem>>
      %dma_start3A_361 = tpu.memref_slice %arg3[%multiple_of3A] : memref<25800xf32, #tpu.memory_space<hbm>> -> memref<200xf32, #tpu.memory_space<hbm>>
      tpu.enqueue_dma source(%dma_start3A_361 : memref<200xf32, #tpu.memory_space<hbm>>) target(%dma_start3A_360 : memref<200xf32, #tpu.memory_space<vmem>>) target_semaphore(%run_scoped3A : memref<!tpu.dma_semaphore, #tpu.memory_space<semaphore_mem>>)
      %dma_wait3A = arith.constant 1400 : i32
      %dma_wait3A_362 = tpu.memref_slice %arg6[%dma_wait3A] : memref<12800xf32, #tpu.memory_space<vmem>> -> memref<200xf32, #tpu.memory_space<vmem>>
      %dma_wait3A_363 = tpu.memref_slice %arg3[%multiple_of3A] : memref<25800xf32, #tpu.memory_space<hbm>> -> memref<200xf32, #tpu.memory_space<hbm>>
      %dma_wait3A_364 = arith.constant 1400 : i32
      %dma_wait3A_365 = tpu.memref_slice %arg6[%dma_wait3A_364] : memref<12800xf32, #tpu.memory_space<vmem>> -> memref<200xf32, #tpu.memory_space<vmem>>
      %dma_wait3A_366 = tpu.memref_slice %arg3[%multiple_of3A] : memref<25800xf32, #tpu.memory_space<hbm>> -> memref<200xf32, #tpu.memory_space<hbm>>
      tpu.wait_dma2 semaphore(%run_scoped3A : memref<!tpu.dma_semaphore, #tpu.memory_space<semaphore_mem>>) src(%dma_wait3A_366 : memref<200xf32, #tpu.memory_space<hbm>>) dst(%dma_wait3A_365 : memref<200xf32, #tpu.memory_space<vmem>>)
      tpu.yield
    }) : () -> ()
    "tpu.region"() ({
      %run_scoped3A = tpu.sem_alloc : memref<!tpu.dma_semaphore, #tpu.memory_space<semaphore_mem>>
      %dma_start3A = arith.constant 1600 : i32
      %dma_start3A_357 = tpu.memref_slice %arg6[%dma_start3A] : memref<12800xf32, #tpu.memory_space<vmem>> -> memref<200xf32, #tpu.memory_space<vmem>>
      %dma_start3A_358 = tpu.memref_slice %arg3[%multiple_of3A] : memref<25800xf32, #tpu.memory_space<hbm>> -> memref<200xf32, #tpu.memory_space<hbm>>
      %dma_start3A_359 = arith.constant 1600 : i32
      %dma_start3A_360 = tpu.memref_slice %arg6[%dma_start3A_359] : memref<12800xf32, #tpu.memory_space<vmem>> -> memref<200xf32, #tpu.memory_space<vmem>>
      %dma_start3A_361 = tpu.memref_slice %arg3[%multiple_of3A] : memref<25800xf32, #tpu.memory_space<hbm>> -> memref<200xf32, #tpu.memory_space<hbm>>
      tpu.enqueue_dma source(%dma_start3A_361 : memref<200xf32, #tpu.memory_space<hbm>>) target(%dma_start3A_360 : memref<200xf32, #tpu.memory_space<vmem>>) target_semaphore(%run_scoped3A : memref<!tpu.dma_semaphore, #tpu.memory_space<semaphore_mem>>)
      %dma_wait3A = arith.constant 1600 : i32
      %dma_wait3A_362 = tpu.memref_slice %arg6[%dma_wait3A] : memref<12800xf32, #tpu.memory_space<vmem>> -> memref<200xf32, #tpu.memory_space<vmem>>
      %dma_wait3A_363 = tpu.memref_slice %arg3[%multiple_of3A] : memref<25800xf32, #tpu.memory_space<hbm>> -> memref<200xf32, #tpu.memory_space<hbm>>
      %dma_wait3A_364 = arith.constant 1600 : i32
      %dma_wait3A_365 = tpu.memref_slice %arg6[%dma_wait3A_364] : memref<12800xf32, #tpu.memory_space<vmem>> -> memref<200xf32, #tpu.memory_space<vmem>>
      %dma_wait3A_366 = tpu.memref_slice %arg3[%multiple_of3A] : memref<25800xf32, #tpu.memory_space<hbm>> -> memref<200xf32, #tpu.memory_space<hbm>>
      tpu.wait_dma2 semaphore(%run_scoped3A : memref<!tpu.dma_semaphore, #tpu.memory_space<semaphore_mem>>) src(%dma_wait3A_366 : memref<200xf32, #tpu.memory_space<hbm>>) dst(%dma_wait3A_365 : memref<200xf32, #tpu.memory_space<vmem>>)
      tpu.yield
    }) : () -> ()
    "tpu.region"() ({
      %run_scoped3A = tpu.sem_alloc : memref<!tpu.dma_semaphore, #tpu.memory_space<semaphore_mem>>
      %dma_start3A = arith.constant 1800 : i32
      %dma_start3A_357 = tpu.memref_slice %arg6[%dma_start3A] : memref<12800xf32, #tpu.memory_space<vmem>> -> memref<200xf32, #tpu.memory_space<vmem>>
      %dma_start3A_358 = tpu.memref_slice %arg3[%multiple_of3A] : memref<25800xf32, #tpu.memory_space<hbm>> -> memref<200xf32, #tpu.memory_space<hbm>>
      %dma_start3A_359 = arith.constant 1800 : i32
      %dma_start3A_360 = tpu.memref_slice %arg6[%dma_start3A_359] : memref<12800xf32, #tpu.memory_space<vmem>> -> memref<200xf32, #tpu.memory_space<vmem>>
      %dma_start3A_361 = tpu.memref_slice %arg3[%multiple_of3A] : memref<25800xf32, #tpu.memory_space<hbm>> -> memref<200xf32, #tpu.memory_space<hbm>>
      tpu.enqueue_dma source(%dma_start3A_361 : memref<200xf32, #tpu.memory_space<hbm>>) target(%dma_start3A_360 : memref<200xf32, #tpu.memory_space<vmem>>) target_semaphore(%run_scoped3A : memref<!tpu.dma_semaphore, #tpu.memory_space<semaphore_mem>>)
      %dma_wait3A = arith.constant 1800 : i32
      %dma_wait3A_362 = tpu.memref_slice %arg6[%dma_wait3A] : memref<12800xf32, #tpu.memory_space<vmem>> -> memref<200xf32, #tpu.memory_space<vmem>>
      %dma_wait3A_363 = tpu.memref_slice %arg3[%multiple_of3A] : memref<25800xf32, #tpu.memory_space<hbm>> -> memref<200xf32, #tpu.memory_space<hbm>>
      %dma_wait3A_364 = arith.constant 1800 : i32
      %dma_wait3A_365 = tpu.memref_slice %arg6[%dma_wait3A_364] : memref<12800xf32, #tpu.memory_space<vmem>> -> memref<200xf32, #tpu.memory_space<vmem>>
      %dma_wait3A_366 = tpu.memref_slice %arg3[%multiple_of3A] : memref<25800xf32, #tpu.memory_space<hbm>> -> memref<200xf32, #tpu.memory_space<hbm>>
      tpu.wait_dma2 semaphore(%run_scoped3A : memref<!tpu.dma_semaphore, #tpu.memory_space<semaphore_mem>>) src(%dma_wait3A_366 : memref<200xf32, #tpu.memory_space<hbm>>) dst(%dma_wait3A_365 : memref<200xf32, #tpu.memory_space<vmem>>)
      tpu.yield
    }) : () -> ()
    "tpu.region"() ({
      %run_scoped3A = tpu.sem_alloc : memref<!tpu.dma_semaphore, #tpu.memory_space<semaphore_mem>>
      %dma_start3A = arith.constant 2000 : i32
      %dma_start3A_357 = tpu.memref_slice %arg6[%dma_start3A] : memref<12800xf32, #tpu.memory_space<vmem>> -> memref<200xf32, #tpu.memory_space<vmem>>
      %dma_start3A_358 = tpu.memref_slice %arg3[%multiple_of3A] : memref<25800xf32, #tpu.memory_space<hbm>> -> memref<200xf32, #tpu.memory_space<hbm>>
      %dma_start3A_359 = arith.constant 2000 : i32
      %dma_start3A_360 = tpu.memref_slice %arg6[%dma_start3A_359] : memref<12800xf32, #tpu.memory_space<vmem>> -> memref<200xf32, #tpu.memory_space<vmem>>
      %dma_start3A_361 = tpu.memref_slice %arg3[%multiple_of3A] : memref<25800xf32, #tpu.memory_space<hbm>> -> memref<200xf32, #tpu.memory_space<hbm>>
      tpu.enqueue_dma source(%dma_start3A_361 : memref<200xf32, #tpu.memory_space<hbm>>) target(%dma_start3A_360 : memref<200xf32, #tpu.memory_space<vmem>>) target_semaphore(%run_scoped3A : memref<!tpu.dma_semaphore, #tpu.memory_space<semaphore_mem>>)
      %dma_wait3A = arith.constant 2000 : i32
      %dma_wait3A_362 = tpu.memref_slice %arg6[%dma_wait3A] : memref<12800xf32, #tpu.memory_space<vmem>> -> memref<200xf32, #tpu.memory_space<vmem>>
      %dma_wait3A_363 = tpu.memref_slice %arg3[%multiple_of3A] : memref<25800xf32, #tpu.memory_space<hbm>> -> memref<200xf32, #tpu.memory_space<hbm>>
      %dma_wait3A_364 = arith.constant 2000 : i32
      %dma_wait3A_365 = tpu.memref_slice %arg6[%dma_wait3A_364] : memref<12800xf32, #tpu.memory_space<vmem>> -> memref<200xf32, #tpu.memory_space<vmem>>
      %dma_wait3A_366 = tpu.memref_slice %arg3[%multiple_of3A] : memref<25800xf32, #tpu.memory_space<hbm>> -> memref<200xf32, #tpu.memory_space<hbm>>
      tpu.wait_dma2 semaphore(%run_scoped3A : memref<!tpu.dma_semaphore, #tpu.memory_space<semaphore_mem>>) src(%dma_wait3A_366 : memref<200xf32, #tpu.memory_space<hbm>>) dst(%dma_wait3A_365 : memref<200xf32, #tpu.memory_space<vmem>>)
      tpu.yield
    }) : () -> ()
    "tpu.region"() ({
      %run_scoped3A = tpu.sem_alloc : memref<!tpu.dma_semaphore, #tpu.memory_space<semaphore_mem>>
      %dma_start3A = arith.constant 2200 : i32
      %dma_start3A_357 = tpu.memref_slice %arg6[%dma_start3A] : memref<12800xf32, #tpu.memory_space<vmem>> -> memref<200xf32, #tpu.memory_space<vmem>>
      %dma_start3A_358 = tpu.memref_slice %arg3[%multiple_of3A] : memref<25800xf32, #tpu.memory_space<hbm>> -> memref<200xf32, #tpu.memory_space<hbm>>
      %dma_start3A_359 = arith.constant 2200 : i32
      %dma_start3A_360 = tpu.memref_slice %arg6[%dma_start3A_359] : memref<12800xf32, #tpu.memory_space<vmem>> -> memref<200xf32, #tpu.memory_space<vmem>>
      %dma_start3A_361 = tpu.memref_slice %arg3[%multiple_of3A] : memref<25800xf32, #tpu.memory_space<hbm>> -> memref<200xf32, #tpu.memory_space<hbm>>
      tpu.enqueue_dma source(%dma_start3A_361 : memref<200xf32, #tpu.memory_space<hbm>>) target(%dma_start3A_360 : memref<200xf32, #tpu.memory_space<vmem>>) target_semaphore(%run_scoped3A : memref<!tpu.dma_semaphore, #tpu.memory_space<semaphore_mem>>)
      %dma_wait3A = arith.constant 2200 : i32
      %dma_wait3A_362 = tpu.memref_slice %arg6[%dma_wait3A] : memref<12800xf32, #tpu.memory_space<vmem>> -> memref<200xf32, #tpu.memory_space<vmem>>
      %dma_wait3A_363 = tpu.memref_slice %arg3[%multiple_of3A] : memref<25800xf32, #tpu.memory_space<hbm>> -> memref<200xf32, #tpu.memory_space<hbm>>
      %dma_wait3A_364 = arith.constant 2200 : i32
      %dma_wait3A_365 = tpu.memref_slice %arg6[%dma_wait3A_364] : memref<12800xf32, #tpu.memory_space<vmem>> -> memref<200xf32, #tpu.memory_space<vmem>>
      %dma_wait3A_366 = tpu.memref_slice %arg3[%multiple_of3A] : memref<25800xf32, #tpu.memory_space<hbm>> -> memref<200xf32, #tpu.memory_space<hbm>>
      tpu.wait_dma2 semaphore(%run_scoped3A : memref<!tpu.dma_semaphore, #tpu.memory_space<semaphore_mem>>) src(%dma_wait3A_366 : memref<200xf32, #tpu.memory_space<hbm>>) dst(%dma_wait3A_365 : memref<200xf32, #tpu.memory_space<vmem>>)
      tpu.yield
    }) : () -> ()
    "tpu.region"() ({
      %run_scoped3A = tpu.sem_alloc : memref<!tpu.dma_semaphore, #tpu.memory_space<semaphore_mem>>
      %dma_start3A = arith.constant 2400 : i32
      %dma_start3A_357 = tpu.memref_slice %arg6[%dma_start3A] : memref<12800xf32, #tpu.memory_space<vmem>> -> memref<200xf32, #tpu.memory_space<vmem>>
      %dma_start3A_358 = tpu.memref_slice %arg3[%multiple_of3A] : memref<25800xf32, #tpu.memory_space<hbm>> -> memref<200xf32, #tpu.memory_space<hbm>>
      %dma_start3A_359 = arith.constant 2400 : i32
      %dma_start3A_360 = tpu.memref_slice %arg6[%dma_start3A_359] : memref<12800xf32, #tpu.memory_space<vmem>> -> memref<200xf32, #tpu.memory_space<vmem>>
      %dma_start3A_361 = tpu.memref_slice %arg3[%multiple_of3A] : memref<25800xf32, #tpu.memory_space<hbm>> -> memref<200xf32, #tpu.memory_space<hbm>>
      tpu.enqueue_dma source(%dma_start3A_361 : memref<200xf32, #tpu.memory_space<hbm>>) target(%dma_start3A_360 : memref<200xf32, #tpu.memory_space<vmem>>) target_semaphore(%run_scoped3A : memref<!tpu.dma_semaphore, #tpu.memory_space<semaphore_mem>>)
      %dma_wait3A = arith.constant 2400 : i32
      %dma_wait3A_362 = tpu.memref_slice %arg6[%dma_wait3A] : memref<12800xf32, #tpu.memory_space<vmem>> -> memref<200xf32, #tpu.memory_space<vmem>>
      %dma_wait3A_363 = tpu.memref_slice %arg3[%multiple_of3A] : memref<25800xf32, #tpu.memory_space<hbm>> -> memref<200xf32, #tpu.memory_space<hbm>>
      %dma_wait3A_364 = arith.constant 2400 : i32
      %dma_wait3A_365 = tpu.memref_slice %arg6[%dma_wait3A_364] : memref<12800xf32, #tpu.memory_space<vmem>> -> memref<200xf32, #tpu.memory_space<vmem>>
      %dma_wait3A_366 = tpu.memref_slice %arg3[%multiple_of3A] : memref<25800xf32, #tpu.memory_space<hbm>> -> memref<200xf32, #tpu.memory_space<hbm>>
      tpu.wait_dma2 semaphore(%run_scoped3A : memref<!tpu.dma_semaphore, #tpu.memory_space<semaphore_mem>>) src(%dma_wait3A_366 : memref<200xf32, #tpu.memory_space<hbm>>) dst(%dma_wait3A_365 : memref<200xf32, #tpu.memory_space<vmem>>)
      tpu.yield
    }) : () -> ()
    "tpu.region"() ({
      %run_scoped3A = tpu.sem_alloc : memref<!tpu.dma_semaphore, #tpu.memory_space<semaphore_mem>>
      %dma_start3A = arith.constant 2600 : i32
      %dma_start3A_357 = tpu.memref_slice %arg6[%dma_start3A] : memref<12800xf32, #tpu.memory_space<vmem>> -> memref<200xf32, #tpu.memory_space<vmem>>
      %dma_start3A_358 = tpu.memref_slice %arg3[%multiple_of3A] : memref<25800xf32, #tpu.memory_space<hbm>> -> memref<200xf32, #tpu.memory_space<hbm>>
      %dma_start3A_359 = arith.constant 2600 : i32
      %dma_start3A_360 = tpu.memref_slice %arg6[%dma_start3A_359] : memref<12800xf32, #tpu.memory_space<vmem>> -> memref<200xf32, #tpu.memory_space<vmem>>
      %dma_start3A_361 = tpu.memref_slice %arg3[%multiple_of3A] : memref<25800xf32, #tpu.memory_space<hbm>> -> memref<200xf32, #tpu.memory_space<hbm>>
      tpu.enqueue_dma source(%dma_start3A_361 : memref<200xf32, #tpu.memory_space<hbm>>) target(%dma_start3A_360 : memref<200xf32, #tpu.memory_space<vmem>>) target_semaphore(%run_scoped3A : memref<!tpu.dma_semaphore, #tpu.memory_space<semaphore_mem>>)
      %dma_wait3A = arith.constant 2600 : i32
      %dma_wait3A_362 = tpu.memref_slice %arg6[%dma_wait3A] : memref<12800xf32, #tpu.memory_space<vmem>> -> memref<200xf32, #tpu.memory_space<vmem>>
      %dma_wait3A_363 = tpu.memref_slice %arg3[%multiple_of3A] : memref<25800xf32, #tpu.memory_space<hbm>> -> memref<200xf32, #tpu.memory_space<hbm>>
      %dma_wait3A_364 = arith.constant 2600 : i32
      %dma_wait3A_365 = tpu.memref_slice %arg6[%dma_wait3A_364] : memref<12800xf32, #tpu.memory_space<vmem>> -> memref<200xf32, #tpu.memory_space<vmem>>
      %dma_wait3A_366 = tpu.memref_slice %arg3[%multiple_of3A] : memref<25800xf32, #tpu.memory_space<hbm>> -> memref<200xf32, #tpu.memory_space<hbm>>
      tpu.wait_dma2 semaphore(%run_scoped3A : memref<!tpu.dma_semaphore, #tpu.memory_space<semaphore_mem>>) src(%dma_wait3A_366 : memref<200xf32, #tpu.memory_space<hbm>>) dst(%dma_wait3A_365 : memref<200xf32, #tpu.memory_space<vmem>>)
      tpu.yield
    }) : () -> ()
    "tpu.region"() ({
      %run_scoped3A = tpu.sem_alloc : memref<!tpu.dma_semaphore, #tpu.memory_space<semaphore_mem>>
      %dma_start3A = arith.constant 2800 : i32
      %dma_start3A_357 = tpu.memref_slice %arg6[%dma_start3A] : memref<12800xf32, #tpu.memory_space<vmem>> -> memref<200xf32, #tpu.memory_space<vmem>>
      %dma_start3A_358 = tpu.memref_slice %arg3[%multiple_of3A] : memref<25800xf32, #tpu.memory_space<hbm>> -> memref<200xf32, #tpu.memory_space<hbm>>
      %dma_start3A_359 = arith.constant 2800 : i32
      %dma_start3A_360 = tpu.memref_slice %arg6[%dma_start3A_359] : memref<12800xf32, #tpu.memory_space<vmem>> -> memref<200xf32, #tpu.memory_space<vmem>>
      %dma_start3A_361 = tpu.memref_slice %arg3[%multiple_of3A] : memref<25800xf32, #tpu.memory_space<hbm>> -> memref<200xf32, #tpu.memory_space<hbm>>
      tpu.enqueue_dma source(%dma_start3A_361 : memref<200xf32, #tpu.memory_space<hbm>>) target(%dma_start3A_360 : memref<200xf32, #tpu.memory_space<vmem>>) target_semaphore(%run_scoped3A : memref<!tpu.dma_semaphore, #tpu.memory_space<semaphore_mem>>)
      %dma_wait3A = arith.constant 2800 : i32
      %dma_wait3A_362 = tpu.memref_slice %arg6[%dma_wait3A] : memref<12800xf32, #tpu.memory_space<vmem>> -> memref<200xf32, #tpu.memory_space<vmem>>
      %dma_wait3A_363 = tpu.memref_slice %arg3[%multiple_of3A] : memref<25800xf32, #tpu.memory_space<hbm>> -> memref<200xf32, #tpu.memory_space<hbm>>
      %dma_wait3A_364 = arith.constant 2800 : i32
      %dma_wait3A_365 = tpu.memref_slice %arg6[%dma_wait3A_364] : memref<12800xf32, #tpu.memory_space<vmem>> -> memref<200xf32, #tpu.memory_space<vmem>>
      %dma_wait3A_366 = tpu.memref_slice %arg3[%multiple_of3A] : memref<25800xf32, #tpu.memory_space<hbm>> -> memref<200xf32, #tpu.memory_space<hbm>>
      tpu.wait_dma2 semaphore(%run_scoped3A : memref<!tpu.dma_semaphore, #tpu.memory_space<semaphore_mem>>) src(%dma_wait3A_366 : memref<200xf32, #tpu.memory_space<hbm>>) dst(%dma_wait3A_365 : memref<200xf32, #tpu.memory_space<vmem>>)
      tpu.yield
    }) : () -> ()
    "tpu.region"() ({
      %run_scoped3A = tpu.sem_alloc : memref<!tpu.dma_semaphore, #tpu.memory_space<semaphore_mem>>
      %dma_start3A = arith.constant 3000 : i32
      %dma_start3A_357 = tpu.memref_slice %arg6[%dma_start3A] : memref<12800xf32, #tpu.memory_space<vmem>> -> memref<200xf32, #tpu.memory_space<vmem>>
      %dma_start3A_358 = tpu.memref_slice %arg3[%multiple_of3A] : memref<25800xf32, #tpu.memory_space<hbm>> -> memref<200xf32, #tpu.memory_space<hbm>>
      %dma_start3A_359 = arith.constant 3000 : i32
      %dma_start3A_360 = tpu.memref_slice %arg6[%dma_start3A_359] : memref<12800xf32, #tpu.memory_space<vmem>> -> memref<200xf32, #tpu.memory_space<vmem>>
      %dma_start3A_361 = tpu.memref_slice %arg3[%multiple_of3A] : memref<25800xf32, #tpu.memory_space<hbm>> -> memref<200xf32, #tpu.memory_space<hbm>>
      tpu.enqueue_dma source(%dma_start3A_361 : memref<200xf32, #tpu.memory_space<hbm>>) target(%dma_start3A_360 : memref<200xf32, #tpu.memory_space<vmem>>) target_semaphore(%run_scoped3A : memref<!tpu.dma_semaphore, #tpu.memory_space<semaphore_mem>>)
      %dma_wait3A = arith.constant 3000 : i32
      %dma_wait3A_362 = tpu.memref_slice %arg6[%dma_wait3A] : memref<12800xf32, #tpu.memory_space<vmem>> -> memref<200xf32, #tpu.memory_space<vmem>>
      %dma_wait3A_363 = tpu.memref_slice %arg3[%multiple_of3A] : memref<25800xf32, #tpu.memory_space<hbm>> -> memref<200xf32, #tpu.memory_space<hbm>>
      %dma_wait3A_364 = arith.constant 3000 : i32
      %dma_wait3A_365 = tpu.memref_slice %arg6[%dma_wait3A_364] : memref<12800xf32, #tpu.memory_space<vmem>> -> memref<200xf32, #tpu.memory_space<vmem>>
      %dma_wait3A_366 = tpu.memref_slice %arg3[%multiple_of3A] : memref<25800xf32, #tpu.memory_space<hbm>> -> memref<200xf32, #tpu.memory_space<hbm>>
      tpu.wait_dma2 semaphore(%run_scoped3A : memref<!tpu.dma_semaphore, #tpu.memory_space<semaphore_mem>>) src(%dma_wait3A_366 : memref<200xf32, #tpu.memory_space<hbm>>) dst(%dma_wait3A_365 : memref<200xf32, #tpu.memory_space<vmem>>)
      tpu.yield
    }) : () -> ()
    %mul3A_9 = arith.constant 4 : i32
    %mul3A_10 = arith.muli %add3A, %mul3A_9 : i32
    %add3A_11 = arith.constant 1 : i32
    %add3A_12 = arith.addi %add3A_11, %mul3A_10 : i32
    %add3A_13 = arith.constant 1 : i32
    %add3A_14 = arith.addi %add3A_12, %add3A_13 : i32
    %mul3A_15 = arith.constant 200 : i32
    %mul3A_16 = arith.muli %add3A_14, %mul3A_15 : i32
    %multiple_of3A_17 = tpu.assume_multiple %mul3A_16, 8 : i32
    "tpu.region"() ({
      %run_scoped3A = tpu.sem_alloc : memref<!tpu.dma_semaphore, #tpu.memory_space<semaphore_mem>>
      %dma_start3A = arith.constant 3200 : i32
      %dma_start3A_357 = tpu.memref_slice %arg6[%dma_start3A] : memref<12800xf32, #tpu.memory_space<vmem>> -> memref<200xf32, #tpu.memory_space<vmem>>
      %dma_start3A_358 = tpu.memref_slice %arg3[%multiple_of3A_17] : memref<25800xf32, #tpu.memory_space<hbm>> -> memref<200xf32, #tpu.memory_space<hbm>>
      %dma_start3A_359 = arith.constant 3200 : i32
      %dma_start3A_360 = tpu.memref_slice %arg6[%dma_start3A_359] : memref<12800xf32, #tpu.memory_space<vmem>> -> memref<200xf32, #tpu.memory_space<vmem>>
      %dma_start3A_361 = tpu.memref_slice %arg3[%multiple_of3A_17] : memref<25800xf32, #tpu.memory_space<hbm>> -> memref<200xf32, #tpu.memory_space<hbm>>
      tpu.enqueue_dma source(%dma_start3A_361 : memref<200xf32, #tpu.memory_space<hbm>>) target(%dma_start3A_360 : memref<200xf32, #tpu.memory_space<vmem>>) target_semaphore(%run_scoped3A : memref<!tpu.dma_semaphore, #tpu.memory_space<semaphore_mem>>)
      %dma_wait3A = arith.constant 3200 : i32
      %dma_wait3A_362 = tpu.memref_slice %arg6[%dma_wait3A] : memref<12800xf32, #tpu.memory_space<vmem>> -> memref<200xf32, #tpu.memory_space<vmem>>
      %dma_wait3A_363 = tpu.memref_slice %arg3[%multiple_of3A_17] : memref<25800xf32, #tpu.memory_space<hbm>> -> memref<200xf32, #tpu.memory_space<hbm>>
      %dma_wait3A_364 = arith.constant 3200 : i32
      %dma_wait3A_365 = tpu.memref_slice %arg6[%dma_wait3A_364] : memref<12800xf32, #tpu.memory_space<vmem>> -> memref<200xf32, #tpu.memory_space<vmem>>
      %dma_wait3A_366 = tpu.memref_slice %arg3[%multiple_of3A_17] : memref<25800xf32, #tpu.memory_space<hbm>> -> memref<200xf32, #tpu.memory_space<hbm>>
      tpu.wait_dma2 semaphore(%run_scoped3A : memref<!tpu.dma_semaphore, #tpu.memory_space<semaphore_mem>>) src(%dma_wait3A_366 : memref<200xf32, #tpu.memory_space<hbm>>) dst(%dma_wait3A_365 : memref<200xf32, #tpu.memory_space<vmem>>)
      tpu.yield
    }) : () -> ()
    "tpu.region"() ({
      %run_scoped3A = tpu.sem_alloc : memref<!tpu.dma_semaphore, #tpu.memory_space<semaphore_mem>>
      %dma_start3A = arith.constant 3400 : i32
      %dma_start3A_357 = tpu.memref_slice %arg6[%dma_start3A] : memref<12800xf32, #tpu.memory_space<vmem>> -> memref<200xf32, #tpu.memory_space<vmem>>
      %dma_start3A_358 = tpu.memref_slice %arg3[%multiple_of3A_17] : memref<25800xf32, #tpu.memory_space<hbm>> -> memref<200xf32, #tpu.memory_space<hbm>>
      %dma_start3A_359 = arith.constant 3400 : i32
      %dma_start3A_360 = tpu.memref_slice %arg6[%dma_start3A_359] : memref<12800xf32, #tpu.memory_space<vmem>> -> memref<200xf32, #tpu.memory_space<vmem>>
      %dma_start3A_361 = tpu.memref_slice %arg3[%multiple_of3A_17] : memref<25800xf32, #tpu.memory_space<hbm>> -> memref<200xf32, #tpu.memory_space<hbm>>
      tpu.enqueue_dma source(%dma_start3A_361 : memref<200xf32, #tpu.memory_space<hbm>>) target(%dma_start3A_360 : memref<200xf32, #tpu.memory_space<vmem>>) target_semaphore(%run_scoped3A : memref<!tpu.dma_semaphore, #tpu.memory_space<semaphore_mem>>)
      %dma_wait3A = arith.constant 3400 : i32
      %dma_wait3A_362 = tpu.memref_slice %arg6[%dma_wait3A] : memref<12800xf32, #tpu.memory_space<vmem>> -> memref<200xf32, #tpu.memory_space<vmem>>
      %dma_wait3A_363 = tpu.memref_slice %arg3[%multiple_of3A_17] : memref<25800xf32, #tpu.memory_space<hbm>> -> memref<200xf32, #tpu.memory_space<hbm>>
      %dma_wait3A_364 = arith.constant 3400 : i32
      %dma_wait3A_365 = tpu.memref_slice %arg6[%dma_wait3A_364] : memref<12800xf32, #tpu.memory_space<vmem>> -> memref<200xf32, #tpu.memory_space<vmem>>
      %dma_wait3A_366 = tpu.memref_slice %arg3[%multiple_of3A_17] : memref<25800xf32, #tpu.memory_space<hbm>> -> memref<200xf32, #tpu.memory_space<hbm>>
      tpu.wait_dma2 semaphore(%run_scoped3A : memref<!tpu.dma_semaphore, #tpu.memory_space<semaphore_mem>>) src(%dma_wait3A_366 : memref<200xf32, #tpu.memory_space<hbm>>) dst(%dma_wait3A_365 : memref<200xf32, #tpu.memory_space<vmem>>)
      tpu.yield
    }) : () -> ()
    "tpu.region"() ({
      %run_scoped3A = tpu.sem_alloc : memref<!tpu.dma_semaphore, #tpu.memory_space<semaphore_mem>>
      %dma_start3A = arith.constant 3600 : i32
      %dma_start3A_357 = tpu.memref_slice %arg6[%dma_start3A] : memref<12800xf32, #tpu.memory_space<vmem>> -> memref<200xf32, #tpu.memory_space<vmem>>
      %dma_start3A_358 = tpu.memref_slice %arg3[%multiple_of3A_17] : memref<25800xf32, #tpu.memory_space<hbm>> -> memref<200xf32, #tpu.memory_space<hbm>>
      %dma_start3A_359 = arith.constant 3600 : i32
      %dma_start3A_360 = tpu.memref_slice %arg6[%dma_start3A_359] : memref<12800xf32, #tpu.memory_space<vmem>> -> memref<200xf32, #tpu.memory_space<vmem>>
      %dma_start3A_361 = tpu.memref_slice %arg3[%multiple_of3A_17] : memref<25800xf32, #tpu.memory_space<hbm>> -> memref<200xf32, #tpu.memory_space<hbm>>
      tpu.enqueue_dma source(%dma_start3A_361 : memref<200xf32, #tpu.memory_space<hbm>>) target(%dma_start3A_360 : memref<200xf32, #tpu.memory_space<vmem>>) target_semaphore(%run_scoped3A : memref<!tpu.dma_semaphore, #tpu.memory_space<semaphore_mem>>)
      %dma_wait3A = arith.constant 3600 : i32
      %dma_wait3A_362 = tpu.memref_slice %arg6[%dma_wait3A] : memref<12800xf32, #tpu.memory_space<vmem>> -> memref<200xf32, #tpu.memory_space<vmem>>
      %dma_wait3A_363 = tpu.memref_slice %arg3[%multiple_of3A_17] : memref<25800xf32, #tpu.memory_space<hbm>> -> memref<200xf32, #tpu.memory_space<hbm>>
      %dma_wait3A_364 = arith.constant 3600 : i32
      %dma_wait3A_365 = tpu.memref_slice %arg6[%dma_wait3A_364] : memref<12800xf32, #tpu.memory_space<vmem>> -> memref<200xf32, #tpu.memory_space<vmem>>
      %dma_wait3A_366 = tpu.memref_slice %arg3[%multiple_of3A_17] : memref<25800xf32, #tpu.memory_space<hbm>> -> memref<200xf32, #tpu.memory_space<hbm>>
      tpu.wait_dma2 semaphore(%run_scoped3A : memref<!tpu.dma_semaphore, #tpu.memory_space<semaphore_mem>>) src(%dma_wait3A_366 : memref<200xf32, #tpu.memory_space<hbm>>) dst(%dma_wait3A_365 : memref<200xf32, #tpu.memory_space<vmem>>)
      tpu.yield
    }) : () -> ()
    "tpu.region"() ({
      %run_scoped3A = tpu.sem_alloc : memref<!tpu.dma_semaphore, #tpu.memory_space<semaphore_mem>>
      %dma_start3A = arith.constant 3800 : i32
      %dma_start3A_357 = tpu.memref_slice %arg6[%dma_start3A] : memref<12800xf32, #tpu.memory_space<vmem>> -> memref<200xf32, #tpu.memory_space<vmem>>
      %dma_start3A_358 = tpu.memref_slice %arg3[%multiple_of3A_17] : memref<25800xf32, #tpu.memory_space<hbm>> -> memref<200xf32, #tpu.memory_space<hbm>>
      %dma_start3A_359 = arith.constant 3800 : i32
      %dma_start3A_360 = tpu.memref_slice %arg6[%dma_start3A_359] : memref<12800xf32, #tpu.memory_space<vmem>> -> memref<200xf32, #tpu.memory_space<vmem>>
      %dma_start3A_361 = tpu.memref_slice %arg3[%multiple_of3A_17] : memref<25800xf32, #tpu.memory_space<hbm>> -> memref<200xf32, #tpu.memory_space<hbm>>
      tpu.enqueue_dma source(%dma_start3A_361 : memref<200xf32, #tpu.memory_space<hbm>>) target(%dma_start3A_360 : memref<200xf32, #tpu.memory_space<vmem>>) target_semaphore(%run_scoped3A : memref<!tpu.dma_semaphore, #tpu.memory_space<semaphore_mem>>)
      %dma_wait3A = arith.constant 3800 : i32
      %dma_wait3A_362 = tpu.memref_slice %arg6[%dma_wait3A] : memref<12800xf32, #tpu.memory_space<vmem>> -> memref<200xf32, #tpu.memory_space<vmem>>
      %dma_wait3A_363 = tpu.memref_slice %arg3[%multiple_of3A_17] : memref<25800xf32, #tpu.memory_space<hbm>> -> memref<200xf32, #tpu.memory_space<hbm>>
      %dma_wait3A_364 = arith.constant 3800 : i32
      %dma_wait3A_365 = tpu.memref_slice %arg6[%dma_wait3A_364] : memref<12800xf32, #tpu.memory_space<vmem>> -> memref<200xf32, #tpu.memory_space<vmem>>
      %dma_wait3A_366 = tpu.memref_slice %arg3[%multiple_of3A_17] : memref<25800xf32, #tpu.memory_space<hbm>> -> memref<200xf32, #tpu.memory_space<hbm>>
      tpu.wait_dma2 semaphore(%run_scoped3A : memref<!tpu.dma_semaphore, #tpu.memory_space<semaphore_mem>>) src(%dma_wait3A_366 : memref<200xf32, #tpu.memory_space<hbm>>) dst(%dma_wait3A_365 : memref<200xf32, #tpu.memory_space<vmem>>)
      tpu.yield
    }) : () -> ()
    "tpu.region"() ({
      %run_scoped3A = tpu.sem_alloc : memref<!tpu.dma_semaphore, #tpu.memory_space<semaphore_mem>>
      %dma_start3A = arith.constant 4000 : i32
      %dma_start3A_357 = tpu.memref_slice %arg6[%dma_start3A] : memref<12800xf32, #tpu.memory_space<vmem>> -> memref<200xf32, #tpu.memory_space<vmem>>
      %dma_start3A_358 = tpu.memref_slice %arg3[%multiple_of3A_17] : memref<25800xf32, #tpu.memory_space<hbm>> -> memref<200xf32, #tpu.memory_space<hbm>>
      %dma_start3A_359 = arith.constant 4000 : i32
      %dma_start3A_360 = tpu.memref_slice %arg6[%dma_start3A_359] : memref<12800xf32, #tpu.memory_space<vmem>> -> memref<200xf32, #tpu.memory_space<vmem>>
      %dma_start3A_361 = tpu.memref_slice %arg3[%multiple_of3A_17] : memref<25800xf32, #tpu.memory_space<hbm>> -> memref<200xf32, #tpu.memory_space<hbm>>
      tpu.enqueue_dma source(%dma_start3A_361 : memref<200xf32, #tpu.memory_space<hbm>>) target(%dma_start3A_360 : memref<200xf32, #tpu.memory_space<vmem>>) target_semaphore(%run_scoped3A : memref<!tpu.dma_semaphore, #tpu.memory_space<semaphore_mem>>)
      %dma_wait3A = arith.constant 4000 : i32
      %dma_wait3A_362 = tpu.memref_slice %arg6[%dma_wait3A] : memref<12800xf32, #tpu.memory_space<vmem>> -> memref<200xf32, #tpu.memory_space<vmem>>
      %dma_wait3A_363 = tpu.memref_slice %arg3[%multiple_of3A_17] : memref<25800xf32, #tpu.memory_space<hbm>> -> memref<200xf32, #tpu.memory_space<hbm>>
      %dma_wait3A_364 = arith.constant 4000 : i32
      %dma_wait3A_365 = tpu.memref_slice %arg6[%dma_wait3A_364] : memref<12800xf32, #tpu.memory_space<vmem>> -> memref<200xf32, #tpu.memory_space<vmem>>
      %dma_wait3A_366 = tpu.memref_slice %arg3[%multiple_of3A_17] : memref<25800xf32, #tpu.memory_space<hbm>> -> memref<200xf32, #tpu.memory_space<hbm>>
      tpu.wait_dma2 semaphore(%run_scoped3A : memref<!tpu.dma_semaphore, #tpu.memory_space<semaphore_mem>>) src(%dma_wait3A_366 : memref<200xf32, #tpu.memory_space<hbm>>) dst(%dma_wait3A_365 : memref<200xf32, #tpu.memory_space<vmem>>)
      tpu.yield
    }) : () -> ()
    "tpu.region"() ({
      %run_scoped3A = tpu.sem_alloc : memref<!tpu.dma_semaphore, #tpu.memory_space<semaphore_mem>>
      %dma_start3A = arith.constant 4200 : i32
      %dma_start3A_357 = tpu.memref_slice %arg6[%dma_start3A] : memref<12800xf32, #tpu.memory_space<vmem>> -> memref<200xf32, #tpu.memory_space<vmem>>
      %dma_start3A_358 = tpu.memref_slice %arg3[%multiple_of3A_17] : memref<25800xf32, #tpu.memory_space<hbm>> -> memref<200xf32, #tpu.memory_space<hbm>>
      %dma_start3A_359 = arith.constant 4200 : i32
      %dma_start3A_360 = tpu.memref_slice %arg6[%dma_start3A_359] : memref<12800xf32, #tpu.memory_space<vmem>> -> memref<200xf32, #tpu.memory_space<vmem>>
      %dma_start3A_361 = tpu.memref_slice %arg3[%multiple_of3A_17] : memref<25800xf32, #tpu.memory_space<hbm>> -> memref<200xf32, #tpu.memory_space<hbm>>
      tpu.enqueue_dma source(%dma_start3A_361 : memref<200xf32, #tpu.memory_space<hbm>>) target(%dma_start3A_360 : memref<200xf32, #tpu.memory_space<vmem>>) target_semaphore(%run_scoped3A : memref<!tpu.dma_semaphore, #tpu.memory_space<semaphore_mem>>)
      %dma_wait3A = arith.constant 4200 : i32
      %dma_wait3A_362 = tpu.memref_slice %arg6[%dma_wait3A] : memref<12800xf32, #tpu.memory_space<vmem>> -> memref<200xf32, #tpu.memory_space<vmem>>
      %dma_wait3A_363 = tpu.memref_slice %arg3[%multiple_of3A_17] : memref<25800xf32, #tpu.memory_space<hbm>> -> memref<200xf32, #tpu.memory_space<hbm>>
      %dma_wait3A_364 = arith.constant 4200 : i32
      %dma_wait3A_365 = tpu.memref_slice %arg6[%dma_wait3A_364] : memref<12800xf32, #tpu.memory_space<vmem>> -> memref<200xf32, #tpu.memory_space<vmem>>
      %dma_wait3A_366 = tpu.memref_slice %arg3[%multiple_of3A_17] : memref<25800xf32, #tpu.memory_space<hbm>> -> memref<200xf32, #tpu.memory_space<hbm>>
      tpu.wait_dma2 semaphore(%run_scoped3A : memref<!tpu.dma_semaphore, #tpu.memory_space<semaphore_mem>>) src(%dma_wait3A_366 : memref<200xf32, #tpu.memory_space<hbm>>) dst(%dma_wait3A_365 : memref<200xf32, #tpu.memory_space<vmem>>)
      tpu.yield
    }) : () -> ()
    "tpu.region"() ({
      %run_scoped3A = tpu.sem_alloc : memref<!tpu.dma_semaphore, #tpu.memory_space<semaphore_mem>>
      %dma_start3A = arith.constant 4400 : i32
      %dma_start3A_357 = tpu.memref_slice %arg6[%dma_start3A] : memref<12800xf32, #tpu.memory_space<vmem>> -> memref<200xf32, #tpu.memory_space<vmem>>
      %dma_start3A_358 = tpu.memref_slice %arg3[%multiple_of3A_17] : memref<25800xf32, #tpu.memory_space<hbm>> -> memref<200xf32, #tpu.memory_space<hbm>>
      %dma_start3A_359 = arith.constant 4400 : i32
      %dma_start3A_360 = tpu.memref_slice %arg6[%dma_start3A_359] : memref<12800xf32, #tpu.memory_space<vmem>> -> memref<200xf32, #tpu.memory_space<vmem>>
      %dma_start3A_361 = tpu.memref_slice %arg3[%multiple_of3A_17] : memref<25800xf32, #tpu.memory_space<hbm>> -> memref<200xf32, #tpu.memory_space<hbm>>
      tpu.enqueue_dma source(%dma_start3A_361 : memref<200xf32, #tpu.memory_space<hbm>>) target(%dma_start3A_360 : memref<200xf32, #tpu.memory_space<vmem>>) target_semaphore(%run_scoped3A : memref<!tpu.dma_semaphore, #tpu.memory_space<semaphore_mem>>)
      %dma_wait3A = arith.constant 4400 : i32
      %dma_wait3A_362 = tpu.memref_slice %arg6[%dma_wait3A] : memref<12800xf32, #tpu.memory_space<vmem>> -> memref<200xf32, #tpu.memory_space<vmem>>
      %dma_wait3A_363 = tpu.memref_slice %arg3[%multiple_of3A_17] : memref<25800xf32, #tpu.memory_space<hbm>> -> memref<200xf32, #tpu.memory_space<hbm>>
      %dma_wait3A_364 = arith.constant 4400 : i32
      %dma_wait3A_365 = tpu.memref_slice %arg6[%dma_wait3A_364] : memref<12800xf32, #tpu.memory_space<vmem>> -> memref<200xf32, #tpu.memory_space<vmem>>
      %dma_wait3A_366 = tpu.memref_slice %arg3[%multiple_of3A_17] : memref<25800xf32, #tpu.memory_space<hbm>> -> memref<200xf32, #tpu.memory_space<hbm>>
      tpu.wait_dma2 semaphore(%run_scoped3A : memref<!tpu.dma_semaphore, #tpu.memory_space<semaphore_mem>>) src(%dma_wait3A_366 : memref<200xf32, #tpu.memory_space<hbm>>) dst(%dma_wait3A_365 : memref<200xf32, #tpu.memory_space<vmem>>)
      tpu.yield
    }) : () -> ()
    "tpu.region"() ({
      %run_scoped3A = tpu.sem_alloc : memref<!tpu.dma_semaphore, #tpu.memory_space<semaphore_mem>>
      %dma_start3A = arith.constant 4600 : i32
      %dma_start3A_357 = tpu.memref_slice %arg6[%dma_start3A] : memref<12800xf32, #tpu.memory_space<vmem>> -> memref<200xf32, #tpu.memory_space<vmem>>
      %dma_start3A_358 = tpu.memref_slice %arg3[%multiple_of3A_17] : memref<25800xf32, #tpu.memory_space<hbm>> -> memref<200xf32, #tpu.memory_space<hbm>>
      %dma_start3A_359 = arith.constant 4600 : i32
      %dma_start3A_360 = tpu.memref_slice %arg6[%dma_start3A_359] : memref<12800xf32, #tpu.memory_space<vmem>> -> memref<200xf32, #tpu.memory_space<vmem>>
      %dma_start3A_361 = tpu.memref_slice %arg3[%multiple_of3A_17] : memref<25800xf32, #tpu.memory_space<hbm>> -> memref<200xf32, #tpu.memory_space<hbm>>
      tpu.enqueue_dma source(%dma_start3A_361 : memref<200xf32, #tpu.memory_space<hbm>>) target(%dma_start3A_360 : memref<200xf32, #tpu.memory_space<vmem>>) target_semaphore(%run_scoped3A : memref<!tpu.dma_semaphore, #tpu.memory_space<semaphore_mem>>)
      %dma_wait3A = arith.constant 4600 : i32
      %dma_wait3A_362 = tpu.memref_slice %arg6[%dma_wait3A] : memref<12800xf32, #tpu.memory_space<vmem>> -> memref<200xf32, #tpu.memory_space<vmem>>
      %dma_wait3A_363 = tpu.memref_slice %arg3[%multiple_of3A_17] : memref<25800xf32, #tpu.memory_space<hbm>> -> memref<200xf32, #tpu.memory_space<hbm>>
      %dma_wait3A_364 = arith.constant 4600 : i32
      %dma_wait3A_365 = tpu.memref_slice %arg6[%dma_wait3A_364] : memref<12800xf32, #tpu.memory_space<vmem>> -> memref<200xf32, #tpu.memory_space<vmem>>
      %dma_wait3A_366 = tpu.memref_slice %arg3[%multiple_of3A_17] : memref<25800xf32, #tpu.memory_space<hbm>> -> memref<200xf32, #tpu.memory_space<hbm>>
      tpu.wait_dma2 semaphore(%run_scoped3A : memref<!tpu.dma_semaphore, #tpu.memory_space<semaphore_mem>>) src(%dma_wait3A_366 : memref<200xf32, #tpu.memory_space<hbm>>) dst(%dma_wait3A_365 : memref<200xf32, #tpu.memory_space<vmem>>)
      tpu.yield
    }) : () -> ()
    "tpu.region"() ({
      %run_scoped3A = tpu.sem_alloc : memref<!tpu.dma_semaphore, #tpu.memory_space<semaphore_mem>>
      %dma_start3A = arith.constant 4800 : i32
      %dma_start3A_357 = tpu.memref_slice %arg6[%dma_start3A] : memref<12800xf32, #tpu.memory_space<vmem>> -> memref<200xf32, #tpu.memory_space<vmem>>
      %dma_start3A_358 = tpu.memref_slice %arg3[%multiple_of3A_17] : memref<25800xf32, #tpu.memory_space<hbm>> -> memref<200xf32, #tpu.memory_space<hbm>>
      %dma_start3A_359 = arith.constant 4800 : i32
      %dma_start3A_360 = tpu.memref_slice %arg6[%dma_start3A_359] : memref<12800xf32, #tpu.memory_space<vmem>> -> memref<200xf32, #tpu.memory_space<vmem>>
      %dma_start3A_361 = tpu.memref_slice %arg3[%multiple_of3A_17] : memref<25800xf32, #tpu.memory_space<hbm>> -> memref<200xf32, #tpu.memory_space<hbm>>
      tpu.enqueue_dma source(%dma_start3A_361 : memref<200xf32, #tpu.memory_space<hbm>>) target(%dma_start3A_360 : memref<200xf32, #tpu.memory_space<vmem>>) target_semaphore(%run_scoped3A : memref<!tpu.dma_semaphore, #tpu.memory_space<semaphore_mem>>)
      %dma_wait3A = arith.constant 4800 : i32
      %dma_wait3A_362 = tpu.memref_slice %arg6[%dma_wait3A] : memref<12800xf32, #tpu.memory_space<vmem>> -> memref<200xf32, #tpu.memory_space<vmem>>
      %dma_wait3A_363 = tpu.memref_slice %arg3[%multiple_of3A_17] : memref<25800xf32, #tpu.memory_space<hbm>> -> memref<200xf32, #tpu.memory_space<hbm>>
      %dma_wait3A_364 = arith.constant 4800 : i32
      %dma_wait3A_365 = tpu.memref_slice %arg6[%dma_wait3A_364] : memref<12800xf32, #tpu.memory_space<vmem>> -> memref<200xf32, #tpu.memory_space<vmem>>
      %dma_wait3A_366 = tpu.memref_slice %arg3[%multiple_of3A_17] : memref<25800xf32, #tpu.memory_space<hbm>> -> memref<200xf32, #tpu.memory_space<hbm>>
      tpu.wait_dma2 semaphore(%run_scoped3A : memref<!tpu.dma_semaphore, #tpu.memory_space<semaphore_mem>>) src(%dma_wait3A_366 : memref<200xf32, #tpu.memory_space<hbm>>) dst(%dma_wait3A_365 : memref<200xf32, #tpu.memory_space<vmem>>)
      tpu.yield
    }) : () -> ()
    "tpu.region"() ({
      %run_scoped3A = tpu.sem_alloc : memref<!tpu.dma_semaphore, #tpu.memory_space<semaphore_mem>>
      %dma_start3A = arith.constant 5000 : i32
      %dma_start3A_357 = tpu.memref_slice %arg6[%dma_start3A] : memref<12800xf32, #tpu.memory_space<vmem>> -> memref<200xf32, #tpu.memory_space<vmem>>
      %dma_start3A_358 = tpu.memref_slice %arg3[%multiple_of3A_17] : memref<25800xf32, #tpu.memory_space<hbm>> -> memref<200xf32, #tpu.memory_space<hbm>>
      %dma_start3A_359 = arith.constant 5000 : i32
      %dma_start3A_360 = tpu.memref_slice %arg6[%dma_start3A_359] : memref<12800xf32, #tpu.memory_space<vmem>> -> memref<200xf32, #tpu.memory_space<vmem>>
      %dma_start3A_361 = tpu.memref_slice %arg3[%multiple_of3A_17] : memref<25800xf32, #tpu.memory_space<hbm>> -> memref<200xf32, #tpu.memory_space<hbm>>
      tpu.enqueue_dma source(%dma_start3A_361 : memref<200xf32, #tpu.memory_space<hbm>>) target(%dma_start3A_360 : memref<200xf32, #tpu.memory_space<vmem>>) target_semaphore(%run_scoped3A : memref<!tpu.dma_semaphore, #tpu.memory_space<semaphore_mem>>)
      %dma_wait3A = arith.constant 5000 : i32
      %dma_wait3A_362 = tpu.memref_slice %arg6[%dma_wait3A] : memref<12800xf32, #tpu.memory_space<vmem>> -> memref<200xf32, #tpu.memory_space<vmem>>
      %dma_wait3A_363 = tpu.memref_slice %arg3[%multiple_of3A_17] : memref<25800xf32, #tpu.memory_space<hbm>> -> memref<200xf32, #tpu.memory_space<hbm>>
      %dma_wait3A_364 = arith.constant 5000 : i32
      %dma_wait3A_365 = tpu.memref_slice %arg6[%dma_wait3A_364] : memref<12800xf32, #tpu.memory_space<vmem>> -> memref<200xf32, #tpu.memory_space<vmem>>
      %dma_wait3A_366 = tpu.memref_slice %arg3[%multiple_of3A_17] : memref<25800xf32, #tpu.memory_space<hbm>> -> memref<200xf32, #tpu.memory_space<hbm>>
      tpu.wait_dma2 semaphore(%run_scoped3A : memref<!tpu.dma_semaphore, #tpu.memory_space<semaphore_mem>>) src(%dma_wait3A_366 : memref<200xf32, #tpu.memory_space<hbm>>) dst(%dma_wait3A_365 : memref<200xf32, #tpu.memory_space<vmem>>)
      tpu.yield
    }) : () -> ()
    "tpu.region"() ({
      %run_scoped3A = tpu.sem_alloc : memref<!tpu.dma_semaphore, #tpu.memory_space<semaphore_mem>>
      %dma_start3A = arith.constant 5200 : i32
      %dma_start3A_357 = tpu.memref_slice %arg6[%dma_start3A] : memref<12800xf32, #tpu.memory_space<vmem>> -> memref<200xf32, #tpu.memory_space<vmem>>
      %dma_start3A_358 = tpu.memref_slice %arg3[%multiple_of3A_17] : memref<25800xf32, #tpu.memory_space<hbm>> -> memref<200xf32, #tpu.memory_space<hbm>>
      %dma_start3A_359 = arith.constant 5200 : i32
      %dma_start3A_360 = tpu.memref_slice %arg6[%dma_start3A_359] : memref<12800xf32, #tpu.memory_space<vmem>> -> memref<200xf32, #tpu.memory_space<vmem>>
      %dma_start3A_361 = tpu.memref_slice %arg3[%multiple_of3A_17] : memref<25800xf32, #tpu.memory_space<hbm>> -> memref<200xf32, #tpu.memory_space<hbm>>
      tpu.enqueue_dma source(%dma_start3A_361 : memref<200xf32, #tpu.memory_space<hbm>>) target(%dma_start3A_360 : memref<200xf32, #tpu.memory_space<vmem>>) target_semaphore(%run_scoped3A : memref<!tpu.dma_semaphore, #tpu.memory_space<semaphore_mem>>)
      %dma_wait3A = arith.constant 5200 : i32
      %dma_wait3A_362 = tpu.memref_slice %arg6[%dma_wait3A] : memref<12800xf32, #tpu.memory_space<vmem>> -> memref<200xf32, #tpu.memory_space<vmem>>
      %dma_wait3A_363 = tpu.memref_slice %arg3[%multiple_of3A_17] : memref<25800xf32, #tpu.memory_space<hbm>> -> memref<200xf32, #tpu.memory_space<hbm>>
      %dma_wait3A_364 = arith.constant 5200 : i32
      %dma_wait3A_365 = tpu.memref_slice %arg6[%dma_wait3A_364] : memref<12800xf32, #tpu.memory_space<vmem>> -> memref<200xf32, #tpu.memory_space<vmem>>
      %dma_wait3A_366 = tpu.memref_slice %arg3[%multiple_of3A_17] : memref<25800xf32, #tpu.memory_space<hbm>> -> memref<200xf32, #tpu.memory_space<hbm>>
      tpu.wait_dma2 semaphore(%run_scoped3A : memref<!tpu.dma_semaphore, #tpu.memory_space<semaphore_mem>>) src(%dma_wait3A_366 : memref<200xf32, #tpu.memory_space<hbm>>) dst(%dma_wait3A_365 : memref<200xf32, #tpu.memory_space<vmem>>)
      tpu.yield
    }) : () -> ()
    "tpu.region"() ({
      %run_scoped3A = tpu.sem_alloc : memref<!tpu.dma_semaphore, #tpu.memory_space<semaphore_mem>>
      %dma_start3A = arith.constant 5400 : i32
      %dma_start3A_357 = tpu.memref_slice %arg6[%dma_start3A] : memref<12800xf32, #tpu.memory_space<vmem>> -> memref<200xf32, #tpu.memory_space<vmem>>
      %dma_start3A_358 = tpu.memref_slice %arg3[%multiple_of3A_17] : memref<25800xf32, #tpu.memory_space<hbm>> -> memref<200xf32, #tpu.memory_space<hbm>>
      %dma_start3A_359 = arith.constant 5400 : i32
      %dma_start3A_360 = tpu.memref_slice %arg6[%dma_start3A_359] : memref<12800xf32, #tpu.memory_space<vmem>> -> memref<200xf32, #tpu.memory_space<vmem>>
      %dma_start3A_361 = tpu.memref_slice %arg3[%multiple_of3A_17] : memref<25800xf32, #tpu.memory_space<hbm>> -> memref<200xf32, #tpu.memory_space<hbm>>
      tpu.enqueue_dma source(%dma_start3A_361 : memref<200xf32, #tpu.memory_space<hbm>>) target(%dma_start3A_360 : memref<200xf32, #tpu.memory_space<vmem>>) target_semaphore(%run_scoped3A : memref<!tpu.dma_semaphore, #tpu.memory_space<semaphore_mem>>)
      %dma_wait3A = arith.constant 5400 : i32
      %dma_wait3A_362 = tpu.memref_slice %arg6[%dma_wait3A] : memref<12800xf32, #tpu.memory_space<vmem>> -> memref<200xf32, #tpu.memory_space<vmem>>
      %dma_wait3A_363 = tpu.memref_slice %arg3[%multiple_of3A_17] : memref<25800xf32, #tpu.memory_space<hbm>> -> memref<200xf32, #tpu.memory_space<hbm>>
      %dma_wait3A_364 = arith.constant 5400 : i32
      %dma_wait3A_365 = tpu.memref_slice %arg6[%dma_wait3A_364] : memref<12800xf32, #tpu.memory_space<vmem>> -> memref<200xf32, #tpu.memory_space<vmem>>
      %dma_wait3A_366 = tpu.memref_slice %arg3[%multiple_of3A_17] : memref<25800xf32, #tpu.memory_space<hbm>> -> memref<200xf32, #tpu.memory_space<hbm>>
      tpu.wait_dma2 semaphore(%run_scoped3A : memref<!tpu.dma_semaphore, #tpu.memory_space<semaphore_mem>>) src(%dma_wait3A_366 : memref<200xf32, #tpu.memory_space<hbm>>) dst(%dma_wait3A_365 : memref<200xf32, #tpu.memory_space<vmem>>)
      tpu.yield
    }) : () -> ()
    "tpu.region"() ({
      %run_scoped3A = tpu.sem_alloc : memref<!tpu.dma_semaphore, #tpu.memory_space<semaphore_mem>>
      %dma_start3A = arith.constant 5600 : i32
      %dma_start3A_357 = tpu.memref_slice %arg6[%dma_start3A] : memref<12800xf32, #tpu.memory_space<vmem>> -> memref<200xf32, #tpu.memory_space<vmem>>
      %dma_start3A_358 = tpu.memref_slice %arg3[%multiple_of3A_17] : memref<25800xf32, #tpu.memory_space<hbm>> -> memref<200xf32, #tpu.memory_space<hbm>>
      %dma_start3A_359 = arith.constant 5600 : i32
      %dma_start3A_360 = tpu.memref_slice %arg6[%dma_start3A_359] : memref<12800xf32, #tpu.memory_space<vmem>> -> memref<200xf32, #tpu.memory_space<vmem>>
      %dma_start3A_361 = tpu.memref_slice %arg3[%multiple_of3A_17] : memref<25800xf32, #tpu.memory_space<hbm>> -> memref<200xf32, #tpu.memory_space<hbm>>
      tpu.enqueue_dma source(%dma_start3A_361 : memref<200xf32, #tpu.memory_space<hbm>>) target(%dma_start3A_360 : memref<200xf32, #tpu.memory_space<vmem>>) target_semaphore(%run_scoped3A : memref<!tpu.dma_semaphore, #tpu.memory_space<semaphore_mem>>)
      %dma_wait3A = arith.constant 5600 : i32
      %dma_wait3A_362 = tpu.memref_slice %arg6[%dma_wait3A] : memref<12800xf32, #tpu.memory_space<vmem>> -> memref<200xf32, #tpu.memory_space<vmem>>
      %dma_wait3A_363 = tpu.memref_slice %arg3[%multiple_of3A_17] : memref<25800xf32, #tpu.memory_space<hbm>> -> memref<200xf32, #tpu.memory_space<hbm>>
      %dma_wait3A_364 = arith.constant 5600 : i32
      %dma_wait3A_365 = tpu.memref_slice %arg6[%dma_wait3A_364] : memref<12800xf32, #tpu.memory_space<vmem>> -> memref<200xf32, #tpu.memory_space<vmem>>
      %dma_wait3A_366 = tpu.memref_slice %arg3[%multiple_of3A_17] : memref<25800xf32, #tpu.memory_space<hbm>> -> memref<200xf32, #tpu.memory_space<hbm>>
      tpu.wait_dma2 semaphore(%run_scoped3A : memref<!tpu.dma_semaphore, #tpu.memory_space<semaphore_mem>>) src(%dma_wait3A_366 : memref<200xf32, #tpu.memory_space<hbm>>) dst(%dma_wait3A_365 : memref<200xf32, #tpu.memory_space<vmem>>)
      tpu.yield
    }) : () -> ()
    "tpu.region"() ({
      %run_scoped3A = tpu.sem_alloc : memref<!tpu.dma_semaphore, #tpu.memory_space<semaphore_mem>>
      %dma_start3A = arith.constant 5800 : i32
      %dma_start3A_357 = tpu.memref_slice %arg6[%dma_start3A] : memref<12800xf32, #tpu.memory_space<vmem>> -> memref<200xf32, #tpu.memory_space<vmem>>
      %dma_start3A_358 = tpu.memref_slice %arg3[%multiple_of3A_17] : memref<25800xf32, #tpu.memory_space<hbm>> -> memref<200xf32, #tpu.memory_space<hbm>>
      %dma_start3A_359 = arith.constant 5800 : i32
      %dma_start3A_360 = tpu.memref_slice %arg6[%dma_start3A_359] : memref<12800xf32, #tpu.memory_space<vmem>> -> memref<200xf32, #tpu.memory_space<vmem>>
      %dma_start3A_361 = tpu.memref_slice %arg3[%multiple_of3A_17] : memref<25800xf32, #tpu.memory_space<hbm>> -> memref<200xf32, #tpu.memory_space<hbm>>
      tpu.enqueue_dma source(%dma_start3A_361 : memref<200xf32, #tpu.memory_space<hbm>>) target(%dma_start3A_360 : memref<200xf32, #tpu.memory_space<vmem>>) target_semaphore(%run_scoped3A : memref<!tpu.dma_semaphore, #tpu.memory_space<semaphore_mem>>)
      %dma_wait3A = arith.constant 5800 : i32
      %dma_wait3A_362 = tpu.memref_slice %arg6[%dma_wait3A] : memref<12800xf32, #tpu.memory_space<vmem>> -> memref<200xf32, #tpu.memory_space<vmem>>
      %dma_wait3A_363 = tpu.memref_slice %arg3[%multiple_of3A_17] : memref<25800xf32, #tpu.memory_space<hbm>> -> memref<200xf32, #tpu.memory_space<hbm>>
      %dma_wait3A_364 = arith.constant 5800 : i32
      %dma_wait3A_365 = tpu.memref_slice %arg6[%dma_wait3A_364] : memref<12800xf32, #tpu.memory_space<vmem>> -> memref<200xf32, #tpu.memory_space<vmem>>
      %dma_wait3A_366 = tpu.memref_slice %arg3[%multiple_of3A_17] : memref<25800xf32, #tpu.memory_space<hbm>> -> memref<200xf32, #tpu.memory_space<hbm>>
      tpu.wait_dma2 semaphore(%run_scoped3A : memref<!tpu.dma_semaphore, #tpu.memory_space<semaphore_mem>>) src(%dma_wait3A_366 : memref<200xf32, #tpu.memory_space<hbm>>) dst(%dma_wait3A_365 : memref<200xf32, #tpu.memory_space<vmem>>)
      tpu.yield
    }) : () -> ()
    "tpu.region"() ({
      %run_scoped3A = tpu.sem_alloc : memref<!tpu.dma_semaphore, #tpu.memory_space<semaphore_mem>>
      %dma_start3A = arith.constant 6000 : i32
      %dma_start3A_357 = tpu.memref_slice %arg6[%dma_start3A] : memref<12800xf32, #tpu.memory_space<vmem>> -> memref<200xf32, #tpu.memory_space<vmem>>
      %dma_start3A_358 = tpu.memref_slice %arg3[%multiple_of3A_17] : memref<25800xf32, #tpu.memory_space<hbm>> -> memref<200xf32, #tpu.memory_space<hbm>>
      %dma_start3A_359 = arith.constant 6000 : i32
      %dma_start3A_360 = tpu.memref_slice %arg6[%dma_start3A_359] : memref<12800xf32, #tpu.memory_space<vmem>> -> memref<200xf32, #tpu.memory_space<vmem>>
      %dma_start3A_361 = tpu.memref_slice %arg3[%multiple_of3A_17] : memref<25800xf32, #tpu.memory_space<hbm>> -> memref<200xf32, #tpu.memory_space<hbm>>
      tpu.enqueue_dma source(%dma_start3A_361 : memref<200xf32, #tpu.memory_space<hbm>>) target(%dma_start3A_360 : memref<200xf32, #tpu.memory_space<vmem>>) target_semaphore(%run_scoped3A : memref<!tpu.dma_semaphore, #tpu.memory_space<semaphore_mem>>)
      %dma_wait3A = arith.constant 6000 : i32
      %dma_wait3A_362 = tpu.memref_slice %arg6[%dma_wait3A] : memref<12800xf32, #tpu.memory_space<vmem>> -> memref<200xf32, #tpu.memory_space<vmem>>
      %dma_wait3A_363 = tpu.memref_slice %arg3[%multiple_of3A_17] : memref<25800xf32, #tpu.memory_space<hbm>> -> memref<200xf32, #tpu.memory_space<hbm>>
      %dma_wait3A_364 = arith.constant 6000 : i32
      %dma_wait3A_365 = tpu.memref_slice %arg6[%dma_wait3A_364] : memref<12800xf32, #tpu.memory_space<vmem>> -> memref<200xf32, #tpu.memory_space<vmem>>
      %dma_wait3A_366 = tpu.memref_slice %arg3[%multiple_of3A_17] : memref<25800xf32, #tpu.memory_space<hbm>> -> memref<200xf32, #tpu.memory_space<hbm>>
      tpu.wait_dma2 semaphore(%run_scoped3A : memref<!tpu.dma_semaphore, #tpu.memory_space<semaphore_mem>>) src(%dma_wait3A_366 : memref<200xf32, #tpu.memory_space<hbm>>) dst(%dma_wait3A_365 : memref<200xf32, #tpu.memory_space<vmem>>)
      tpu.yield
    }) : () -> ()
    "tpu.region"() ({
      %run_scoped3A = tpu.sem_alloc : memref<!tpu.dma_semaphore, #tpu.memory_space<semaphore_mem>>
      %dma_start3A = arith.constant 6200 : i32
      %dma_start3A_357 = tpu.memref_slice %arg6[%dma_start3A] : memref<12800xf32, #tpu.memory_space<vmem>> -> memref<200xf32, #tpu.memory_space<vmem>>
      %dma_start3A_358 = tpu.memref_slice %arg3[%multiple_of3A_17] : memref<25800xf32, #tpu.memory_space<hbm>> -> memref<200xf32, #tpu.memory_space<hbm>>
      %dma_start3A_359 = arith.constant 6200 : i32
      %dma_start3A_360 = tpu.memref_slice %arg6[%dma_start3A_359] : memref<12800xf32, #tpu.memory_space<vmem>> -> memref<200xf32, #tpu.memory_space<vmem>>
      %dma_start3A_361 = tpu.memref_slice %arg3[%multiple_of3A_17] : memref<25800xf32, #tpu.memory_space<hbm>> -> memref<200xf32, #tpu.memory_space<hbm>>
      tpu.enqueue_dma source(%dma_start3A_361 : memref<200xf32, #tpu.memory_space<hbm>>) target(%dma_start3A_360 : memref<200xf32, #tpu.memory_space<vmem>>) target_semaphore(%run_scoped3A : memref<!tpu.dma_semaphore, #tpu.memory_space<semaphore_mem>>)
      %dma_wait3A = arith.constant 6200 : i32
      %dma_wait3A_362 = tpu.memref_slice %arg6[%dma_wait3A] : memref<12800xf32, #tpu.memory_space<vmem>> -> memref<200xf32, #tpu.memory_space<vmem>>
      %dma_wait3A_363 = tpu.memref_slice %arg3[%multiple_of3A_17] : memref<25800xf32, #tpu.memory_space<hbm>> -> memref<200xf32, #tpu.memory_space<hbm>>
      %dma_wait3A_364 = arith.constant 6200 : i32
      %dma_wait3A_365 = tpu.memref_slice %arg6[%dma_wait3A_364] : memref<12800xf32, #tpu.memory_space<vmem>> -> memref<200xf32, #tpu.memory_space<vmem>>
      %dma_wait3A_366 = tpu.memref_slice %arg3[%multiple_of3A_17] : memref<25800xf32, #tpu.memory_space<hbm>> -> memref<200xf32, #tpu.memory_space<hbm>>
      tpu.wait_dma2 semaphore(%run_scoped3A : memref<!tpu.dma_semaphore, #tpu.memory_space<semaphore_mem>>) src(%dma_wait3A_366 : memref<200xf32, #tpu.memory_space<hbm>>) dst(%dma_wait3A_365 : memref<200xf32, #tpu.memory_space<vmem>>)
      tpu.yield
    }) : () -> ()
    %mul3A_18 = arith.constant 4 : i32
    %mul3A_19 = arith.muli %add3A, %mul3A_18 : i32
    %add3A_20 = arith.constant 1 : i32
    %add3A_21 = arith.addi %add3A_20, %mul3A_19 : i32
    %add3A_22 = arith.constant 2 : i32
    %add3A_23 = arith.addi %add3A_21, %add3A_22 : i32
    %mul3A_24 = arith.constant 200 : i32
    %mul3A_25 = arith.muli %add3A_23, %mul3A_24 : i32
    %multiple_of3A_26 = tpu.assume_multiple %mul3A_25, 8 : i32
    "tpu.region"() ({
      %run_scoped3A = tpu.sem_alloc : memref<!tpu.dma_semaphore, #tpu.memory_space<semaphore_mem>>
      %dma_start3A = arith.constant 6400 : i32
      %dma_start3A_357 = tpu.memref_slice %arg6[%dma_start3A] : memref<12800xf32, #tpu.memory_space<vmem>> -> memref<200xf32, #tpu.memory_space<vmem>>
      %dma_start3A_358 = tpu.memref_slice %arg3[%multiple_of3A_26] : memref<25800xf32, #tpu.memory_space<hbm>> -> memref<200xf32, #tpu.memory_space<hbm>>
      %dma_start3A_359 = arith.constant 6400 : i32
      %dma_start3A_360 = tpu.memref_slice %arg6[%dma_start3A_359] : memref<12800xf32, #tpu.memory_space<vmem>> -> memref<200xf32, #tpu.memory_space<vmem>>
      %dma_start3A_361 = tpu.memref_slice %arg3[%multiple_of3A_26] : memref<25800xf32, #tpu.memory_space<hbm>> -> memref<200xf32, #tpu.memory_space<hbm>>
      tpu.enqueue_dma source(%dma_start3A_361 : memref<200xf32, #tpu.memory_space<hbm>>) target(%dma_start3A_360 : memref<200xf32, #tpu.memory_space<vmem>>) target_semaphore(%run_scoped3A : memref<!tpu.dma_semaphore, #tpu.memory_space<semaphore_mem>>)
      %dma_wait3A = arith.constant 6400 : i32
      %dma_wait3A_362 = tpu.memref_slice %arg6[%dma_wait3A] : memref<12800xf32, #tpu.memory_space<vmem>> -> memref<200xf32, #tpu.memory_space<vmem>>
      %dma_wait3A_363 = tpu.memref_slice %arg3[%multiple_of3A_26] : memref<25800xf32, #tpu.memory_space<hbm>> -> memref<200xf32, #tpu.memory_space<hbm>>
      %dma_wait3A_364 = arith.constant 6400 : i32
      %dma_wait3A_365 = tpu.memref_slice %arg6[%dma_wait3A_364] : memref<12800xf32, #tpu.memory_space<vmem>> -> memref<200xf32, #tpu.memory_space<vmem>>
      %dma_wait3A_366 = tpu.memref_slice %arg3[%multiple_of3A_26] : memref<25800xf32, #tpu.memory_space<hbm>> -> memref<200xf32, #tpu.memory_space<hbm>>
      tpu.wait_dma2 semaphore(%run_scoped3A : memref<!tpu.dma_semaphore, #tpu.memory_space<semaphore_mem>>) src(%dma_wait3A_366 : memref<200xf32, #tpu.memory_space<hbm>>) dst(%dma_wait3A_365 : memref<200xf32, #tpu.memory_space<vmem>>)
      tpu.yield
    }) : () -> ()
    "tpu.region"() ({
      %run_scoped3A = tpu.sem_alloc : memref<!tpu.dma_semaphore, #tpu.memory_space<semaphore_mem>>
      %dma_start3A = arith.constant 6600 : i32
      %dma_start3A_357 = tpu.memref_slice %arg6[%dma_start3A] : memref<12800xf32, #tpu.memory_space<vmem>> -> memref<200xf32, #tpu.memory_space<vmem>>
      %dma_start3A_358 = tpu.memref_slice %arg3[%multiple_of3A_26] : memref<25800xf32, #tpu.memory_space<hbm>> -> memref<200xf32, #tpu.memory_space<hbm>>
      %dma_start3A_359 = arith.constant 6600 : i32
      %dma_start3A_360 = tpu.memref_slice %arg6[%dma_start3A_359] : memref<12800xf32, #tpu.memory_space<vmem>> -> memref<200xf32, #tpu.memory_space<vmem>>
      %dma_start3A_361 = tpu.memref_slice %arg3[%multiple_of3A_26] : memref<25800xf32, #tpu.memory_space<hbm>> -> memref<200xf32, #tpu.memory_space<hbm>>
      tpu.enqueue_dma source(%dma_start3A_361 : memref<200xf32, #tpu.memory_space<hbm>>) target(%dma_start3A_360 : memref<200xf32, #tpu.memory_space<vmem>>) target_semaphore(%run_scoped3A : memref<!tpu.dma_semaphore, #tpu.memory_space<semaphore_mem>>)
      %dma_wait3A = arith.constant 6600 : i32
      %dma_wait3A_362 = tpu.memref_slice %arg6[%dma_wait3A] : memref<12800xf32, #tpu.memory_space<vmem>> -> memref<200xf32, #tpu.memory_space<vmem>>
      %dma_wait3A_363 = tpu.memref_slice %arg3[%multiple_of3A_26] : memref<25800xf32, #tpu.memory_space<hbm>> -> memref<200xf32, #tpu.memory_space<hbm>>
      %dma_wait3A_364 = arith.constant 6600 : i32
      %dma_wait3A_365 = tpu.memref_slice %arg6[%dma_wait3A_364] : memref<12800xf32, #tpu.memory_space<vmem>> -> memref<200xf32, #tpu.memory_space<vmem>>
      %dma_wait3A_366 = tpu.memref_slice %arg3[%multiple_of3A_26] : memref<25800xf32, #tpu.memory_space<hbm>> -> memref<200xf32, #tpu.memory_space<hbm>>
      tpu.wait_dma2 semaphore(%run_scoped3A : memref<!tpu.dma_semaphore, #tpu.memory_space<semaphore_mem>>) src(%dma_wait3A_366 : memref<200xf32, #tpu.memory_space<hbm>>) dst(%dma_wait3A_365 : memref<200xf32, #tpu.memory_space<vmem>>)
      tpu.yield
    }) : () -> ()
    "tpu.region"() ({
      %run_scoped3A = tpu.sem_alloc : memref<!tpu.dma_semaphore, #tpu.memory_space<semaphore_mem>>
      %dma_start3A = arith.constant 6800 : i32
      %dma_start3A_357 = tpu.memref_slice %arg6[%dma_start3A] : memref<12800xf32, #tpu.memory_space<vmem>> -> memref<200xf32, #tpu.memory_space<vmem>>
      %dma_start3A_358 = tpu.memref_slice %arg3[%multiple_of3A_26] : memref<25800xf32, #tpu.memory_space<hbm>> -> memref<200xf32, #tpu.memory_space<hbm>>
      %dma_start3A_359 = arith.constant 6800 : i32
      %dma_start3A_360 = tpu.memref_slice %arg6[%dma_start3A_359] : memref<12800xf32, #tpu.memory_space<vmem>> -> memref<200xf32, #tpu.memory_space<vmem>>
      %dma_start3A_361 = tpu.memref_slice %arg3[%multiple_of3A_26] : memref<25800xf32, #tpu.memory_space<hbm>> -> memref<200xf32, #tpu.memory_space<hbm>>
      tpu.enqueue_dma source(%dma_start3A_361 : memref<200xf32, #tpu.memory_space<hbm>>) target(%dma_start3A_360 : memref<200xf32, #tpu.memory_space<vmem>>) target_semaphore(%run_scoped3A : memref<!tpu.dma_semaphore, #tpu.memory_space<semaphore_mem>>)
      %dma_wait3A = arith.constant 6800 : i32
      %dma_wait3A_362 = tpu.memref_slice %arg6[%dma_wait3A] : memref<12800xf32, #tpu.memory_space<vmem>> -> memref<200xf32, #tpu.memory_space<vmem>>
      %dma_wait3A_363 = tpu.memref_slice %arg3[%multiple_of3A_26] : memref<25800xf32, #tpu.memory_space<hbm>> -> memref<200xf32, #tpu.memory_space<hbm>>
      %dma_wait3A_364 = arith.constant 6800 : i32
      %dma_wait3A_365 = tpu.memref_slice %arg6[%dma_wait3A_364] : memref<12800xf32, #tpu.memory_space<vmem>> -> memref<200xf32, #tpu.memory_space<vmem>>
      %dma_wait3A_366 = tpu.memref_slice %arg3[%multiple_of3A_26] : memref<25800xf32, #tpu.memory_space<hbm>> -> memref<200xf32, #tpu.memory_space<hbm>>
      tpu.wait_dma2 semaphore(%run_scoped3A : memref<!tpu.dma_semaphore, #tpu.memory_space<semaphore_mem>>) src(%dma_wait3A_366 : memref<200xf32, #tpu.memory_space<hbm>>) dst(%dma_wait3A_365 : memref<200xf32, #tpu.memory_space<vmem>>)
      tpu.yield
    }) : () -> ()
    "tpu.region"() ({
      %run_scoped3A = tpu.sem_alloc : memref<!tpu.dma_semaphore, #tpu.memory_space<semaphore_mem>>
      %dma_start3A = arith.constant 7000 : i32
      %dma_start3A_357 = tpu.memref_slice %arg6[%dma_start3A] : memref<12800xf32, #tpu.memory_space<vmem>> -> memref<200xf32, #tpu.memory_space<vmem>>
      %dma_start3A_358 = tpu.memref_slice %arg3[%multiple_of3A_26] : memref<25800xf32, #tpu.memory_space<hbm>> -> memref<200xf32, #tpu.memory_space<hbm>>
      %dma_start3A_359 = arith.constant 7000 : i32
      %dma_start3A_360 = tpu.memref_slice %arg6[%dma_start3A_359] : memref<12800xf32, #tpu.memory_space<vmem>> -> memref<200xf32, #tpu.memory_space<vmem>>
      %dma_start3A_361 = tpu.memref_slice %arg3[%multiple_of3A_26] : memref<25800xf32, #tpu.memory_space<hbm>> -> memref<200xf32, #tpu.memory_space<hbm>>
      tpu.enqueue_dma source(%dma_start3A_361 : memref<200xf32, #tpu.memory_space<hbm>>) target(%dma_start3A_360 : memref<200xf32, #tpu.memory_space<vmem>>) target_semaphore(%run_scoped3A : memref<!tpu.dma_semaphore, #tpu.memory_space<semaphore_mem>>)
      %dma_wait3A = arith.constant 7000 : i32
      %dma_wait3A_362 = tpu.memref_slice %arg6[%dma_wait3A] : memref<12800xf32, #tpu.memory_space<vmem>> -> memref<200xf32, #tpu.memory_space<vmem>>
      %dma_wait3A_363 = tpu.memref_slice %arg3[%multiple_of3A_26] : memref<25800xf32, #tpu.memory_space<hbm>> -> memref<200xf32, #tpu.memory_space<hbm>>
      %dma_wait3A_364 = arith.constant 7000 : i32
      %dma_wait3A_365 = tpu.memref_slice %arg6[%dma_wait3A_364] : memref<12800xf32, #tpu.memory_space<vmem>> -> memref<200xf32, #tpu.memory_space<vmem>>
      %dma_wait3A_366 = tpu.memref_slice %arg3[%multiple_of3A_26] : memref<25800xf32, #tpu.memory_space<hbm>> -> memref<200xf32, #tpu.memory_space<hbm>>
      tpu.wait_dma2 semaphore(%run_scoped3A : memref<!tpu.dma_semaphore, #tpu.memory_space<semaphore_mem>>) src(%dma_wait3A_366 : memref<200xf32, #tpu.memory_space<hbm>>) dst(%dma_wait3A_365 : memref<200xf32, #tpu.memory_space<vmem>>)
      tpu.yield
    }) : () -> ()
    "tpu.region"() ({
      %run_scoped3A = tpu.sem_alloc : memref<!tpu.dma_semaphore, #tpu.memory_space<semaphore_mem>>
      %dma_start3A = arith.constant 7200 : i32
      %dma_start3A_357 = tpu.memref_slice %arg6[%dma_start3A] : memref<12800xf32, #tpu.memory_space<vmem>> -> memref<200xf32, #tpu.memory_space<vmem>>
      %dma_start3A_358 = tpu.memref_slice %arg3[%multiple_of3A_26] : memref<25800xf32, #tpu.memory_space<hbm>> -> memref<200xf32, #tpu.memory_space<hbm>>
      %dma_start3A_359 = arith.constant 7200 : i32
      %dma_start3A_360 = tpu.memref_slice %arg6[%dma_start3A_359] : memref<12800xf32, #tpu.memory_space<vmem>> -> memref<200xf32, #tpu.memory_space<vmem>>
      %dma_start3A_361 = tpu.memref_slice %arg3[%multiple_of3A_26] : memref<25800xf32, #tpu.memory_space<hbm>> -> memref<200xf32, #tpu.memory_space<hbm>>
      tpu.enqueue_dma source(%dma_start3A_361 : memref<200xf32, #tpu.memory_space<hbm>>) target(%dma_start3A_360 : memref<200xf32, #tpu.memory_space<vmem>>) target_semaphore(%run_scoped3A : memref<!tpu.dma_semaphore, #tpu.memory_space<semaphore_mem>>)
      %dma_wait3A = arith.constant 7200 : i32
      %dma_wait3A_362 = tpu.memref_slice %arg6[%dma_wait3A] : memref<12800xf32, #tpu.memory_space<vmem>> -> memref<200xf32, #tpu.memory_space<vmem>>
      %dma_wait3A_363 = tpu.memref_slice %arg3[%multiple_of3A_26] : memref<25800xf32, #tpu.memory_space<hbm>> -> memref<200xf32, #tpu.memory_space<hbm>>
      %dma_wait3A_364 = arith.constant 7200 : i32
      %dma_wait3A_365 = tpu.memref_slice %arg6[%dma_wait3A_364] : memref<12800xf32, #tpu.memory_space<vmem>> -> memref<200xf32, #tpu.memory_space<vmem>>
      %dma_wait3A_366 = tpu.memref_slice %arg3[%multiple_of3A_26] : memref<25800xf32, #tpu.memory_space<hbm>> -> memref<200xf32, #tpu.memory_space<hbm>>
      tpu.wait_dma2 semaphore(%run_scoped3A : memref<!tpu.dma_semaphore, #tpu.memory_space<semaphore_mem>>) src(%dma_wait3A_366 : memref<200xf32, #tpu.memory_space<hbm>>) dst(%dma_wait3A_365 : memref<200xf32, #tpu.memory_space<vmem>>)
      tpu.yield
    }) : () -> ()
    "tpu.region"() ({
      %run_scoped3A = tpu.sem_alloc : memref<!tpu.dma_semaphore, #tpu.memory_space<semaphore_mem>>
      %dma_start3A = arith.constant 7400 : i32
      %dma_start3A_357 = tpu.memref_slice %arg6[%dma_start3A] : memref<12800xf32, #tpu.memory_space<vmem>> -> memref<200xf32, #tpu.memory_space<vmem>>
      %dma_start3A_358 = tpu.memref_slice %arg3[%multiple_of3A_26] : memref<25800xf32, #tpu.memory_space<hbm>> -> memref<200xf32, #tpu.memory_space<hbm>>
      %dma_start3A_359 = arith.constant 7400 : i32
      %dma_start3A_360 = tpu.memref_slice %arg6[%dma_start3A_359] : memref<12800xf32, #tpu.memory_space<vmem>> -> memref<200xf32, #tpu.memory_space<vmem>>
      %dma_start3A_361 = tpu.memref_slice %arg3[%multiple_of3A_26] : memref<25800xf32, #tpu.memory_space<hbm>> -> memref<200xf32, #tpu.memory_space<hbm>>
      tpu.enqueue_dma source(%dma_start3A_361 : memref<200xf32, #tpu.memory_space<hbm>>) target(%dma_start3A_360 : memref<200xf32, #tpu.memory_space<vmem>>) target_semaphore(%run_scoped3A : memref<!tpu.dma_semaphore, #tpu.memory_space<semaphore_mem>>)
      %dma_wait3A = arith.constant 7400 : i32
      %dma_wait3A_362 = tpu.memref_slice %arg6[%dma_wait3A] : memref<12800xf32, #tpu.memory_space<vmem>> -> memref<200xf32, #tpu.memory_space<vmem>>
      %dma_wait3A_363 = tpu.memref_slice %arg3[%multiple_of3A_26] : memref<25800xf32, #tpu.memory_space<hbm>> -> memref<200xf32, #tpu.memory_space<hbm>>
      %dma_wait3A_364 = arith.constant 7400 : i32
      %dma_wait3A_365 = tpu.memref_slice %arg6[%dma_wait3A_364] : memref<12800xf32, #tpu.memory_space<vmem>> -> memref<200xf32, #tpu.memory_space<vmem>>
      %dma_wait3A_366 = tpu.memref_slice %arg3[%multiple_of3A_26] : memref<25800xf32, #tpu.memory_space<hbm>> -> memref<200xf32, #tpu.memory_space<hbm>>
      tpu.wait_dma2 semaphore(%run_scoped3A : memref<!tpu.dma_semaphore, #tpu.memory_space<semaphore_mem>>) src(%dma_wait3A_366 : memref<200xf32, #tpu.memory_space<hbm>>) dst(%dma_wait3A_365 : memref<200xf32, #tpu.memory_space<vmem>>)
      tpu.yield
    }) : () -> ()
    "tpu.region"() ({
      %run_scoped3A = tpu.sem_alloc : memref<!tpu.dma_semaphore, #tpu.memory_space<semaphore_mem>>
      %dma_start3A = arith.constant 7600 : i32
      %dma_start3A_357 = tpu.memref_slice %arg6[%dma_start3A] : memref<12800xf32, #tpu.memory_space<vmem>> -> memref<200xf32, #tpu.memory_space<vmem>>
      %dma_start3A_358 = tpu.memref_slice %arg3[%multiple_of3A_26] : memref<25800xf32, #tpu.memory_space<hbm>> -> memref<200xf32, #tpu.memory_space<hbm>>
      %dma_start3A_359 = arith.constant 7600 : i32
      %dma_start3A_360 = tpu.memref_slice %arg6[%dma_start3A_359] : memref<12800xf32, #tpu.memory_space<vmem>> -> memref<200xf32, #tpu.memory_space<vmem>>
      %dma_start3A_361 = tpu.memref_slice %arg3[%multiple_of3A_26] : memref<25800xf32, #tpu.memory_space<hbm>> -> memref<200xf32, #tpu.memory_space<hbm>>
      tpu.enqueue_dma source(%dma_start3A_361 : memref<200xf32, #tpu.memory_space<hbm>>) target(%dma_start3A_360 : memref<200xf32, #tpu.memory_space<vmem>>) target_semaphore(%run_scoped3A : memref<!tpu.dma_semaphore, #tpu.memory_space<semaphore_mem>>)
      %dma_wait3A = arith.constant 7600 : i32
      %dma_wait3A_362 = tpu.memref_slice %arg6[%dma_wait3A] : memref<12800xf32, #tpu.memory_space<vmem>> -> memref<200xf32, #tpu.memory_space<vmem>>
      %dma_wait3A_363 = tpu.memref_slice %arg3[%multiple_of3A_26] : memref<25800xf32, #tpu.memory_space<hbm>> -> memref<200xf32, #tpu.memory_space<hbm>>
      %dma_wait3A_364 = arith.constant 7600 : i32
      %dma_wait3A_365 = tpu.memref_slice %arg6[%dma_wait3A_364] : memref<12800xf32, #tpu.memory_space<vmem>> -> memref<200xf32, #tpu.memory_space<vmem>>
      %dma_wait3A_366 = tpu.memref_slice %arg3[%multiple_of3A_26] : memref<25800xf32, #tpu.memory_space<hbm>> -> memref<200xf32, #tpu.memory_space<hbm>>
      tpu.wait_dma2 semaphore(%run_scoped3A : memref<!tpu.dma_semaphore, #tpu.memory_space<semaphore_mem>>) src(%dma_wait3A_366 : memref<200xf32, #tpu.memory_space<hbm>>) dst(%dma_wait3A_365 : memref<200xf32, #tpu.memory_space<vmem>>)
      tpu.yield
    }) : () -> ()
    "tpu.region"() ({
      %run_scoped3A = tpu.sem_alloc : memref<!tpu.dma_semaphore, #tpu.memory_space<semaphore_mem>>
      %dma_start3A = arith.constant 7800 : i32
      %dma_start3A_357 = tpu.memref_slice %arg6[%dma_start3A] : memref<12800xf32, #tpu.memory_space<vmem>> -> memref<200xf32, #tpu.memory_space<vmem>>
      %dma_start3A_358 = tpu.memref_slice %arg3[%multiple_of3A_26] : memref<25800xf32, #tpu.memory_space<hbm>> -> memref<200xf32, #tpu.memory_space<hbm>>
      %dma_start3A_359 = arith.constant 7800 : i32
      %dma_start3A_360 = tpu.memref_slice %arg6[%dma_start3A_359] : memref<12800xf32, #tpu.memory_space<vmem>> -> memref<200xf32, #tpu.memory_space<vmem>>
      %dma_start3A_361 = tpu.memref_slice %arg3[%multiple_of3A_26] : memref<25800xf32, #tpu.memory_space<hbm>> -> memref<200xf32, #tpu.memory_space<hbm>>
      tpu.enqueue_dma source(%dma_start3A_361 : memref<200xf32, #tpu.memory_space<hbm>>) target(%dma_start3A_360 : memref<200xf32, #tpu.memory_space<vmem>>) target_semaphore(%run_scoped3A : memref<!tpu.dma_semaphore, #tpu.memory_space<semaphore_mem>>)
      %dma_wait3A = arith.constant 7800 : i32
      %dma_wait3A_362 = tpu.memref_slice %arg6[%dma_wait3A] : memref<12800xf32, #tpu.memory_space<vmem>> -> memref<200xf32, #tpu.memory_space<vmem>>
      %dma_wait3A_363 = tpu.memref_slice %arg3[%multiple_of3A_26] : memref<25800xf32, #tpu.memory_space<hbm>> -> memref<200xf32, #tpu.memory_space<hbm>>
      %dma_wait3A_364 = arith.constant 7800 : i32
      %dma_wait3A_365 = tpu.memref_slice %arg6[%dma_wait3A_364] : memref<12800xf32, #tpu.memory_space<vmem>> -> memref<200xf32, #tpu.memory_space<vmem>>
      %dma_wait3A_366 = tpu.memref_slice %arg3[%multiple_of3A_26] : memref<25800xf32, #tpu.memory_space<hbm>> -> memref<200xf32, #tpu.memory_space<hbm>>
      tpu.wait_dma2 semaphore(%run_scoped3A : memref<!tpu.dma_semaphore, #tpu.memory_space<semaphore_mem>>) src(%dma_wait3A_366 : memref<200xf32, #tpu.memory_space<hbm>>) dst(%dma_wait3A_365 : memref<200xf32, #tpu.memory_space<vmem>>)
      tpu.yield
    }) : () -> ()
    "tpu.region"() ({
      %run_scoped3A = tpu.sem_alloc : memref<!tpu.dma_semaphore, #tpu.memory_space<semaphore_mem>>
      %dma_start3A = arith.constant 8000 : i32
      %dma_start3A_357 = tpu.memref_slice %arg6[%dma_start3A] : memref<12800xf32, #tpu.memory_space<vmem>> -> memref<200xf32, #tpu.memory_space<vmem>>
      %dma_start3A_358 = tpu.memref_slice %arg3[%multiple_of3A_26] : memref<25800xf32, #tpu.memory_space<hbm>> -> memref<200xf32, #tpu.memory_space<hbm>>
      %dma_start3A_359 = arith.constant 8000 : i32
      %dma_start3A_360 = tpu.memref_slice %arg6[%dma_start3A_359] : memref<12800xf32, #tpu.memory_space<vmem>> -> memref<200xf32, #tpu.memory_space<vmem>>
      %dma_start3A_361 = tpu.memref_slice %arg3[%multiple_of3A_26] : memref<25800xf32, #tpu.memory_space<hbm>> -> memref<200xf32, #tpu.memory_space<hbm>>
      tpu.enqueue_dma source(%dma_start3A_361 : memref<200xf32, #tpu.memory_space<hbm>>) target(%dma_start3A_360 : memref<200xf32, #tpu.memory_space<vmem>>) target_semaphore(%run_scoped3A : memref<!tpu.dma_semaphore, #tpu.memory_space<semaphore_mem>>)
      %dma_wait3A = arith.constant 8000 : i32
      %dma_wait3A_362 = tpu.memref_slice %arg6[%dma_wait3A] : memref<12800xf32, #tpu.memory_space<vmem>> -> memref<200xf32, #tpu.memory_space<vmem>>
      %dma_wait3A_363 = tpu.memref_slice %arg3[%multiple_of3A_26] : memref<25800xf32, #tpu.memory_space<hbm>> -> memref<200xf32, #tpu.memory_space<hbm>>
      %dma_wait3A_364 = arith.constant 8000 : i32
      %dma_wait3A_365 = tpu.memref_slice %arg6[%dma_wait3A_364] : memref<12800xf32, #tpu.memory_space<vmem>> -> memref<200xf32, #tpu.memory_space<vmem>>
      %dma_wait3A_366 = tpu.memref_slice %arg3[%multiple_of3A_26] : memref<25800xf32, #tpu.memory_space<hbm>> -> memref<200xf32, #tpu.memory_space<hbm>>
      tpu.wait_dma2 semaphore(%run_scoped3A : memref<!tpu.dma_semaphore, #tpu.memory_space<semaphore_mem>>) src(%dma_wait3A_366 : memref<200xf32, #tpu.memory_space<hbm>>) dst(%dma_wait3A_365 : memref<200xf32, #tpu.memory_space<vmem>>)
      tpu.yield
    }) : () -> ()
    "tpu.region"() ({
      %run_scoped3A = tpu.sem_alloc : memref<!tpu.dma_semaphore, #tpu.memory_space<semaphore_mem>>
      %dma_start3A = arith.constant 8200 : i32
      %dma_start3A_357 = tpu.memref_slice %arg6[%dma_start3A] : memref<12800xf32, #tpu.memory_space<vmem>> -> memref<200xf32, #tpu.memory_space<vmem>>
      %dma_start3A_358 = tpu.memref_slice %arg3[%multiple_of3A_26] : memref<25800xf32, #tpu.memory_space<hbm>> -> memref<200xf32, #tpu.memory_space<hbm>>
      %dma_start3A_359 = arith.constant 8200 : i32
      %dma_start3A_360 = tpu.memref_slice %arg6[%dma_start3A_359] : memref<12800xf32, #tpu.memory_space<vmem>> -> memref<200xf32, #tpu.memory_space<vmem>>
      %dma_start3A_361 = tpu.memref_slice %arg3[%multiple_of3A_26] : memref<25800xf32, #tpu.memory_space<hbm>> -> memref<200xf32, #tpu.memory_space<hbm>>
      tpu.enqueue_dma source(%dma_start3A_361 : memref<200xf32, #tpu.memory_space<hbm>>) target(%dma_start3A_360 : memref<200xf32, #tpu.memory_space<vmem>>) target_semaphore(%run_scoped3A : memref<!tpu.dma_semaphore, #tpu.memory_space<semaphore_mem>>)
      %dma_wait3A = arith.constant 8200 : i32
      %dma_wait3A_362 = tpu.memref_slice %arg6[%dma_wait3A] : memref<12800xf32, #tpu.memory_space<vmem>> -> memref<200xf32, #tpu.memory_space<vmem>>
      %dma_wait3A_363 = tpu.memref_slice %arg3[%multiple_of3A_26] : memref<25800xf32, #tpu.memory_space<hbm>> -> memref<200xf32, #tpu.memory_space<hbm>>
      %dma_wait3A_364 = arith.constant 8200 : i32
      %dma_wait3A_365 = tpu.memref_slice %arg6[%dma_wait3A_364] : memref<12800xf32, #tpu.memory_space<vmem>> -> memref<200xf32, #tpu.memory_space<vmem>>
      %dma_wait3A_366 = tpu.memref_slice %arg3[%multiple_of3A_26] : memref<25800xf32, #tpu.memory_space<hbm>> -> memref<200xf32, #tpu.memory_space<hbm>>
      tpu.wait_dma2 semaphore(%run_scoped3A : memref<!tpu.dma_semaphore, #tpu.memory_space<semaphore_mem>>) src(%dma_wait3A_366 : memref<200xf32, #tpu.memory_space<hbm>>) dst(%dma_wait3A_365 : memref<200xf32, #tpu.memory_space<vmem>>)
      tpu.yield
    }) : () -> ()
    "tpu.region"() ({
      %run_scoped3A = tpu.sem_alloc : memref<!tpu.dma_semaphore, #tpu.memory_space<semaphore_mem>>
      %dma_start3A = arith.constant 8400 : i32
      %dma_start3A_357 = tpu.memref_slice %arg6[%dma_start3A] : memref<12800xf32, #tpu.memory_space<vmem>> -> memref<200xf32, #tpu.memory_space<vmem>>
      %dma_start3A_358 = tpu.memref_slice %arg3[%multiple_of3A_26] : memref<25800xf32, #tpu.memory_space<hbm>> -> memref<200xf32, #tpu.memory_space<hbm>>
      %dma_start3A_359 = arith.constant 8400 : i32
      %dma_start3A_360 = tpu.memref_slice %arg6[%dma_start3A_359] : memref<12800xf32, #tpu.memory_space<vmem>> -> memref<200xf32, #tpu.memory_space<vmem>>
      %dma_start3A_361 = tpu.memref_slice %arg3[%multiple_of3A_26] : memref<25800xf32, #tpu.memory_space<hbm>> -> memref<200xf32, #tpu.memory_space<hbm>>
      tpu.enqueue_dma source(%dma_start3A_361 : memref<200xf32, #tpu.memory_space<hbm>>) target(%dma_start3A_360 : memref<200xf32, #tpu.memory_space<vmem>>) target_semaphore(%run_scoped3A : memref<!tpu.dma_semaphore, #tpu.memory_space<semaphore_mem>>)
      %dma_wait3A = arith.constant 8400 : i32
      %dma_wait3A_362 = tpu.memref_slice %arg6[%dma_wait3A] : memref<12800xf32, #tpu.memory_space<vmem>> -> memref<200xf32, #tpu.memory_space<vmem>>
      %dma_wait3A_363 = tpu.memref_slice %arg3[%multiple_of3A_26] : memref<25800xf32, #tpu.memory_space<hbm>> -> memref<200xf32, #tpu.memory_space<hbm>>
      %dma_wait3A_364 = arith.constant 8400 : i32
      %dma_wait3A_365 = tpu.memref_slice %arg6[%dma_wait3A_364] : memref<12800xf32, #tpu.memory_space<vmem>> -> memref<200xf32, #tpu.memory_space<vmem>>
      %dma_wait3A_366 = tpu.memref_slice %arg3[%multiple_of3A_26] : memref<25800xf32, #tpu.memory_space<hbm>> -> memref<200xf32, #tpu.memory_space<hbm>>
      tpu.wait_dma2 semaphore(%run_scoped3A : memref<!tpu.dma_semaphore, #tpu.memory_space<semaphore_mem>>) src(%dma_wait3A_366 : memref<200xf32, #tpu.memory_space<hbm>>) dst(%dma_wait3A_365 : memref<200xf32, #tpu.memory_space<vmem>>)
      tpu.yield
    }) : () -> ()
    "tpu.region"() ({
      %run_scoped3A = tpu.sem_alloc : memref<!tpu.dma_semaphore, #tpu.memory_space<semaphore_mem>>
      %dma_start3A = arith.constant 8600 : i32
      %dma_start3A_357 = tpu.memref_slice %arg6[%dma_start3A] : memref<12800xf32, #tpu.memory_space<vmem>> -> memref<200xf32, #tpu.memory_space<vmem>>
      %dma_start3A_358 = tpu.memref_slice %arg3[%multiple_of3A_26] : memref<25800xf32, #tpu.memory_space<hbm>> -> memref<200xf32, #tpu.memory_space<hbm>>
      %dma_start3A_359 = arith.constant 8600 : i32
      %dma_start3A_360 = tpu.memref_slice %arg6[%dma_start3A_359] : memref<12800xf32, #tpu.memory_space<vmem>> -> memref<200xf32, #tpu.memory_space<vmem>>
      %dma_start3A_361 = tpu.memref_slice %arg3[%multiple_of3A_26] : memref<25800xf32, #tpu.memory_space<hbm>> -> memref<200xf32, #tpu.memory_space<hbm>>
      tpu.enqueue_dma source(%dma_start3A_361 : memref<200xf32, #tpu.memory_space<hbm>>) target(%dma_start3A_360 : memref<200xf32, #tpu.memory_space<vmem>>) target_semaphore(%run_scoped3A : memref<!tpu.dma_semaphore, #tpu.memory_space<semaphore_mem>>)
      %dma_wait3A = arith.constant 8600 : i32
      %dma_wait3A_362 = tpu.memref_slice %arg6[%dma_wait3A] : memref<12800xf32, #tpu.memory_space<vmem>> -> memref<200xf32, #tpu.memory_space<vmem>>
      %dma_wait3A_363 = tpu.memref_slice %arg3[%multiple_of3A_26] : memref<25800xf32, #tpu.memory_space<hbm>> -> memref<200xf32, #tpu.memory_space<hbm>>
      %dma_wait3A_364 = arith.constant 8600 : i32
      %dma_wait3A_365 = tpu.memref_slice %arg6[%dma_wait3A_364] : memref<12800xf32, #tpu.memory_space<vmem>> -> memref<200xf32, #tpu.memory_space<vmem>>
      %dma_wait3A_366 = tpu.memref_slice %arg3[%multiple_of3A_26] : memref<25800xf32, #tpu.memory_space<hbm>> -> memref<200xf32, #tpu.memory_space<hbm>>
      tpu.wait_dma2 semaphore(%run_scoped3A : memref<!tpu.dma_semaphore, #tpu.memory_space<semaphore_mem>>) src(%dma_wait3A_366 : memref<200xf32, #tpu.memory_space<hbm>>) dst(%dma_wait3A_365 : memref<200xf32, #tpu.memory_space<vmem>>)
      tpu.yield
    }) : () -> ()
    "tpu.region"() ({
      %run_scoped3A = tpu.sem_alloc : memref<!tpu.dma_semaphore, #tpu.memory_space<semaphore_mem>>
      %dma_start3A = arith.constant 8800 : i32
      %dma_start3A_357 = tpu.memref_slice %arg6[%dma_start3A] : memref<12800xf32, #tpu.memory_space<vmem>> -> memref<200xf32, #tpu.memory_space<vmem>>
      %dma_start3A_358 = tpu.memref_slice %arg3[%multiple_of3A_26] : memref<25800xf32, #tpu.memory_space<hbm>> -> memref<200xf32, #tpu.memory_space<hbm>>
      %dma_start3A_359 = arith.constant 8800 : i32
      %dma_start3A_360 = tpu.memref_slice %arg6[%dma_start3A_359] : memref<12800xf32, #tpu.memory_space<vmem>> -> memref<200xf32, #tpu.memory_space<vmem>>
      %dma_start3A_361 = tpu.memref_slice %arg3[%multiple_of3A_26] : memref<25800xf32, #tpu.memory_space<hbm>> -> memref<200xf32, #tpu.memory_space<hbm>>
      tpu.enqueue_dma source(%dma_start3A_361 : memref<200xf32, #tpu.memory_space<hbm>>) target(%dma_start3A_360 : memref<200xf32, #tpu.memory_space<vmem>>) target_semaphore(%run_scoped3A : memref<!tpu.dma_semaphore, #tpu.memory_space<semaphore_mem>>)
      %dma_wait3A = arith.constant 8800 : i32
      %dma_wait3A_362 = tpu.memref_slice %arg6[%dma_wait3A] : memref<12800xf32, #tpu.memory_space<vmem>> -> memref<200xf32, #tpu.memory_space<vmem>>
      %dma_wait3A_363 = tpu.memref_slice %arg3[%multiple_of3A_26] : memref<25800xf32, #tpu.memory_space<hbm>> -> memref<200xf32, #tpu.memory_space<hbm>>
      %dma_wait3A_364 = arith.constant 8800 : i32
      %dma_wait3A_365 = tpu.memref_slice %arg6[%dma_wait3A_364] : memref<12800xf32, #tpu.memory_space<vmem>> -> memref<200xf32, #tpu.memory_space<vmem>>
      %dma_wait3A_366 = tpu.memref_slice %arg3[%multiple_of3A_26] : memref<25800xf32, #tpu.memory_space<hbm>> -> memref<200xf32, #tpu.memory_space<hbm>>
      tpu.wait_dma2 semaphore(%run_scoped3A : memref<!tpu.dma_semaphore, #tpu.memory_space<semaphore_mem>>) src(%dma_wait3A_366 : memref<200xf32, #tpu.memory_space<hbm>>) dst(%dma_wait3A_365 : memref<200xf32, #tpu.memory_space<vmem>>)
      tpu.yield
    }) : () -> ()
    "tpu.region"() ({
      %run_scoped3A = tpu.sem_alloc : memref<!tpu.dma_semaphore, #tpu.memory_space<semaphore_mem>>
      %dma_start3A = arith.constant 9000 : i32
      %dma_start3A_357 = tpu.memref_slice %arg6[%dma_start3A] : memref<12800xf32, #tpu.memory_space<vmem>> -> memref<200xf32, #tpu.memory_space<vmem>>
      %dma_start3A_358 = tpu.memref_slice %arg3[%multiple_of3A_26] : memref<25800xf32, #tpu.memory_space<hbm>> -> memref<200xf32, #tpu.memory_space<hbm>>
      %dma_start3A_359 = arith.constant 9000 : i32
      %dma_start3A_360 = tpu.memref_slice %arg6[%dma_start3A_359] : memref<12800xf32, #tpu.memory_space<vmem>> -> memref<200xf32, #tpu.memory_space<vmem>>
      %dma_start3A_361 = tpu.memref_slice %arg3[%multiple_of3A_26] : memref<25800xf32, #tpu.memory_space<hbm>> -> memref<200xf32, #tpu.memory_space<hbm>>
      tpu.enqueue_dma source(%dma_start3A_361 : memref<200xf32, #tpu.memory_space<hbm>>) target(%dma_start3A_360 : memref<200xf32, #tpu.memory_space<vmem>>) target_semaphore(%run_scoped3A : memref<!tpu.dma_semaphore, #tpu.memory_space<semaphore_mem>>)
      %dma_wait3A = arith.constant 9000 : i32
      %dma_wait3A_362 = tpu.memref_slice %arg6[%dma_wait3A] : memref<12800xf32, #tpu.memory_space<vmem>> -> memref<200xf32, #tpu.memory_space<vmem>>
      %dma_wait3A_363 = tpu.memref_slice %arg3[%multiple_of3A_26] : memref<25800xf32, #tpu.memory_space<hbm>> -> memref<200xf32, #tpu.memory_space<hbm>>
      %dma_wait3A_364 = arith.constant 9000 : i32
      %dma_wait3A_365 = tpu.memref_slice %arg6[%dma_wait3A_364] : memref<12800xf32, #tpu.memory_space<vmem>> -> memref<200xf32, #tpu.memory_space<vmem>>
      %dma_wait3A_366 = tpu.memref_slice %arg3[%multiple_of3A_26] : memref<25800xf32, #tpu.memory_space<hbm>> -> memref<200xf32, #tpu.memory_space<hbm>>
      tpu.wait_dma2 semaphore(%run_scoped3A : memref<!tpu.dma_semaphore, #tpu.memory_space<semaphore_mem>>) src(%dma_wait3A_366 : memref<200xf32, #tpu.memory_space<hbm>>) dst(%dma_wait3A_365 : memref<200xf32, #tpu.memory_space<vmem>>)
      tpu.yield
    }) : () -> ()
    "tpu.region"() ({
      %run_scoped3A = tpu.sem_alloc : memref<!tpu.dma_semaphore, #tpu.memory_space<semaphore_mem>>
      %dma_start3A = arith.constant 9200 : i32
      %dma_start3A_357 = tpu.memref_slice %arg6[%dma_start3A] : memref<12800xf32, #tpu.memory_space<vmem>> -> memref<200xf32, #tpu.memory_space<vmem>>
      %dma_start3A_358 = tpu.memref_slice %arg3[%multiple_of3A_26] : memref<25800xf32, #tpu.memory_space<hbm>> -> memref<200xf32, #tpu.memory_space<hbm>>
      %dma_start3A_359 = arith.constant 9200 : i32
      %dma_start3A_360 = tpu.memref_slice %arg6[%dma_start3A_359] : memref<12800xf32, #tpu.memory_space<vmem>> -> memref<200xf32, #tpu.memory_space<vmem>>
      %dma_start3A_361 = tpu.memref_slice %arg3[%multiple_of3A_26] : memref<25800xf32, #tpu.memory_space<hbm>> -> memref<200xf32, #tpu.memory_space<hbm>>
      tpu.enqueue_dma source(%dma_start3A_361 : memref<200xf32, #tpu.memory_space<hbm>>) target(%dma_start3A_360 : memref<200xf32, #tpu.memory_space<vmem>>) target_semaphore(%run_scoped3A : memref<!tpu.dma_semaphore, #tpu.memory_space<semaphore_mem>>)
      %dma_wait3A = arith.constant 9200 : i32
      %dma_wait3A_362 = tpu.memref_slice %arg6[%dma_wait3A] : memref<12800xf32, #tpu.memory_space<vmem>> -> memref<200xf32, #tpu.memory_space<vmem>>
      %dma_wait3A_363 = tpu.memref_slice %arg3[%multiple_of3A_26] : memref<25800xf32, #tpu.memory_space<hbm>> -> memref<200xf32, #tpu.memory_space<hbm>>
      %dma_wait3A_364 = arith.constant 9200 : i32
      %dma_wait3A_365 = tpu.memref_slice %arg6[%dma_wait3A_364] : memref<12800xf32, #tpu.memory_space<vmem>> -> memref<200xf32, #tpu.memory_space<vmem>>
      %dma_wait3A_366 = tpu.memref_slice %arg3[%multiple_of3A_26] : memref<25800xf32, #tpu.memory_space<hbm>> -> memref<200xf32, #tpu.memory_space<hbm>>
      tpu.wait_dma2 semaphore(%run_scoped3A : memref<!tpu.dma_semaphore, #tpu.memory_space<semaphore_mem>>) src(%dma_wait3A_366 : memref<200xf32, #tpu.memory_space<hbm>>) dst(%dma_wait3A_365 : memref<200xf32, #tpu.memory_space<vmem>>)
      tpu.yield
    }) : () -> ()
    "tpu.region"() ({
      %run_scoped3A = tpu.sem_alloc : memref<!tpu.dma_semaphore, #tpu.memory_space<semaphore_mem>>
      %dma_start3A = arith.constant 9400 : i32
      %dma_start3A_357 = tpu.memref_slice %arg6[%dma_start3A] : memref<12800xf32, #tpu.memory_space<vmem>> -> memref<200xf32, #tpu.memory_space<vmem>>
      %dma_start3A_358 = tpu.memref_slice %arg3[%multiple_of3A_26] : memref<25800xf32, #tpu.memory_space<hbm>> -> memref<200xf32, #tpu.memory_space<hbm>>
      %dma_start3A_359 = arith.constant 9400 : i32
      %dma_start3A_360 = tpu.memref_slice %arg6[%dma_start3A_359] : memref<12800xf32, #tpu.memory_space<vmem>> -> memref<200xf32, #tpu.memory_space<vmem>>
      %dma_start3A_361 = tpu.memref_slice %arg3[%multiple_of3A_26] : memref<25800xf32, #tpu.memory_space<hbm>> -> memref<200xf32, #tpu.memory_space<hbm>>
      tpu.enqueue_dma source(%dma_start3A_361 : memref<200xf32, #tpu.memory_space<hbm>>) target(%dma_start3A_360 : memref<200xf32, #tpu.memory_space<vmem>>) target_semaphore(%run_scoped3A : memref<!tpu.dma_semaphore, #tpu.memory_space<semaphore_mem>>)
      %dma_wait3A = arith.constant 9400 : i32
      %dma_wait3A_362 = tpu.memref_slice %arg6[%dma_wait3A] : memref<12800xf32, #tpu.memory_space<vmem>> -> memref<200xf32, #tpu.memory_space<vmem>>
      %dma_wait3A_363 = tpu.memref_slice %arg3[%multiple_of3A_26] : memref<25800xf32, #tpu.memory_space<hbm>> -> memref<200xf32, #tpu.memory_space<hbm>>
      %dma_wait3A_364 = arith.constant 9400 : i32
      %dma_wait3A_365 = tpu.memref_slice %arg6[%dma_wait3A_364] : memref<12800xf32, #tpu.memory_space<vmem>> -> memref<200xf32, #tpu.memory_space<vmem>>
      %dma_wait3A_366 = tpu.memref_slice %arg3[%multiple_of3A_26] : memref<25800xf32, #tpu.memory_space<hbm>> -> memref<200xf32, #tpu.memory_space<hbm>>
      tpu.wait_dma2 semaphore(%run_scoped3A : memref<!tpu.dma_semaphore, #tpu.memory_space<semaphore_mem>>) src(%dma_wait3A_366 : memref<200xf32, #tpu.memory_space<hbm>>) dst(%dma_wait3A_365 : memref<200xf32, #tpu.memory_space<vmem>>)
      tpu.yield
    }) : () -> ()
    %mul3A_27 = arith.constant 4 : i32
    %mul3A_28 = arith.muli %add3A, %mul3A_27 : i32
    %add3A_29 = arith.constant 1 : i32
    %add3A_30 = arith.addi %add3A_29, %mul3A_28 : i32
    %add3A_31 = arith.constant 3 : i32
    %add3A_32 = arith.addi %add3A_30, %add3A_31 : i32
    %mul3A_33 = arith.constant 200 : i32
    %mul3A_34 = arith.muli %add3A_32, %mul3A_33 : i32
    %multiple_of3A_35 = tpu.assume_multiple %mul3A_34, 8 : i32
    "tpu.region"() ({
      %run_scoped3A = tpu.sem_alloc : memref<!tpu.dma_semaphore, #tpu.memory_space<semaphore_mem>>
      %dma_start3A = arith.constant 9600 : i32
      %dma_start3A_357 = tpu.memref_slice %arg6[%dma_start3A] : memref<12800xf32, #tpu.memory_space<vmem>> -> memref<200xf32, #tpu.memory_space<vmem>>
      %dma_start3A_358 = tpu.memref_slice %arg3[%multiple_of3A_35] : memref<25800xf32, #tpu.memory_space<hbm>> -> memref<200xf32, #tpu.memory_space<hbm>>
      %dma_start3A_359 = arith.constant 9600 : i32
      %dma_start3A_360 = tpu.memref_slice %arg6[%dma_start3A_359] : memref<12800xf32, #tpu.memory_space<vmem>> -> memref<200xf32, #tpu.memory_space<vmem>>
      %dma_start3A_361 = tpu.memref_slice %arg3[%multiple_of3A_35] : memref<25800xf32, #tpu.memory_space<hbm>> -> memref<200xf32, #tpu.memory_space<hbm>>
      tpu.enqueue_dma source(%dma_start3A_361 : memref<200xf32, #tpu.memory_space<hbm>>) target(%dma_start3A_360 : memref<200xf32, #tpu.memory_space<vmem>>) target_semaphore(%run_scoped3A : memref<!tpu.dma_semaphore, #tpu.memory_space<semaphore_mem>>)
      %dma_wait3A = arith.constant 9600 : i32
      %dma_wait3A_362 = tpu.memref_slice %arg6[%dma_wait3A] : memref<12800xf32, #tpu.memory_space<vmem>> -> memref<200xf32, #tpu.memory_space<vmem>>
      %dma_wait3A_363 = tpu.memref_slice %arg3[%multiple_of3A_35] : memref<25800xf32, #tpu.memory_space<hbm>> -> memref<200xf32, #tpu.memory_space<hbm>>
      %dma_wait3A_364 = arith.constant 9600 : i32
      %dma_wait3A_365 = tpu.memref_slice %arg6[%dma_wait3A_364] : memref<12800xf32, #tpu.memory_space<vmem>> -> memref<200xf32, #tpu.memory_space<vmem>>
      %dma_wait3A_366 = tpu.memref_slice %arg3[%multiple_of3A_35] : memref<25800xf32, #tpu.memory_space<hbm>> -> memref<200xf32, #tpu.memory_space<hbm>>
      tpu.wait_dma2 semaphore(%run_scoped3A : memref<!tpu.dma_semaphore, #tpu.memory_space<semaphore_mem>>) src(%dma_wait3A_366 : memref<200xf32, #tpu.memory_space<hbm>>) dst(%dma_wait3A_365 : memref<200xf32, #tpu.memory_space<vmem>>)
      tpu.yield
    }) : () -> ()
    "tpu.region"() ({
      %run_scoped3A = tpu.sem_alloc : memref<!tpu.dma_semaphore, #tpu.memory_space<semaphore_mem>>
      %dma_start3A = arith.constant 9800 : i32
      %dma_start3A_357 = tpu.memref_slice %arg6[%dma_start3A] : memref<12800xf32, #tpu.memory_space<vmem>> -> memref<200xf32, #tpu.memory_space<vmem>>
      %dma_start3A_358 = tpu.memref_slice %arg3[%multiple_of3A_35] : memref<25800xf32, #tpu.memory_space<hbm>> -> memref<200xf32, #tpu.memory_space<hbm>>
      %dma_start3A_359 = arith.constant 9800 : i32
      %dma_start3A_360 = tpu.memref_slice %arg6[%dma_start3A_359] : memref<12800xf32, #tpu.memory_space<vmem>> -> memref<200xf32, #tpu.memory_space<vmem>>
      %dma_start3A_361 = tpu.memref_slice %arg3[%multiple_of3A_35] : memref<25800xf32, #tpu.memory_space<hbm>> -> memref<200xf32, #tpu.memory_space<hbm>>
      tpu.enqueue_dma source(%dma_start3A_361 : memref<200xf32, #tpu.memory_space<hbm>>) target(%dma_start3A_360 : memref<200xf32, #tpu.memory_space<vmem>>) target_semaphore(%run_scoped3A : memref<!tpu.dma_semaphore, #tpu.memory_space<semaphore_mem>>)
      %dma_wait3A = arith.constant 9800 : i32
      %dma_wait3A_362 = tpu.memref_slice %arg6[%dma_wait3A] : memref<12800xf32, #tpu.memory_space<vmem>> -> memref<200xf32, #tpu.memory_space<vmem>>
      %dma_wait3A_363 = tpu.memref_slice %arg3[%multiple_of3A_35] : memref<25800xf32, #tpu.memory_space<hbm>> -> memref<200xf32, #tpu.memory_space<hbm>>
      %dma_wait3A_364 = arith.constant 9800 : i32
      %dma_wait3A_365 = tpu.memref_slice %arg6[%dma_wait3A_364] : memref<12800xf32, #tpu.memory_space<vmem>> -> memref<200xf32, #tpu.memory_space<vmem>>
      %dma_wait3A_366 = tpu.memref_slice %arg3[%multiple_of3A_35] : memref<25800xf32, #tpu.memory_space<hbm>> -> memref<200xf32, #tpu.memory_space<hbm>>
      tpu.wait_dma2 semaphore(%run_scoped3A : memref<!tpu.dma_semaphore, #tpu.memory_space<semaphore_mem>>) src(%dma_wait3A_366 : memref<200xf32, #tpu.memory_space<hbm>>) dst(%dma_wait3A_365 : memref<200xf32, #tpu.memory_space<vmem>>)
      tpu.yield
    }) : () -> ()
    "tpu.region"() ({
      %run_scoped3A = tpu.sem_alloc : memref<!tpu.dma_semaphore, #tpu.memory_space<semaphore_mem>>
      %dma_start3A = arith.constant 10000 : i32
      %dma_start3A_357 = tpu.memref_slice %arg6[%dma_start3A] : memref<12800xf32, #tpu.memory_space<vmem>> -> memref<200xf32, #tpu.memory_space<vmem>>
      %dma_start3A_358 = tpu.memref_slice %arg3[%multiple_of3A_35] : memref<25800xf32, #tpu.memory_space<hbm>> -> memref<200xf32, #tpu.memory_space<hbm>>
      %dma_start3A_359 = arith.constant 10000 : i32
      %dma_start3A_360 = tpu.memref_slice %arg6[%dma_start3A_359] : memref<12800xf32, #tpu.memory_space<vmem>> -> memref<200xf32, #tpu.memory_space<vmem>>
      %dma_start3A_361 = tpu.memref_slice %arg3[%multiple_of3A_35] : memref<25800xf32, #tpu.memory_space<hbm>> -> memref<200xf32, #tpu.memory_space<hbm>>
      tpu.enqueue_dma source(%dma_start3A_361 : memref<200xf32, #tpu.memory_space<hbm>>) target(%dma_start3A_360 : memref<200xf32, #tpu.memory_space<vmem>>) target_semaphore(%run_scoped3A : memref<!tpu.dma_semaphore, #tpu.memory_space<semaphore_mem>>)
      %dma_wait3A = arith.constant 10000 : i32
      %dma_wait3A_362 = tpu.memref_slice %arg6[%dma_wait3A] : memref<12800xf32, #tpu.memory_space<vmem>> -> memref<200xf32, #tpu.memory_space<vmem>>
      %dma_wait3A_363 = tpu.memref_slice %arg3[%multiple_of3A_35] : memref<25800xf32, #tpu.memory_space<hbm>> -> memref<200xf32, #tpu.memory_space<hbm>>
      %dma_wait3A_364 = arith.constant 10000 : i32
      %dma_wait3A_365 = tpu.memref_slice %arg6[%dma_wait3A_364] : memref<12800xf32, #tpu.memory_space<vmem>> -> memref<200xf32, #tpu.memory_space<vmem>>
      %dma_wait3A_366 = tpu.memref_slice %arg3[%multiple_of3A_35] : memref<25800xf32, #tpu.memory_space<hbm>> -> memref<200xf32, #tpu.memory_space<hbm>>
      tpu.wait_dma2 semaphore(%run_scoped3A : memref<!tpu.dma_semaphore, #tpu.memory_space<semaphore_mem>>) src(%dma_wait3A_366 : memref<200xf32, #tpu.memory_space<hbm>>) dst(%dma_wait3A_365 : memref<200xf32, #tpu.memory_space<vmem>>)
      tpu.yield
    }) : () -> ()
    "tpu.region"() ({
      %run_scoped3A = tpu.sem_alloc : memref<!tpu.dma_semaphore, #tpu.memory_space<semaphore_mem>>
      %dma_start3A = arith.constant 10200 : i32
      %dma_start3A_357 = tpu.memref_slice %arg6[%dma_start3A] : memref<12800xf32, #tpu.memory_space<vmem>> -> memref<200xf32, #tpu.memory_space<vmem>>
      %dma_start3A_358 = tpu.memref_slice %arg3[%multiple_of3A_35] : memref<25800xf32, #tpu.memory_space<hbm>> -> memref<200xf32, #tpu.memory_space<hbm>>
      %dma_start3A_359 = arith.constant 10200 : i32
      %dma_start3A_360 = tpu.memref_slice %arg6[%dma_start3A_359] : memref<12800xf32, #tpu.memory_space<vmem>> -> memref<200xf32, #tpu.memory_space<vmem>>
      %dma_start3A_361 = tpu.memref_slice %arg3[%multiple_of3A_35] : memref<25800xf32, #tpu.memory_space<hbm>> -> memref<200xf32, #tpu.memory_space<hbm>>
      tpu.enqueue_dma source(%dma_start3A_361 : memref<200xf32, #tpu.memory_space<hbm>>) target(%dma_start3A_360 : memref<200xf32, #tpu.memory_space<vmem>>) target_semaphore(%run_scoped3A : memref<!tpu.dma_semaphore, #tpu.memory_space<semaphore_mem>>)
      %dma_wait3A = arith.constant 10200 : i32
      %dma_wait3A_362 = tpu.memref_slice %arg6[%dma_wait3A] : memref<12800xf32, #tpu.memory_space<vmem>> -> memref<200xf32, #tpu.memory_space<vmem>>
      %dma_wait3A_363 = tpu.memref_slice %arg3[%multiple_of3A_35] : memref<25800xf32, #tpu.memory_space<hbm>> -> memref<200xf32, #tpu.memory_space<hbm>>
      %dma_wait3A_364 = arith.constant 10200 : i32
      %dma_wait3A_365 = tpu.memref_slice %arg6[%dma_wait3A_364] : memref<12800xf32, #tpu.memory_space<vmem>> -> memref<200xf32, #tpu.memory_space<vmem>>
      %dma_wait3A_366 = tpu.memref_slice %arg3[%multiple_of3A_35] : memref<25800xf32, #tpu.memory_space<hbm>> -> memref<200xf32, #tpu.memory_space<hbm>>
      tpu.wait_dma2 semaphore(%run_scoped3A : memref<!tpu.dma_semaphore, #tpu.memory_space<semaphore_mem>>) src(%dma_wait3A_366 : memref<200xf32, #tpu.memory_space<hbm>>) dst(%dma_wait3A_365 : memref<200xf32, #tpu.memory_space<vmem>>)
      tpu.yield
    }) : () -> ()
    "tpu.region"() ({
      %run_scoped3A = tpu.sem_alloc : memref<!tpu.dma_semaphore, #tpu.memory_space<semaphore_mem>>
      %dma_start3A = arith.constant 10400 : i32
      %dma_start3A_357 = tpu.memref_slice %arg6[%dma_start3A] : memref<12800xf32, #tpu.memory_space<vmem>> -> memref<200xf32, #tpu.memory_space<vmem>>
      %dma_start3A_358 = tpu.memref_slice %arg3[%multiple_of3A_35] : memref<25800xf32, #tpu.memory_space<hbm>> -> memref<200xf32, #tpu.memory_space<hbm>>
      %dma_start3A_359 = arith.constant 10400 : i32
      %dma_start3A_360 = tpu.memref_slice %arg6[%dma_start3A_359] : memref<12800xf32, #tpu.memory_space<vmem>> -> memref<200xf32, #tpu.memory_space<vmem>>
      %dma_start3A_361 = tpu.memref_slice %arg3[%multiple_of3A_35] : memref<25800xf32, #tpu.memory_space<hbm>> -> memref<200xf32, #tpu.memory_space<hbm>>
      tpu.enqueue_dma source(%dma_start3A_361 : memref<200xf32, #tpu.memory_space<hbm>>) target(%dma_start3A_360 : memref<200xf32, #tpu.memory_space<vmem>>) target_semaphore(%run_scoped3A : memref<!tpu.dma_semaphore, #tpu.memory_space<semaphore_mem>>)
      %dma_wait3A = arith.constant 10400 : i32
      %dma_wait3A_362 = tpu.memref_slice %arg6[%dma_wait3A] : memref<12800xf32, #tpu.memory_space<vmem>> -> memref<200xf32, #tpu.memory_space<vmem>>
      %dma_wait3A_363 = tpu.memref_slice %arg3[%multiple_of3A_35] : memref<25800xf32, #tpu.memory_space<hbm>> -> memref<200xf32, #tpu.memory_space<hbm>>
      %dma_wait3A_364 = arith.constant 10400 : i32
      %dma_wait3A_365 = tpu.memref_slice %arg6[%dma_wait3A_364] : memref<12800xf32, #tpu.memory_space<vmem>> -> memref<200xf32, #tpu.memory_space<vmem>>
      %dma_wait3A_366 = tpu.memref_slice %arg3[%multiple_of3A_35] : memref<25800xf32, #tpu.memory_space<hbm>> -> memref<200xf32, #tpu.memory_space<hbm>>
      tpu.wait_dma2 semaphore(%run_scoped3A : memref<!tpu.dma_semaphore, #tpu.memory_space<semaphore_mem>>) src(%dma_wait3A_366 : memref<200xf32, #tpu.memory_space<hbm>>) dst(%dma_wait3A_365 : memref<200xf32, #tpu.memory_space<vmem>>)
      tpu.yield
    }) : () -> ()
    "tpu.region"() ({
      %run_scoped3A = tpu.sem_alloc : memref<!tpu.dma_semaphore, #tpu.memory_space<semaphore_mem>>
      %dma_start3A = arith.constant 10600 : i32
      %dma_start3A_357 = tpu.memref_slice %arg6[%dma_start3A] : memref<12800xf32, #tpu.memory_space<vmem>> -> memref<200xf32, #tpu.memory_space<vmem>>
      %dma_start3A_358 = tpu.memref_slice %arg3[%multiple_of3A_35] : memref<25800xf32, #tpu.memory_space<hbm>> -> memref<200xf32, #tpu.memory_space<hbm>>
      %dma_start3A_359 = arith.constant 10600 : i32
      %dma_start3A_360 = tpu.memref_slice %arg6[%dma_start3A_359] : memref<12800xf32, #tpu.memory_space<vmem>> -> memref<200xf32, #tpu.memory_space<vmem>>
      %dma_start3A_361 = tpu.memref_slice %arg3[%multiple_of3A_35] : memref<25800xf32, #tpu.memory_space<hbm>> -> memref<200xf32, #tpu.memory_space<hbm>>
      tpu.enqueue_dma source(%dma_start3A_361 : memref<200xf32, #tpu.memory_space<hbm>>) target(%dma_start3A_360 : memref<200xf32, #tpu.memory_space<vmem>>) target_semaphore(%run_scoped3A : memref<!tpu.dma_semaphore, #tpu.memory_space<semaphore_mem>>)
      %dma_wait3A = arith.constant 10600 : i32
      %dma_wait3A_362 = tpu.memref_slice %arg6[%dma_wait3A] : memref<12800xf32, #tpu.memory_space<vmem>> -> memref<200xf32, #tpu.memory_space<vmem>>
      %dma_wait3A_363 = tpu.memref_slice %arg3[%multiple_of3A_35] : memref<25800xf32, #tpu.memory_space<hbm>> -> memref<200xf32, #tpu.memory_space<hbm>>
      %dma_wait3A_364 = arith.constant 10600 : i32
      %dma_wait3A_365 = tpu.memref_slice %arg6[%dma_wait3A_364] : memref<12800xf32, #tpu.memory_space<vmem>> -> memref<200xf32, #tpu.memory_space<vmem>>
      %dma_wait3A_366 = tpu.memref_slice %arg3[%multiple_of3A_35] : memref<25800xf32, #tpu.memory_space<hbm>> -> memref<200xf32, #tpu.memory_space<hbm>>
      tpu.wait_dma2 semaphore(%run_scoped3A : memref<!tpu.dma_semaphore, #tpu.memory_space<semaphore_mem>>) src(%dma_wait3A_366 : memref<200xf32, #tpu.memory_space<hbm>>) dst(%dma_wait3A_365 : memref<200xf32, #tpu.memory_space<vmem>>)
      tpu.yield
    }) : () -> ()
    "tpu.region"() ({
      %run_scoped3A = tpu.sem_alloc : memref<!tpu.dma_semaphore, #tpu.memory_space<semaphore_mem>>
      %dma_start3A = arith.constant 10800 : i32
      %dma_start3A_357 = tpu.memref_slice %arg6[%dma_start3A] : memref<12800xf32, #tpu.memory_space<vmem>> -> memref<200xf32, #tpu.memory_space<vmem>>
      %dma_start3A_358 = tpu.memref_slice %arg3[%multiple_of3A_35] : memref<25800xf32, #tpu.memory_space<hbm>> -> memref<200xf32, #tpu.memory_space<hbm>>
      %dma_start3A_359 = arith.constant 10800 : i32
      %dma_start3A_360 = tpu.memref_slice %arg6[%dma_start3A_359] : memref<12800xf32, #tpu.memory_space<vmem>> -> memref<200xf32, #tpu.memory_space<vmem>>
      %dma_start3A_361 = tpu.memref_slice %arg3[%multiple_of3A_35] : memref<25800xf32, #tpu.memory_space<hbm>> -> memref<200xf32, #tpu.memory_space<hbm>>
      tpu.enqueue_dma source(%dma_start3A_361 : memref<200xf32, #tpu.memory_space<hbm>>) target(%dma_start3A_360 : memref<200xf32, #tpu.memory_space<vmem>>) target_semaphore(%run_scoped3A : memref<!tpu.dma_semaphore, #tpu.memory_space<semaphore_mem>>)
      %dma_wait3A = arith.constant 10800 : i32
      %dma_wait3A_362 = tpu.memref_slice %arg6[%dma_wait3A] : memref<12800xf32, #tpu.memory_space<vmem>> -> memref<200xf32, #tpu.memory_space<vmem>>
      %dma_wait3A_363 = tpu.memref_slice %arg3[%multiple_of3A_35] : memref<25800xf32, #tpu.memory_space<hbm>> -> memref<200xf32, #tpu.memory_space<hbm>>
      %dma_wait3A_364 = arith.constant 10800 : i32
      %dma_wait3A_365 = tpu.memref_slice %arg6[%dma_wait3A_364] : memref<12800xf32, #tpu.memory_space<vmem>> -> memref<200xf32, #tpu.memory_space<vmem>>
      %dma_wait3A_366 = tpu.memref_slice %arg3[%multiple_of3A_35] : memref<25800xf32, #tpu.memory_space<hbm>> -> memref<200xf32, #tpu.memory_space<hbm>>
      tpu.wait_dma2 semaphore(%run_scoped3A : memref<!tpu.dma_semaphore, #tpu.memory_space<semaphore_mem>>) src(%dma_wait3A_366 : memref<200xf32, #tpu.memory_space<hbm>>) dst(%dma_wait3A_365 : memref<200xf32, #tpu.memory_space<vmem>>)
      tpu.yield
    }) : () -> ()
    "tpu.region"() ({
      %run_scoped3A = tpu.sem_alloc : memref<!tpu.dma_semaphore, #tpu.memory_space<semaphore_mem>>
      %dma_start3A = arith.constant 11000 : i32
      %dma_start3A_357 = tpu.memref_slice %arg6[%dma_start3A] : memref<12800xf32, #tpu.memory_space<vmem>> -> memref<200xf32, #tpu.memory_space<vmem>>
      %dma_start3A_358 = tpu.memref_slice %arg3[%multiple_of3A_35] : memref<25800xf32, #tpu.memory_space<hbm>> -> memref<200xf32, #tpu.memory_space<hbm>>
      %dma_start3A_359 = arith.constant 11000 : i32
      %dma_start3A_360 = tpu.memref_slice %arg6[%dma_start3A_359] : memref<12800xf32, #tpu.memory_space<vmem>> -> memref<200xf32, #tpu.memory_space<vmem>>
      %dma_start3A_361 = tpu.memref_slice %arg3[%multiple_of3A_35] : memref<25800xf32, #tpu.memory_space<hbm>> -> memref<200xf32, #tpu.memory_space<hbm>>
      tpu.enqueue_dma source(%dma_start3A_361 : memref<200xf32, #tpu.memory_space<hbm>>) target(%dma_start3A_360 : memref<200xf32, #tpu.memory_space<vmem>>) target_semaphore(%run_scoped3A : memref<!tpu.dma_semaphore, #tpu.memory_space<semaphore_mem>>)
      %dma_wait3A = arith.constant 11000 : i32
      %dma_wait3A_362 = tpu.memref_slice %arg6[%dma_wait3A] : memref<12800xf32, #tpu.memory_space<vmem>> -> memref<200xf32, #tpu.memory_space<vmem>>
      %dma_wait3A_363 = tpu.memref_slice %arg3[%multiple_of3A_35] : memref<25800xf32, #tpu.memory_space<hbm>> -> memref<200xf32, #tpu.memory_space<hbm>>
      %dma_wait3A_364 = arith.constant 11000 : i32
      %dma_wait3A_365 = tpu.memref_slice %arg6[%dma_wait3A_364] : memref<12800xf32, #tpu.memory_space<vmem>> -> memref<200xf32, #tpu.memory_space<vmem>>
      %dma_wait3A_366 = tpu.memref_slice %arg3[%multiple_of3A_35] : memref<25800xf32, #tpu.memory_space<hbm>> -> memref<200xf32, #tpu.memory_space<hbm>>
      tpu.wait_dma2 semaphore(%run_scoped3A : memref<!tpu.dma_semaphore, #tpu.memory_space<semaphore_mem>>) src(%dma_wait3A_366 : memref<200xf32, #tpu.memory_space<hbm>>) dst(%dma_wait3A_365 : memref<200xf32, #tpu.memory_space<vmem>>)
      tpu.yield
    }) : () -> ()
    "tpu.region"() ({
      %run_scoped3A = tpu.sem_alloc : memref<!tpu.dma_semaphore, #tpu.memory_space<semaphore_mem>>
      %dma_start3A = arith.constant 11200 : i32
      %dma_start3A_357 = tpu.memref_slice %arg6[%dma_start3A] : memref<12800xf32, #tpu.memory_space<vmem>> -> memref<200xf32, #tpu.memory_space<vmem>>
      %dma_start3A_358 = tpu.memref_slice %arg3[%multiple_of3A_35] : memref<25800xf32, #tpu.memory_space<hbm>> -> memref<200xf32, #tpu.memory_space<hbm>>
      %dma_start3A_359 = arith.constant 11200 : i32
      %dma_start3A_360 = tpu.memref_slice %arg6[%dma_start3A_359] : memref<12800xf32, #tpu.memory_space<vmem>> -> memref<200xf32, #tpu.memory_space<vmem>>
      %dma_start3A_361 = tpu.memref_slice %arg3[%multiple_of3A_35] : memref<25800xf32, #tpu.memory_space<hbm>> -> memref<200xf32, #tpu.memory_space<hbm>>
      tpu.enqueue_dma source(%dma_start3A_361 : memref<200xf32, #tpu.memory_space<hbm>>) target(%dma_start3A_360 : memref<200xf32, #tpu.memory_space<vmem>>) target_semaphore(%run_scoped3A : memref<!tpu.dma_semaphore, #tpu.memory_space<semaphore_mem>>)
      %dma_wait3A = arith.constant 11200 : i32
      %dma_wait3A_362 = tpu.memref_slice %arg6[%dma_wait3A] : memref<12800xf32, #tpu.memory_space<vmem>> -> memref<200xf32, #tpu.memory_space<vmem>>
      %dma_wait3A_363 = tpu.memref_slice %arg3[%multiple_of3A_35] : memref<25800xf32, #tpu.memory_space<hbm>> -> memref<200xf32, #tpu.memory_space<hbm>>
      %dma_wait3A_364 = arith.constant 11200 : i32
      %dma_wait3A_365 = tpu.memref_slice %arg6[%dma_wait3A_364] : memref<12800xf32, #tpu.memory_space<vmem>> -> memref<200xf32, #tpu.memory_space<vmem>>
      %dma_wait3A_366 = tpu.memref_slice %arg3[%multiple_of3A_35] : memref<25800xf32, #tpu.memory_space<hbm>> -> memref<200xf32, #tpu.memory_space<hbm>>
      tpu.wait_dma2 semaphore(%run_scoped3A : memref<!tpu.dma_semaphore, #tpu.memory_space<semaphore_mem>>) src(%dma_wait3A_366 : memref<200xf32, #tpu.memory_space<hbm>>) dst(%dma_wait3A_365 : memref<200xf32, #tpu.memory_space<vmem>>)
      tpu.yield
    }) : () -> ()
    "tpu.region"() ({
      %run_scoped3A = tpu.sem_alloc : memref<!tpu.dma_semaphore, #tpu.memory_space<semaphore_mem>>
      %dma_start3A = arith.constant 11400 : i32
      %dma_start3A_357 = tpu.memref_slice %arg6[%dma_start3A] : memref<12800xf32, #tpu.memory_space<vmem>> -> memref<200xf32, #tpu.memory_space<vmem>>
      %dma_start3A_358 = tpu.memref_slice %arg3[%multiple_of3A_35] : memref<25800xf32, #tpu.memory_space<hbm>> -> memref<200xf32, #tpu.memory_space<hbm>>
      %dma_start3A_359 = arith.constant 11400 : i32
      %dma_start3A_360 = tpu.memref_slice %arg6[%dma_start3A_359] : memref<12800xf32, #tpu.memory_space<vmem>> -> memref<200xf32, #tpu.memory_space<vmem>>
      %dma_start3A_361 = tpu.memref_slice %arg3[%multiple_of3A_35] : memref<25800xf32, #tpu.memory_space<hbm>> -> memref<200xf32, #tpu.memory_space<hbm>>
      tpu.enqueue_dma source(%dma_start3A_361 : memref<200xf32, #tpu.memory_space<hbm>>) target(%dma_start3A_360 : memref<200xf32, #tpu.memory_space<vmem>>) target_semaphore(%run_scoped3A : memref<!tpu.dma_semaphore, #tpu.memory_space<semaphore_mem>>)
      %dma_wait3A = arith.constant 11400 : i32
      %dma_wait3A_362 = tpu.memref_slice %arg6[%dma_wait3A] : memref<12800xf32, #tpu.memory_space<vmem>> -> memref<200xf32, #tpu.memory_space<vmem>>
      %dma_wait3A_363 = tpu.memref_slice %arg3[%multiple_of3A_35] : memref<25800xf32, #tpu.memory_space<hbm>> -> memref<200xf32, #tpu.memory_space<hbm>>
      %dma_wait3A_364 = arith.constant 11400 : i32
      %dma_wait3A_365 = tpu.memref_slice %arg6[%dma_wait3A_364] : memref<12800xf32, #tpu.memory_space<vmem>> -> memref<200xf32, #tpu.memory_space<vmem>>
      %dma_wait3A_366 = tpu.memref_slice %arg3[%multiple_of3A_35] : memref<25800xf32, #tpu.memory_space<hbm>> -> memref<200xf32, #tpu.memory_space<hbm>>
      tpu.wait_dma2 semaphore(%run_scoped3A : memref<!tpu.dma_semaphore, #tpu.memory_space<semaphore_mem>>) src(%dma_wait3A_366 : memref<200xf32, #tpu.memory_space<hbm>>) dst(%dma_wait3A_365 : memref<200xf32, #tpu.memory_space<vmem>>)
      tpu.yield
    }) : () -> ()
    "tpu.region"() ({
      %run_scoped3A = tpu.sem_alloc : memref<!tpu.dma_semaphore, #tpu.memory_space<semaphore_mem>>
      %dma_start3A = arith.constant 11600 : i32
      %dma_start3A_357 = tpu.memref_slice %arg6[%dma_start3A] : memref<12800xf32, #tpu.memory_space<vmem>> -> memref<200xf32, #tpu.memory_space<vmem>>
      %dma_start3A_358 = tpu.memref_slice %arg3[%multiple_of3A_35] : memref<25800xf32, #tpu.memory_space<hbm>> -> memref<200xf32, #tpu.memory_space<hbm>>
      %dma_start3A_359 = arith.constant 11600 : i32
      %dma_start3A_360 = tpu.memref_slice %arg6[%dma_start3A_359] : memref<12800xf32, #tpu.memory_space<vmem>> -> memref<200xf32, #tpu.memory_space<vmem>>
      %dma_start3A_361 = tpu.memref_slice %arg3[%multiple_of3A_35] : memref<25800xf32, #tpu.memory_space<hbm>> -> memref<200xf32, #tpu.memory_space<hbm>>
      tpu.enqueue_dma source(%dma_start3A_361 : memref<200xf32, #tpu.memory_space<hbm>>) target(%dma_start3A_360 : memref<200xf32, #tpu.memory_space<vmem>>) target_semaphore(%run_scoped3A : memref<!tpu.dma_semaphore, #tpu.memory_space<semaphore_mem>>)
      %dma_wait3A = arith.constant 11600 : i32
      %dma_wait3A_362 = tpu.memref_slice %arg6[%dma_wait3A] : memref<12800xf32, #tpu.memory_space<vmem>> -> memref<200xf32, #tpu.memory_space<vmem>>
      %dma_wait3A_363 = tpu.memref_slice %arg3[%multiple_of3A_35] : memref<25800xf32, #tpu.memory_space<hbm>> -> memref<200xf32, #tpu.memory_space<hbm>>
      %dma_wait3A_364 = arith.constant 11600 : i32
      %dma_wait3A_365 = tpu.memref_slice %arg6[%dma_wait3A_364] : memref<12800xf32, #tpu.memory_space<vmem>> -> memref<200xf32, #tpu.memory_space<vmem>>
      %dma_wait3A_366 = tpu.memref_slice %arg3[%multiple_of3A_35] : memref<25800xf32, #tpu.memory_space<hbm>> -> memref<200xf32, #tpu.memory_space<hbm>>
      tpu.wait_dma2 semaphore(%run_scoped3A : memref<!tpu.dma_semaphore, #tpu.memory_space<semaphore_mem>>) src(%dma_wait3A_366 : memref<200xf32, #tpu.memory_space<hbm>>) dst(%dma_wait3A_365 : memref<200xf32, #tpu.memory_space<vmem>>)
      tpu.yield
    }) : () -> ()
    "tpu.region"() ({
      %run_scoped3A = tpu.sem_alloc : memref<!tpu.dma_semaphore, #tpu.memory_space<semaphore_mem>>
      %dma_start3A = arith.constant 11800 : i32
      %dma_start3A_357 = tpu.memref_slice %arg6[%dma_start3A] : memref<12800xf32, #tpu.memory_space<vmem>> -> memref<200xf32, #tpu.memory_space<vmem>>
      %dma_start3A_358 = tpu.memref_slice %arg3[%multiple_of3A_35] : memref<25800xf32, #tpu.memory_space<hbm>> -> memref<200xf32, #tpu.memory_space<hbm>>
      %dma_start3A_359 = arith.constant 11800 : i32
      %dma_start3A_360 = tpu.memref_slice %arg6[%dma_start3A_359] : memref<12800xf32, #tpu.memory_space<vmem>> -> memref<200xf32, #tpu.memory_space<vmem>>
      %dma_start3A_361 = tpu.memref_slice %arg3[%multiple_of3A_35] : memref<25800xf32, #tpu.memory_space<hbm>> -> memref<200xf32, #tpu.memory_space<hbm>>
      tpu.enqueue_dma source(%dma_start3A_361 : memref<200xf32, #tpu.memory_space<hbm>>) target(%dma_start3A_360 : memref<200xf32, #tpu.memory_space<vmem>>) target_semaphore(%run_scoped3A : memref<!tpu.dma_semaphore, #tpu.memory_space<semaphore_mem>>)
      %dma_wait3A = arith.constant 11800 : i32
      %dma_wait3A_362 = tpu.memref_slice %arg6[%dma_wait3A] : memref<12800xf32, #tpu.memory_space<vmem>> -> memref<200xf32, #tpu.memory_space<vmem>>
      %dma_wait3A_363 = tpu.memref_slice %arg3[%multiple_of3A_35] : memref<25800xf32, #tpu.memory_space<hbm>> -> memref<200xf32, #tpu.memory_space<hbm>>
      %dma_wait3A_364 = arith.constant 11800 : i32
      %dma_wait3A_365 = tpu.memref_slice %arg6[%dma_wait3A_364] : memref<12800xf32, #tpu.memory_space<vmem>> -> memref<200xf32, #tpu.memory_space<vmem>>
      %dma_wait3A_366 = tpu.memref_slice %arg3[%multiple_of3A_35] : memref<25800xf32, #tpu.memory_space<hbm>> -> memref<200xf32, #tpu.memory_space<hbm>>
      tpu.wait_dma2 semaphore(%run_scoped3A : memref<!tpu.dma_semaphore, #tpu.memory_space<semaphore_mem>>) src(%dma_wait3A_366 : memref<200xf32, #tpu.memory_space<hbm>>) dst(%dma_wait3A_365 : memref<200xf32, #tpu.memory_space<vmem>>)
      tpu.yield
    }) : () -> ()
    "tpu.region"() ({
      %run_scoped3A = tpu.sem_alloc : memref<!tpu.dma_semaphore, #tpu.memory_space<semaphore_mem>>
      %dma_start3A = arith.constant 12000 : i32
      %dma_start3A_357 = tpu.memref_slice %arg6[%dma_start3A] : memref<12800xf32, #tpu.memory_space<vmem>> -> memref<200xf32, #tpu.memory_space<vmem>>
      %dma_start3A_358 = tpu.memref_slice %arg3[%multiple_of3A_35] : memref<25800xf32, #tpu.memory_space<hbm>> -> memref<200xf32, #tpu.memory_space<hbm>>
      %dma_start3A_359 = arith.constant 12000 : i32
      %dma_start3A_360 = tpu.memref_slice %arg6[%dma_start3A_359] : memref<12800xf32, #tpu.memory_space<vmem>> -> memref<200xf32, #tpu.memory_space<vmem>>
      %dma_start3A_361 = tpu.memref_slice %arg3[%multiple_of3A_35] : memref<25800xf32, #tpu.memory_space<hbm>> -> memref<200xf32, #tpu.memory_space<hbm>>
      tpu.enqueue_dma source(%dma_start3A_361 : memref<200xf32, #tpu.memory_space<hbm>>) target(%dma_start3A_360 : memref<200xf32, #tpu.memory_space<vmem>>) target_semaphore(%run_scoped3A : memref<!tpu.dma_semaphore, #tpu.memory_space<semaphore_mem>>)
      %dma_wait3A = arith.constant 12000 : i32
      %dma_wait3A_362 = tpu.memref_slice %arg6[%dma_wait3A] : memref<12800xf32, #tpu.memory_space<vmem>> -> memref<200xf32, #tpu.memory_space<vmem>>
      %dma_wait3A_363 = tpu.memref_slice %arg3[%multiple_of3A_35] : memref<25800xf32, #tpu.memory_space<hbm>> -> memref<200xf32, #tpu.memory_space<hbm>>
      %dma_wait3A_364 = arith.constant 12000 : i32
      %dma_wait3A_365 = tpu.memref_slice %arg6[%dma_wait3A_364] : memref<12800xf32, #tpu.memory_space<vmem>> -> memref<200xf32, #tpu.memory_space<vmem>>
      %dma_wait3A_366 = tpu.memref_slice %arg3[%multiple_of3A_35] : memref<25800xf32, #tpu.memory_space<hbm>> -> memref<200xf32, #tpu.memory_space<hbm>>
      tpu.wait_dma2 semaphore(%run_scoped3A : memref<!tpu.dma_semaphore, #tpu.memory_space<semaphore_mem>>) src(%dma_wait3A_366 : memref<200xf32, #tpu.memory_space<hbm>>) dst(%dma_wait3A_365 : memref<200xf32, #tpu.memory_space<vmem>>)
      tpu.yield
    }) : () -> ()
    "tpu.region"() ({
      %run_scoped3A = tpu.sem_alloc : memref<!tpu.dma_semaphore, #tpu.memory_space<semaphore_mem>>
      %dma_start3A = arith.constant 12200 : i32
      %dma_start3A_357 = tpu.memref_slice %arg6[%dma_start3A] : memref<12800xf32, #tpu.memory_space<vmem>> -> memref<200xf32, #tpu.memory_space<vmem>>
      %dma_start3A_358 = tpu.memref_slice %arg3[%multiple_of3A_35] : memref<25800xf32, #tpu.memory_space<hbm>> -> memref<200xf32, #tpu.memory_space<hbm>>
      %dma_start3A_359 = arith.constant 12200 : i32
      %dma_start3A_360 = tpu.memref_slice %arg6[%dma_start3A_359] : memref<12800xf32, #tpu.memory_space<vmem>> -> memref<200xf32, #tpu.memory_space<vmem>>
      %dma_start3A_361 = tpu.memref_slice %arg3[%multiple_of3A_35] : memref<25800xf32, #tpu.memory_space<hbm>> -> memref<200xf32, #tpu.memory_space<hbm>>
      tpu.enqueue_dma source(%dma_start3A_361 : memref<200xf32, #tpu.memory_space<hbm>>) target(%dma_start3A_360 : memref<200xf32, #tpu.memory_space<vmem>>) target_semaphore(%run_scoped3A : memref<!tpu.dma_semaphore, #tpu.memory_space<semaphore_mem>>)
      %dma_wait3A = arith.constant 12200 : i32
      %dma_wait3A_362 = tpu.memref_slice %arg6[%dma_wait3A] : memref<12800xf32, #tpu.memory_space<vmem>> -> memref<200xf32, #tpu.memory_space<vmem>>
      %dma_wait3A_363 = tpu.memref_slice %arg3[%multiple_of3A_35] : memref<25800xf32, #tpu.memory_space<hbm>> -> memref<200xf32, #tpu.memory_space<hbm>>
      %dma_wait3A_364 = arith.constant 12200 : i32
      %dma_wait3A_365 = tpu.memref_slice %arg6[%dma_wait3A_364] : memref<12800xf32, #tpu.memory_space<vmem>> -> memref<200xf32, #tpu.memory_space<vmem>>
      %dma_wait3A_366 = tpu.memref_slice %arg3[%multiple_of3A_35] : memref<25800xf32, #tpu.memory_space<hbm>> -> memref<200xf32, #tpu.memory_space<hbm>>
      tpu.wait_dma2 semaphore(%run_scoped3A : memref<!tpu.dma_semaphore, #tpu.memory_space<semaphore_mem>>) src(%dma_wait3A_366 : memref<200xf32, #tpu.memory_space<hbm>>) dst(%dma_wait3A_365 : memref<200xf32, #tpu.memory_space<vmem>>)
      tpu.yield
    }) : () -> ()
    "tpu.region"() ({
      %run_scoped3A = tpu.sem_alloc : memref<!tpu.dma_semaphore, #tpu.memory_space<semaphore_mem>>
      %dma_start3A = arith.constant 12400 : i32
      %dma_start3A_357 = tpu.memref_slice %arg6[%dma_start3A] : memref<12800xf32, #tpu.memory_space<vmem>> -> memref<200xf32, #tpu.memory_space<vmem>>
      %dma_start3A_358 = tpu.memref_slice %arg3[%multiple_of3A_35] : memref<25800xf32, #tpu.memory_space<hbm>> -> memref<200xf32, #tpu.memory_space<hbm>>
      %dma_start3A_359 = arith.constant 12400 : i32
      %dma_start3A_360 = tpu.memref_slice %arg6[%dma_start3A_359] : memref<12800xf32, #tpu.memory_space<vmem>> -> memref<200xf32, #tpu.memory_space<vmem>>
      %dma_start3A_361 = tpu.memref_slice %arg3[%multiple_of3A_35] : memref<25800xf32, #tpu.memory_space<hbm>> -> memref<200xf32, #tpu.memory_space<hbm>>
      tpu.enqueue_dma source(%dma_start3A_361 : memref<200xf32, #tpu.memory_space<hbm>>) target(%dma_start3A_360 : memref<200xf32, #tpu.memory_space<vmem>>) target_semaphore(%run_scoped3A : memref<!tpu.dma_semaphore, #tpu.memory_space<semaphore_mem>>)
      %dma_wait3A = arith.constant 12400 : i32
      %dma_wait3A_362 = tpu.memref_slice %arg6[%dma_wait3A] : memref<12800xf32, #tpu.memory_space<vmem>> -> memref<200xf32, #tpu.memory_space<vmem>>
      %dma_wait3A_363 = tpu.memref_slice %arg3[%multiple_of3A_35] : memref<25800xf32, #tpu.memory_space<hbm>> -> memref<200xf32, #tpu.memory_space<hbm>>
      %dma_wait3A_364 = arith.constant 12400 : i32
      %dma_wait3A_365 = tpu.memref_slice %arg6[%dma_wait3A_364] : memref<12800xf32, #tpu.memory_space<vmem>> -> memref<200xf32, #tpu.memory_space<vmem>>
      %dma_wait3A_366 = tpu.memref_slice %arg3[%multiple_of3A_35] : memref<25800xf32, #tpu.memory_space<hbm>> -> memref<200xf32, #tpu.memory_space<hbm>>
      tpu.wait_dma2 semaphore(%run_scoped3A : memref<!tpu.dma_semaphore, #tpu.memory_space<semaphore_mem>>) src(%dma_wait3A_366 : memref<200xf32, #tpu.memory_space<hbm>>) dst(%dma_wait3A_365 : memref<200xf32, #tpu.memory_space<vmem>>)
      tpu.yield
    }) : () -> ()
    "tpu.region"() ({
      %run_scoped3A = tpu.sem_alloc : memref<!tpu.dma_semaphore, #tpu.memory_space<semaphore_mem>>
      %dma_start3A = arith.constant 12600 : i32
      %dma_start3A_357 = tpu.memref_slice %arg6[%dma_start3A] : memref<12800xf32, #tpu.memory_space<vmem>> -> memref<200xf32, #tpu.memory_space<vmem>>
      %dma_start3A_358 = tpu.memref_slice %arg3[%multiple_of3A_35] : memref<25800xf32, #tpu.memory_space<hbm>> -> memref<200xf32, #tpu.memory_space<hbm>>
      %dma_start3A_359 = arith.constant 12600 : i32
      %dma_start3A_360 = tpu.memref_slice %arg6[%dma_start3A_359] : memref<12800xf32, #tpu.memory_space<vmem>> -> memref<200xf32, #tpu.memory_space<vmem>>
      %dma_start3A_361 = tpu.memref_slice %arg3[%multiple_of3A_35] : memref<25800xf32, #tpu.memory_space<hbm>> -> memref<200xf32, #tpu.memory_space<hbm>>
      tpu.enqueue_dma source(%dma_start3A_361 : memref<200xf32, #tpu.memory_space<hbm>>) target(%dma_start3A_360 : memref<200xf32, #tpu.memory_space<vmem>>) target_semaphore(%run_scoped3A : memref<!tpu.dma_semaphore, #tpu.memory_space<semaphore_mem>>)
      %dma_wait3A = arith.constant 12600 : i32
      %dma_wait3A_362 = tpu.memref_slice %arg6[%dma_wait3A] : memref<12800xf32, #tpu.memory_space<vmem>> -> memref<200xf32, #tpu.memory_space<vmem>>
      %dma_wait3A_363 = tpu.memref_slice %arg3[%multiple_of3A_35] : memref<25800xf32, #tpu.memory_space<hbm>> -> memref<200xf32, #tpu.memory_space<hbm>>
      %dma_wait3A_364 = arith.constant 12600 : i32
      %dma_wait3A_365 = tpu.memref_slice %arg6[%dma_wait3A_364] : memref<12800xf32, #tpu.memory_space<vmem>> -> memref<200xf32, #tpu.memory_space<vmem>>
      %dma_wait3A_366 = tpu.memref_slice %arg3[%multiple_of3A_35] : memref<25800xf32, #tpu.memory_space<hbm>> -> memref<200xf32, #tpu.memory_space<hbm>>
      tpu.wait_dma2 semaphore(%run_scoped3A : memref<!tpu.dma_semaphore, #tpu.memory_space<semaphore_mem>>) src(%dma_wait3A_366 : memref<200xf32, #tpu.memory_space<hbm>>) dst(%dma_wait3A_365 : memref<200xf32, #tpu.memory_space<vmem>>)
      tpu.yield
    }) : () -> ()
    "tpu.region"() ({
      %run_scoped3A = tpu.sem_alloc : memref<!tpu.dma_semaphore, #tpu.memory_space<semaphore_mem>>
      %dma_start3A = arith.constant 0 : i32
      %dma_start3A_357 = tpu.memref_slice %arg7[%dma_start3A] : memref<12800xf32, #tpu.memory_space<vmem>> -> memref<3200xf32, #tpu.memory_space<vmem>>
      %dma_start3A_358 = arith.constant 0 : i32
      %dma_start3A_359 = tpu.memref_slice %arg4[%dma_start3A_358] : memref<3200xf32, #tpu.memory_space<hbm>> -> memref<3200xf32, #tpu.memory_space<hbm>>
      %dma_start3A_360 = arith.constant 0 : i32
      %dma_start3A_361 = tpu.memref_slice %arg7[%dma_start3A_360] : memref<12800xf32, #tpu.memory_space<vmem>> -> memref<3200xf32, #tpu.memory_space<vmem>>
      %dma_start3A_362 = arith.constant 0 : i32
      %dma_start3A_363 = tpu.memref_slice %arg4[%dma_start3A_362] : memref<3200xf32, #tpu.memory_space<hbm>> -> memref<3200xf32, #tpu.memory_space<hbm>>
      tpu.enqueue_dma source(%dma_start3A_363 : memref<3200xf32, #tpu.memory_space<hbm>>) target(%dma_start3A_361 : memref<3200xf32, #tpu.memory_space<vmem>>) target_semaphore(%run_scoped3A : memref<!tpu.dma_semaphore, #tpu.memory_space<semaphore_mem>>)
      %dma_wait3A = arith.constant 0 : i32
      %dma_wait3A_364 = tpu.memref_slice %arg7[%dma_wait3A] : memref<12800xf32, #tpu.memory_space<vmem>> -> memref<3200xf32, #tpu.memory_space<vmem>>
      %dma_wait3A_365 = arith.constant 0 : i32
      %dma_wait3A_366 = tpu.memref_slice %arg4[%dma_wait3A_365] : memref<3200xf32, #tpu.memory_space<hbm>> -> memref<3200xf32, #tpu.memory_space<hbm>>
      %dma_wait3A_367 = arith.constant 0 : i32
      %dma_wait3A_368 = tpu.memref_slice %arg7[%dma_wait3A_367] : memref<12800xf32, #tpu.memory_space<vmem>> -> memref<3200xf32, #tpu.memory_space<vmem>>
      %dma_wait3A_369 = arith.constant 0 : i32
      %dma_wait3A_370 = tpu.memref_slice %arg4[%dma_wait3A_369] : memref<3200xf32, #tpu.memory_space<hbm>> -> memref<3200xf32, #tpu.memory_space<hbm>>
      tpu.wait_dma2 semaphore(%run_scoped3A : memref<!tpu.dma_semaphore, #tpu.memory_space<semaphore_mem>>) src(%dma_wait3A_370 : memref<3200xf32, #tpu.memory_space<hbm>>) dst(%dma_wait3A_368 : memref<3200xf32, #tpu.memory_space<vmem>>)
      tpu.yield
    }) : () -> ()
    "tpu.region"() ({
      %run_scoped3A = tpu.sem_alloc : memref<!tpu.dma_semaphore, #tpu.memory_space<semaphore_mem>>
      %dma_start3A = arith.constant 3200 : i32
      %dma_start3A_357 = tpu.memref_slice %arg7[%dma_start3A] : memref<12800xf32, #tpu.memory_space<vmem>> -> memref<3200xf32, #tpu.memory_space<vmem>>
      %dma_start3A_358 = arith.constant 0 : i32
      %dma_start3A_359 = tpu.memref_slice %arg4[%dma_start3A_358] : memref<3200xf32, #tpu.memory_space<hbm>> -> memref<3200xf32, #tpu.memory_space<hbm>>
      %dma_start3A_360 = arith.constant 3200 : i32
      %dma_start3A_361 = tpu.memref_slice %arg7[%dma_start3A_360] : memref<12800xf32, #tpu.memory_space<vmem>> -> memref<3200xf32, #tpu.memory_space<vmem>>
      %dma_start3A_362 = arith.constant 0 : i32
      %dma_start3A_363 = tpu.memref_slice %arg4[%dma_start3A_362] : memref<3200xf32, #tpu.memory_space<hbm>> -> memref<3200xf32, #tpu.memory_space<hbm>>
      tpu.enqueue_dma source(%dma_start3A_363 : memref<3200xf32, #tpu.memory_space<hbm>>) target(%dma_start3A_361 : memref<3200xf32, #tpu.memory_space<vmem>>) target_semaphore(%run_scoped3A : memref<!tpu.dma_semaphore, #tpu.memory_space<semaphore_mem>>)
      %dma_wait3A = arith.constant 3200 : i32
      %dma_wait3A_364 = tpu.memref_slice %arg7[%dma_wait3A] : memref<12800xf32, #tpu.memory_space<vmem>> -> memref<3200xf32, #tpu.memory_space<vmem>>
      %dma_wait3A_365 = arith.constant 0 : i32
      %dma_wait3A_366 = tpu.memref_slice %arg4[%dma_wait3A_365] : memref<3200xf32, #tpu.memory_space<hbm>> -> memref<3200xf32, #tpu.memory_space<hbm>>
      %dma_wait3A_367 = arith.constant 3200 : i32
      %dma_wait3A_368 = tpu.memref_slice %arg7[%dma_wait3A_367] : memref<12800xf32, #tpu.memory_space<vmem>> -> memref<3200xf32, #tpu.memory_space<vmem>>
      %dma_wait3A_369 = arith.constant 0 : i32
      %dma_wait3A_370 = tpu.memref_slice %arg4[%dma_wait3A_369] : memref<3200xf32, #tpu.memory_space<hbm>> -> memref<3200xf32, #tpu.memory_space<hbm>>
      tpu.wait_dma2 semaphore(%run_scoped3A : memref<!tpu.dma_semaphore, #tpu.memory_space<semaphore_mem>>) src(%dma_wait3A_370 : memref<3200xf32, #tpu.memory_space<hbm>>) dst(%dma_wait3A_368 : memref<3200xf32, #tpu.memory_space<vmem>>)
      tpu.yield
    }) : () -> ()
    "tpu.region"() ({
      %run_scoped3A = tpu.sem_alloc : memref<!tpu.dma_semaphore, #tpu.memory_space<semaphore_mem>>
      %dma_start3A = arith.constant 6400 : i32
      %dma_start3A_357 = tpu.memref_slice %arg7[%dma_start3A] : memref<12800xf32, #tpu.memory_space<vmem>> -> memref<3200xf32, #tpu.memory_space<vmem>>
      %dma_start3A_358 = arith.constant 0 : i32
      %dma_start3A_359 = tpu.memref_slice %arg4[%dma_start3A_358] : memref<3200xf32, #tpu.memory_space<hbm>> -> memref<3200xf32, #tpu.memory_space<hbm>>
      %dma_start3A_360 = arith.constant 6400 : i32
      %dma_start3A_361 = tpu.memref_slice %arg7[%dma_start3A_360] : memref<12800xf32, #tpu.memory_space<vmem>> -> memref<3200xf32, #tpu.memory_space<vmem>>
      %dma_start3A_362 = arith.constant 0 : i32
      %dma_start3A_363 = tpu.memref_slice %arg4[%dma_start3A_362] : memref<3200xf32, #tpu.memory_space<hbm>> -> memref<3200xf32, #tpu.memory_space<hbm>>
      tpu.enqueue_dma source(%dma_start3A_363 : memref<3200xf32, #tpu.memory_space<hbm>>) target(%dma_start3A_361 : memref<3200xf32, #tpu.memory_space<vmem>>) target_semaphore(%run_scoped3A : memref<!tpu.dma_semaphore, #tpu.memory_space<semaphore_mem>>)
      %dma_wait3A = arith.constant 6400 : i32
      %dma_wait3A_364 = tpu.memref_slice %arg7[%dma_wait3A] : memref<12800xf32, #tpu.memory_space<vmem>> -> memref<3200xf32, #tpu.memory_space<vmem>>
      %dma_wait3A_365 = arith.constant 0 : i32
      %dma_wait3A_366 = tpu.memref_slice %arg4[%dma_wait3A_365] : memref<3200xf32, #tpu.memory_space<hbm>> -> memref<3200xf32, #tpu.memory_space<hbm>>
      %dma_wait3A_367 = arith.constant 6400 : i32
      %dma_wait3A_368 = tpu.memref_slice %arg7[%dma_wait3A_367] : memref<12800xf32, #tpu.memory_space<vmem>> -> memref<3200xf32, #tpu.memory_space<vmem>>
      %dma_wait3A_369 = arith.constant 0 : i32
      %dma_wait3A_370 = tpu.memref_slice %arg4[%dma_wait3A_369] : memref<3200xf32, #tpu.memory_space<hbm>> -> memref<3200xf32, #tpu.memory_space<hbm>>
      tpu.wait_dma2 semaphore(%run_scoped3A : memref<!tpu.dma_semaphore, #tpu.memory_space<semaphore_mem>>) src(%dma_wait3A_370 : memref<3200xf32, #tpu.memory_space<hbm>>) dst(%dma_wait3A_368 : memref<3200xf32, #tpu.memory_space<vmem>>)
      tpu.yield
    }) : () -> ()
    "tpu.region"() ({
      %run_scoped3A = tpu.sem_alloc : memref<!tpu.dma_semaphore, #tpu.memory_space<semaphore_mem>>
      %dma_start3A = arith.constant 9600 : i32
      %dma_start3A_357 = tpu.memref_slice %arg7[%dma_start3A] : memref<12800xf32, #tpu.memory_space<vmem>> -> memref<3200xf32, #tpu.memory_space<vmem>>
      %dma_start3A_358 = arith.constant 0 : i32
      %dma_start3A_359 = tpu.memref_slice %arg4[%dma_start3A_358] : memref<3200xf32, #tpu.memory_space<hbm>> -> memref<3200xf32, #tpu.memory_space<hbm>>
      %dma_start3A_360 = arith.constant 9600 : i32
      %dma_start3A_361 = tpu.memref_slice %arg7[%dma_start3A_360] : memref<12800xf32, #tpu.memory_space<vmem>> -> memref<3200xf32, #tpu.memory_space<vmem>>
      %dma_start3A_362 = arith.constant 0 : i32
      %dma_start3A_363 = tpu.memref_slice %arg4[%dma_start3A_362] : memref<3200xf32, #tpu.memory_space<hbm>> -> memref<3200xf32, #tpu.memory_space<hbm>>
      tpu.enqueue_dma source(%dma_start3A_363 : memref<3200xf32, #tpu.memory_space<hbm>>) target(%dma_start3A_361 : memref<3200xf32, #tpu.memory_space<vmem>>) target_semaphore(%run_scoped3A : memref<!tpu.dma_semaphore, #tpu.memory_space<semaphore_mem>>)
      %dma_wait3A = arith.constant 9600 : i32
      %dma_wait3A_364 = tpu.memref_slice %arg7[%dma_wait3A] : memref<12800xf32, #tpu.memory_space<vmem>> -> memref<3200xf32, #tpu.memory_space<vmem>>
      %dma_wait3A_365 = arith.constant 0 : i32
      %dma_wait3A_366 = tpu.memref_slice %arg4[%dma_wait3A_365] : memref<3200xf32, #tpu.memory_space<hbm>> -> memref<3200xf32, #tpu.memory_space<hbm>>
      %dma_wait3A_367 = arith.constant 9600 : i32
      %dma_wait3A_368 = tpu.memref_slice %arg7[%dma_wait3A_367] : memref<12800xf32, #tpu.memory_space<vmem>> -> memref<3200xf32, #tpu.memory_space<vmem>>
      %dma_wait3A_369 = arith.constant 0 : i32
      %dma_wait3A_370 = tpu.memref_slice %arg4[%dma_wait3A_369] : memref<3200xf32, #tpu.memory_space<hbm>> -> memref<3200xf32, #tpu.memory_space<hbm>>
      tpu.wait_dma2 semaphore(%run_scoped3A : memref<!tpu.dma_semaphore, #tpu.memory_space<semaphore_mem>>) src(%dma_wait3A_370 : memref<3200xf32, #tpu.memory_space<hbm>>) dst(%dma_wait3A_368 : memref<3200xf32, #tpu.memory_space<vmem>>)
      tpu.yield
    }) : () -> ()
    %scan3A = arith.constant 0 : i32
    %scan3A_36 = arith.constant 0 : i32
    %scan3A_37 = arith.constant 800 : i32
    %scan3A_38 = arith.addi %scan3A_36, %scan3A_37 : i32
    %scan3A_39 = arith.constant 1 : i32
    %scan3A_40 = scf.for %scan3A_357 = %scan3A_36 to %scan3A_38 step %scan3A_39 iter_args(%scan3A_358 = %scan3A) -> (i32)  : i32 {
      %mul3A_359 = arith.constant 16 : i32
      %mul3A_360 = arith.muli %scan3A_357, %mul3A_359 : i32
      %get3A_361 = arith.index_cast %mul3A_360 : i32 to index
      %get3A_362 = tpu.vector_load %arg6[%get3A_361] {strides = array<i32>} : memref<12800xf32, #tpu.memory_space<vmem>>, vector<16xf32>,
      %get3A_363 = vector.shape_cast %get3A_362 : vector<16xf32> to vector<16xf32>
      %get3A_364 = arith.index_cast %mul3A_360 : i32 to index
      %get3A_365 = tpu.vector_load %arg7[%get3A_364] {strides = array<i32>} : memref<12800xf32, #tpu.memory_space<vmem>>, vector<16xf32>,
      %get3A_366 = vector.shape_cast %get3A_365 : vector<16xf32> to vector<16xf32>
      %add3A_367 = arith.addf %get3A_363, %get3A_366 : vector<16xf32>
      %swap3A_368 = arith.index_cast %mul3A_360 : i32 to index
      %swap3A_369 = tpu.vector_load %arg6[%swap3A_368] {strides = array<i32>} : memref<12800xf32, #tpu.memory_space<vmem>>, vector<16xf32>,
      %swap3A_370 = vector.shape_cast %swap3A_369 : vector<16xf32> to vector<16xf32>
      %swap3A_371 = vector.shape_cast %add3A_367 : vector<16xf32> to vector<16xf32>
      tpu.vector_store %arg6[%swap3A_368], %swap3A_371 {strides = array<i32>} : memref<12800xf32, #tpu.memory_space<vmem>>, vector<16xf32>,
      %scan3A_372 = arith.constant 0 : i32
      scf.yield %scan3A_372 : i32
    }
    %scan3A_41 = arith.constant 800 : i32
    "tpu.region"() ({
      %run_scoped3A = tpu.sem_alloc : memref<!tpu.dma_semaphore, #tpu.memory_space<semaphore_mem>>
      %dma_start3A = arith.constant 0 : i32
      %dma_start3A_357 = tpu.memref_slice %arg10[%dma_start3A] : memref<208xf32, #tpu.memory_space<vmem>> -> memref<200xf32, #tpu.memory_space<vmem>>
      %dma_start3A_358 = arith.constant 0 : i32
      %dma_start3A_359 = tpu.memref_slice %arg3[%dma_start3A_358] : memref<25800xf32, #tpu.memory_space<hbm>> -> memref<200xf32, #tpu.memory_space<hbm>>
      %dma_start3A_360 = arith.constant 0 : i32
      %dma_start3A_361 = tpu.memref_slice %arg10[%dma_start3A_360] : memref<208xf32, #tpu.memory_space<vmem>> -> memref<200xf32, #tpu.memory_space<vmem>>
      %dma_start3A_362 = arith.constant 0 : i32
      %dma_start3A_363 = tpu.memref_slice %arg3[%dma_start3A_362] : memref<25800xf32, #tpu.memory_space<hbm>> -> memref<200xf32, #tpu.memory_space<hbm>>
      tpu.enqueue_dma source(%dma_start3A_363 : memref<200xf32, #tpu.memory_space<hbm>>) target(%dma_start3A_361 : memref<200xf32, #tpu.memory_space<vmem>>) target_semaphore(%run_scoped3A : memref<!tpu.dma_semaphore, #tpu.memory_space<semaphore_mem>>)
      %dma_wait3A = arith.constant 0 : i32
      %dma_wait3A_364 = tpu.memref_slice %arg10[%dma_wait3A] : memref<208xf32, #tpu.memory_space<vmem>> -> memref<200xf32, #tpu.memory_space<vmem>>
      %dma_wait3A_365 = arith.constant 0 : i32
      %dma_wait3A_366 = tpu.memref_slice %arg3[%dma_wait3A_365] : memref<25800xf32, #tpu.memory_space<hbm>> -> memref<200xf32, #tpu.memory_space<hbm>>
      %dma_wait3A_367 = arith.constant 0 : i32
      %dma_wait3A_368 = tpu.memref_slice %arg10[%dma_wait3A_367] : memref<208xf32, #tpu.memory_space<vmem>> -> memref<200xf32, #tpu.memory_space<vmem>>
      %dma_wait3A_369 = arith.constant 0 : i32
      %dma_wait3A_370 = tpu.memref_slice %arg3[%dma_wait3A_369] : memref<25800xf32, #tpu.memory_space<hbm>> -> memref<200xf32, #tpu.memory_space<hbm>>
      tpu.wait_dma2 semaphore(%run_scoped3A : memref<!tpu.dma_semaphore, #tpu.memory_space<semaphore_mem>>) src(%dma_wait3A_370 : memref<200xf32, #tpu.memory_space<hbm>>) dst(%dma_wait3A_368 : memref<200xf32, #tpu.memory_space<vmem>>)
      tpu.yield
    }) : () -> ()
    %mul3A_42 = arith.constant 2 : i32
    %mul3A_43 = arith.muli %add3A, %mul3A_42 : i32
    %add3A_44 = arith.constant 0 : i32
    %add3A_45 = arith.addi %mul3A_43, %add3A_44 : i32
    %mul3A_46 = arith.constant 2049 : i32
    %mul3A_47 = arith.muli %add3A_45, %mul3A_46 : i32
    %mul3A_48 = arith.constant 200 : i32
    %mul3A_49 = arith.muli %mul3A_47, %mul3A_48 : i32
    %multiple_of3A_50 = tpu.assume_multiple %mul3A_49, 8 : i32
    "tpu.region"() ({
      %run_scoped3A = tpu.sem_alloc : memref<!tpu.dma_semaphore, #tpu.memory_space<semaphore_mem>>
      %dma_start3A = arith.constant 0 : i32
      %dma_start3A_357 = tpu.memref_slice %arg8[%dma_start3A] : memref<12800xf32, #tpu.memory_space<vmem>> -> memref<200xf32, #tpu.memory_space<vmem>>
      %dma_start3A_358 = tpu.memref_slice %arg2[%multiple_of3A_50] : memref<26227200xf32, #tpu.memory_space<hbm>> -> memref<200xf32, #tpu.memory_space<hbm>>
      %dma_start3A_359 = arith.constant 0 : i32
      %dma_start3A_360 = tpu.memref_slice %arg8[%dma_start3A_359] : memref<12800xf32, #tpu.memory_space<vmem>> -> memref<200xf32, #tpu.memory_space<vmem>>
      %dma_start3A_361 = tpu.memref_slice %arg2[%multiple_of3A_50] : memref<26227200xf32, #tpu.memory_space<hbm>> -> memref<200xf32, #tpu.memory_space<hbm>>
      tpu.enqueue_dma source(%dma_start3A_361 : memref<200xf32, #tpu.memory_space<hbm>>) target(%dma_start3A_360 : memref<200xf32, #tpu.memory_space<vmem>>) target_semaphore(%run_scoped3A : memref<!tpu.dma_semaphore, #tpu.memory_space<semaphore_mem>>)
      %dma_wait3A = arith.constant 0 : i32
      %dma_wait3A_362 = tpu.memref_slice %arg8[%dma_wait3A] : memref<12800xf32, #tpu.memory_space<vmem>> -> memref<200xf32, #tpu.memory_space<vmem>>
      %dma_wait3A_363 = tpu.memref_slice %arg2[%multiple_of3A_50] : memref<26227200xf32, #tpu.memory_space<hbm>> -> memref<200xf32, #tpu.memory_space<hbm>>
      %dma_wait3A_364 = arith.constant 0 : i32
      %dma_wait3A_365 = tpu.memref_slice %arg8[%dma_wait3A_364] : memref<12800xf32, #tpu.memory_space<vmem>> -> memref<200xf32, #tpu.memory_space<vmem>>
      %dma_wait3A_366 = tpu.memref_slice %arg2[%multiple_of3A_50] : memref<26227200xf32, #tpu.memory_space<hbm>> -> memref<200xf32, #tpu.memory_space<hbm>>
      tpu.wait_dma2 semaphore(%run_scoped3A : memref<!tpu.dma_semaphore, #tpu.memory_space<semaphore_mem>>) src(%dma_wait3A_366 : memref<200xf32, #tpu.memory_space<hbm>>) dst(%dma_wait3A_365 : memref<200xf32, #tpu.memory_space<vmem>>)
      tpu.yield
    }) : () -> ()
    %get3A = arith.constant 0 : index
    %get3A_51 = tpu.vector_load %arg8[%get3A] {strides = array<i32>} : memref<12800xf32, #tpu.memory_space<vmem>>, vector<16xf32>,
    %get3A_52 = vector.shape_cast %get3A_51 : vector<16xf32> to vector<16xf32>
    %get3A_53 = arith.constant 0 : index
    %get3A_54 = tpu.vector_load %arg10[%get3A_53] {strides = array<i32>} : memref<208xf32, #tpu.memory_space<vmem>>, vector<16xf32>,
    %get3A_55 = vector.shape_cast %get3A_54 : vector<16xf32> to vector<16xf32>
    %add3A_56 = arith.addf %get3A_52, %get3A_55 : vector<16xf32>
    %swap3A = arith.constant 0 : index
    %swap3A_57 = tpu.vector_load %arg8[%swap3A] {strides = array<i32>} : memref<12800xf32, #tpu.memory_space<vmem>>, vector<16xf32>,
    %swap3A_58 = vector.shape_cast %swap3A_57 : vector<16xf32> to vector<16xf32>
    %swap3A_59 = vector.shape_cast %add3A_56 : vector<16xf32> to vector<16xf32>
    tpu.vector_store %arg8[%swap3A], %swap3A_59 {strides = array<i32>} : memref<12800xf32, #tpu.memory_space<vmem>>, vector<16xf32>,
    %get3A_60 = arith.constant 16 : index
    %get3A_61 = tpu.vector_load %arg8[%get3A_60] {strides = array<i32>} : memref<12800xf32, #tpu.memory_space<vmem>>, vector<16xf32>,
    %get3A_62 = vector.shape_cast %get3A_61 : vector<16xf32> to vector<16xf32>
    %get3A_63 = arith.constant 16 : index
    %get3A_64 = tpu.vector_load %arg10[%get3A_63] {strides = array<i32>} : memref<208xf32, #tpu.memory_space<vmem>>, vector<16xf32>,
    %get3A_65 = vector.shape_cast %get3A_64 : vector<16xf32> to vector<16xf32>
    %add3A_66 = arith.addf %get3A_62, %get3A_65 : vector<16xf32>
    %swap3A_67 = arith.constant 16 : index
    %swap3A_68 = tpu.vector_load %arg8[%swap3A_67] {strides = array<i32>} : memref<12800xf32, #tpu.memory_space<vmem>>, vector<16xf32>,
    %swap3A_69 = vector.shape_cast %swap3A_68 : vector<16xf32> to vector<16xf32>
    %swap3A_70 = vector.shape_cast %add3A_66 : vector<16xf32> to vector<16xf32>
    tpu.vector_store %arg8[%swap3A_67], %swap3A_70 {strides = array<i32>} : memref<12800xf32, #tpu.memory_space<vmem>>, vector<16xf32>,
    %get3A_71 = arith.constant 32 : index
    %get3A_72 = tpu.vector_load %arg8[%get3A_71] {strides = array<i32>} : memref<12800xf32, #tpu.memory_space<vmem>>, vector<16xf32>,
    %get3A_73 = vector.shape_cast %get3A_72 : vector<16xf32> to vector<16xf32>
    %get3A_74 = arith.constant 32 : index
    %get3A_75 = tpu.vector_load %arg10[%get3A_74] {strides = array<i32>} : memref<208xf32, #tpu.memory_space<vmem>>, vector<16xf32>,
    %get3A_76 = vector.shape_cast %get3A_75 : vector<16xf32> to vector<16xf32>
    %add3A_77 = arith.addf %get3A_73, %get3A_76 : vector<16xf32>
    %swap3A_78 = arith.constant 32 : index
    %swap3A_79 = tpu.vector_load %arg8[%swap3A_78] {strides = array<i32>} : memref<12800xf32, #tpu.memory_space<vmem>>, vector<16xf32>,
    %swap3A_80 = vector.shape_cast %swap3A_79 : vector<16xf32> to vector<16xf32>
    %swap3A_81 = vector.shape_cast %add3A_77 : vector<16xf32> to vector<16xf32>
    tpu.vector_store %arg8[%swap3A_78], %swap3A_81 {strides = array<i32>} : memref<12800xf32, #tpu.memory_space<vmem>>, vector<16xf32>,
    %get3A_82 = arith.constant 48 : index
    %get3A_83 = tpu.vector_load %arg8[%get3A_82] {strides = array<i32>} : memref<12800xf32, #tpu.memory_space<vmem>>, vector<16xf32>,
    %get3A_84 = vector.shape_cast %get3A_83 : vector<16xf32> to vector<16xf32>
    %get3A_85 = arith.constant 48 : index
    %get3A_86 = tpu.vector_load %arg10[%get3A_85] {strides = array<i32>} : memref<208xf32, #tpu.memory_space<vmem>>, vector<16xf32>,
    %get3A_87 = vector.shape_cast %get3A_86 : vector<16xf32> to vector<16xf32>
    %add3A_88 = arith.addf %get3A_84, %get3A_87 : vector<16xf32>
    %swap3A_89 = arith.constant 48 : index
    %swap3A_90 = tpu.vector_load %arg8[%swap3A_89] {strides = array<i32>} : memref<12800xf32, #tpu.memory_space<vmem>>, vector<16xf32>,
    %swap3A_91 = vector.shape_cast %swap3A_90 : vector<16xf32> to vector<16xf32>
    %swap3A_92 = vector.shape_cast %add3A_88 : vector<16xf32> to vector<16xf32>
    tpu.vector_store %arg8[%swap3A_89], %swap3A_92 {strides = array<i32>} : memref<12800xf32, #tpu.memory_space<vmem>>, vector<16xf32>,
    %get3A_93 = arith.constant 64 : index
    %get3A_94 = tpu.vector_load %arg8[%get3A_93] {strides = array<i32>} : memref<12800xf32, #tpu.memory_space<vmem>>, vector<16xf32>,
    %get3A_95 = vector.shape_cast %get3A_94 : vector<16xf32> to vector<16xf32>
    %get3A_96 = arith.constant 64 : index
    %get3A_97 = tpu.vector_load %arg10[%get3A_96] {strides = array<i32>} : memref<208xf32, #tpu.memory_space<vmem>>, vector<16xf32>,
    %get3A_98 = vector.shape_cast %get3A_97 : vector<16xf32> to vector<16xf32>
    %add3A_99 = arith.addf %get3A_95, %get3A_98 : vector<16xf32>
    %swap3A_100 = arith.constant 64 : index
    %swap3A_101 = tpu.vector_load %arg8[%swap3A_100] {strides = array<i32>} : memref<12800xf32, #tpu.memory_space<vmem>>, vector<16xf32>,
    %swap3A_102 = vector.shape_cast %swap3A_101 : vector<16xf32> to vector<16xf32>
    %swap3A_103 = vector.shape_cast %add3A_99 : vector<16xf32> to vector<16xf32>
    tpu.vector_store %arg8[%swap3A_100], %swap3A_103 {strides = array<i32>} : memref<12800xf32, #tpu.memory_space<vmem>>, vector<16xf32>,
    %get3A_104 = arith.constant 80 : index
    %get3A_105 = tpu.vector_load %arg8[%get3A_104] {strides = array<i32>} : memref<12800xf32, #tpu.memory_space<vmem>>, vector<16xf32>,
    %get3A_106 = vector.shape_cast %get3A_105 : vector<16xf32> to vector<16xf32>
    %get3A_107 = arith.constant 80 : index
    %get3A_108 = tpu.vector_load %arg10[%get3A_107] {strides = array<i32>} : memref<208xf32, #tpu.memory_space<vmem>>, vector<16xf32>,
    %get3A_109 = vector.shape_cast %get3A_108 : vector<16xf32> to vector<16xf32>
    %add3A_110 = arith.addf %get3A_106, %get3A_109 : vector<16xf32>
    %swap3A_111 = arith.constant 80 : index
    %swap3A_112 = tpu.vector_load %arg8[%swap3A_111] {strides = array<i32>} : memref<12800xf32, #tpu.memory_space<vmem>>, vector<16xf32>,
    %swap3A_113 = vector.shape_cast %swap3A_112 : vector<16xf32> to vector<16xf32>
    %swap3A_114 = vector.shape_cast %add3A_110 : vector<16xf32> to vector<16xf32>
    tpu.vector_store %arg8[%swap3A_111], %swap3A_114 {strides = array<i32>} : memref<12800xf32, #tpu.memory_space<vmem>>, vector<16xf32>,
    %get3A_115 = arith.constant 96 : index
    %get3A_116 = tpu.vector_load %arg8[%get3A_115] {strides = array<i32>} : memref<12800xf32, #tpu.memory_space<vmem>>, vector<16xf32>,
    %get3A_117 = vector.shape_cast %get3A_116 : vector<16xf32> to vector<16xf32>
    %get3A_118 = arith.constant 96 : index
    %get3A_119 = tpu.vector_load %arg10[%get3A_118] {strides = array<i32>} : memref<208xf32, #tpu.memory_space<vmem>>, vector<16xf32>,
    %get3A_120 = vector.shape_cast %get3A_119 : vector<16xf32> to vector<16xf32>
    %add3A_121 = arith.addf %get3A_117, %get3A_120 : vector<16xf32>
    %swap3A_122 = arith.constant 96 : index
    %swap3A_123 = tpu.vector_load %arg8[%swap3A_122] {strides = array<i32>} : memref<12800xf32, #tpu.memory_space<vmem>>, vector<16xf32>,
    %swap3A_124 = vector.shape_cast %swap3A_123 : vector<16xf32> to vector<16xf32>
    %swap3A_125 = vector.shape_cast %add3A_121 : vector<16xf32> to vector<16xf32>
    tpu.vector_store %arg8[%swap3A_122], %swap3A_125 {strides = array<i32>} : memref<12800xf32, #tpu.memory_space<vmem>>, vector<16xf32>,
    %get3A_126 = arith.constant 112 : index
    %get3A_127 = tpu.vector_load %arg8[%get3A_126] {strides = array<i32>} : memref<12800xf32, #tpu.memory_space<vmem>>, vector<16xf32>,
    %get3A_128 = vector.shape_cast %get3A_127 : vector<16xf32> to vector<16xf32>
    %get3A_129 = arith.constant 112 : index
    %get3A_130 = tpu.vector_load %arg10[%get3A_129] {strides = array<i32>} : memref<208xf32, #tpu.memory_space<vmem>>, vector<16xf32>,
    %get3A_131 = vector.shape_cast %get3A_130 : vector<16xf32> to vector<16xf32>
    %add3A_132 = arith.addf %get3A_128, %get3A_131 : vector<16xf32>
    %swap3A_133 = arith.constant 112 : index
    %swap3A_134 = tpu.vector_load %arg8[%swap3A_133] {strides = array<i32>} : memref<12800xf32, #tpu.memory_space<vmem>>, vector<16xf32>,
    %swap3A_135 = vector.shape_cast %swap3A_134 : vector<16xf32> to vector<16xf32>
    %swap3A_136 = vector.shape_cast %add3A_132 : vector<16xf32> to vector<16xf32>
    tpu.vector_store %arg8[%swap3A_133], %swap3A_136 {strides = array<i32>} : memref<12800xf32, #tpu.memory_space<vmem>>, vector<16xf32>,
    %get3A_137 = arith.constant 128 : index
    %get3A_138 = tpu.vector_load %arg8[%get3A_137] {strides = array<i32>} : memref<12800xf32, #tpu.memory_space<vmem>>, vector<16xf32>,
    %get3A_139 = vector.shape_cast %get3A_138 : vector<16xf32> to vector<16xf32>
    %get3A_140 = arith.constant 128 : index
    %get3A_141 = tpu.vector_load %arg10[%get3A_140] {strides = array<i32>} : memref<208xf32, #tpu.memory_space<vmem>>, vector<16xf32>,
    %get3A_142 = vector.shape_cast %get3A_141 : vector<16xf32> to vector<16xf32>
    %add3A_143 = arith.addf %get3A_139, %get3A_142 : vector<16xf32>
    %swap3A_144 = arith.constant 128 : index
    %swap3A_145 = tpu.vector_load %arg8[%swap3A_144] {strides = array<i32>} : memref<12800xf32, #tpu.memory_space<vmem>>, vector<16xf32>,
    %swap3A_146 = vector.shape_cast %swap3A_145 : vector<16xf32> to vector<16xf32>
    %swap3A_147 = vector.shape_cast %add3A_143 : vector<16xf32> to vector<16xf32>
    tpu.vector_store %arg8[%swap3A_144], %swap3A_147 {strides = array<i32>} : memref<12800xf32, #tpu.memory_space<vmem>>, vector<16xf32>,
    %get3A_148 = arith.constant 144 : index
    %get3A_149 = tpu.vector_load %arg8[%get3A_148] {strides = array<i32>} : memref<12800xf32, #tpu.memory_space<vmem>>, vector<16xf32>,
    %get3A_150 = vector.shape_cast %get3A_149 : vector<16xf32> to vector<16xf32>
    %get3A_151 = arith.constant 144 : index
    %get3A_152 = tpu.vector_load %arg10[%get3A_151] {strides = array<i32>} : memref<208xf32, #tpu.memory_space<vmem>>, vector<16xf32>,
    %get3A_153 = vector.shape_cast %get3A_152 : vector<16xf32> to vector<16xf32>
    %add3A_154 = arith.addf %get3A_150, %get3A_153 : vector<16xf32>
    %swap3A_155 = arith.constant 144 : index
    %swap3A_156 = tpu.vector_load %arg8[%swap3A_155] {strides = array<i32>} : memref<12800xf32, #tpu.memory_space<vmem>>, vector<16xf32>,
    %swap3A_157 = vector.shape_cast %swap3A_156 : vector<16xf32> to vector<16xf32>
    %swap3A_158 = vector.shape_cast %add3A_154 : vector<16xf32> to vector<16xf32>
    tpu.vector_store %arg8[%swap3A_155], %swap3A_158 {strides = array<i32>} : memref<12800xf32, #tpu.memory_space<vmem>>, vector<16xf32>,
    %get3A_159 = arith.constant 160 : index
    %get3A_160 = tpu.vector_load %arg8[%get3A_159] {strides = array<i32>} : memref<12800xf32, #tpu.memory_space<vmem>>, vector<16xf32>,
    %get3A_161 = vector.shape_cast %get3A_160 : vector<16xf32> to vector<16xf32>
    %get3A_162 = arith.constant 160 : index
    %get3A_163 = tpu.vector_load %arg10[%get3A_162] {strides = array<i32>} : memref<208xf32, #tpu.memory_space<vmem>>, vector<16xf32>,
    %get3A_164 = vector.shape_cast %get3A_163 : vector<16xf32> to vector<16xf32>
    %add3A_165 = arith.addf %get3A_161, %get3A_164 : vector<16xf32>
    %swap3A_166 = arith.constant 160 : index
    %swap3A_167 = tpu.vector_load %arg8[%swap3A_166] {strides = array<i32>} : memref<12800xf32, #tpu.memory_space<vmem>>, vector<16xf32>,
    %swap3A_168 = vector.shape_cast %swap3A_167 : vector<16xf32> to vector<16xf32>
    %swap3A_169 = vector.shape_cast %add3A_165 : vector<16xf32> to vector<16xf32>
    tpu.vector_store %arg8[%swap3A_166], %swap3A_169 {strides = array<i32>} : memref<12800xf32, #tpu.memory_space<vmem>>, vector<16xf32>,
    %get3A_170 = arith.constant 176 : index
    %get3A_171 = tpu.vector_load %arg8[%get3A_170] {strides = array<i32>} : memref<12800xf32, #tpu.memory_space<vmem>>, vector<16xf32>,
    %get3A_172 = vector.shape_cast %get3A_171 : vector<16xf32> to vector<16xf32>
    %get3A_173 = arith.constant 176 : index
    %get3A_174 = tpu.vector_load %arg10[%get3A_173] {strides = array<i32>} : memref<208xf32, #tpu.memory_space<vmem>>, vector<16xf32>,
    %get3A_175 = vector.shape_cast %get3A_174 : vector<16xf32> to vector<16xf32>
    %add3A_176 = arith.addf %get3A_172, %get3A_175 : vector<16xf32>
    %swap3A_177 = arith.constant 176 : index
    %swap3A_178 = tpu.vector_load %arg8[%swap3A_177] {strides = array<i32>} : memref<12800xf32, #tpu.memory_space<vmem>>, vector<16xf32>,
    %swap3A_179 = vector.shape_cast %swap3A_178 : vector<16xf32> to vector<16xf32>
    %swap3A_180 = vector.shape_cast %add3A_176 : vector<16xf32> to vector<16xf32>
    tpu.vector_store %arg8[%swap3A_177], %swap3A_180 {strides = array<i32>} : memref<12800xf32, #tpu.memory_space<vmem>>, vector<16xf32>,
    %get3A_181 = arith.constant 192 : index
    %get3A_182 = tpu.vector_load %arg8[%get3A_181] {strides = array<i32>} : memref<12800xf32, #tpu.memory_space<vmem>>, vector<16xf32>,
    %get3A_183 = vector.shape_cast %get3A_182 : vector<16xf32> to vector<16xf32>
    %get3A_184 = arith.constant 192 : index
    %get3A_185 = tpu.vector_load %arg10[%get3A_184] {strides = array<i32>} : memref<208xf32, #tpu.memory_space<vmem>>, vector<16xf32>,
    %get3A_186 = vector.shape_cast %get3A_185 : vector<16xf32> to vector<16xf32>
    %add3A_187 = arith.addf %get3A_183, %get3A_186 : vector<16xf32>
    %swap3A_188 = arith.constant 192 : index
    %swap3A_189 = tpu.vector_load %arg8[%swap3A_188] {strides = array<i32>} : memref<12800xf32, #tpu.memory_space<vmem>>, vector<16xf32>,
    %swap3A_190 = vector.shape_cast %swap3A_189 : vector<16xf32> to vector<16xf32>
    %swap3A_191 = vector.shape_cast %add3A_187 : vector<16xf32> to vector<16xf32>
    tpu.vector_store %arg8[%swap3A_188], %swap3A_191 {strides = array<i32>} : memref<12800xf32, #tpu.memory_space<vmem>>, vector<16xf32>,
    "tpu.region"() ({
      %run_scoped3A = tpu.sem_alloc : memref<!tpu.dma_semaphore, #tpu.memory_space<semaphore_mem>>
      %dma_start3A = arith.constant 0 : i32
      %dma_start3A_357 = tpu.memref_slice %arg8[%dma_start3A] : memref<12800xf32, #tpu.memory_space<vmem>> -> memref<200xf32, #tpu.memory_space<vmem>>
      %dma_start3A_358 = tpu.memref_slice %arg5[%multiple_of3A_50] : memref<26227200xf32, #tpu.memory_space<hbm>> -> memref<200xf32, #tpu.memory_space<hbm>>
      %dma_start3A_359 = tpu.memref_slice %arg5[%multiple_of3A_50] : memref<26227200xf32, #tpu.memory_space<hbm>> -> memref<200xf32, #tpu.memory_space<hbm>>
      %dma_start3A_360 = arith.constant 0 : i32
      %dma_start3A_361 = tpu.memref_slice %arg8[%dma_start3A_360] : memref<12800xf32, #tpu.memory_space<vmem>> -> memref<200xf32, #tpu.memory_space<vmem>>
      tpu.enqueue_dma source(%dma_start3A_361 : memref<200xf32, #tpu.memory_space<vmem>>) target(%dma_start3A_359 : memref<200xf32, #tpu.memory_space<hbm>>) target_semaphore(%run_scoped3A : memref<!tpu.dma_semaphore, #tpu.memory_space<semaphore_mem>>)
      %dma_wait3A = arith.constant 0 : i32
      %dma_wait3A_362 = tpu.memref_slice %arg8[%dma_wait3A] : memref<12800xf32, #tpu.memory_space<vmem>> -> memref<200xf32, #tpu.memory_space<vmem>>
      %dma_wait3A_363 = tpu.memref_slice %arg5[%multiple_of3A_50] : memref<26227200xf32, #tpu.memory_space<hbm>> -> memref<200xf32, #tpu.memory_space<hbm>>
      %dma_wait3A_364 = tpu.memref_slice %arg5[%multiple_of3A_50] : memref<26227200xf32, #tpu.memory_space<hbm>> -> memref<200xf32, #tpu.memory_space<hbm>>
      %dma_wait3A_365 = arith.constant 0 : i32
      %dma_wait3A_366 = tpu.memref_slice %arg8[%dma_wait3A_365] : memref<12800xf32, #tpu.memory_space<vmem>> -> memref<200xf32, #tpu.memory_space<vmem>>
      tpu.wait_dma2 semaphore(%run_scoped3A : memref<!tpu.dma_semaphore, #tpu.memory_space<semaphore_mem>>) src(%dma_wait3A_366 : memref<200xf32, #tpu.memory_space<vmem>>) dst(%dma_wait3A_364 : memref<200xf32, #tpu.memory_space<hbm>>)
      tpu.yield
    }) : () -> ()
    %mul3A_192 = arith.constant 2 : i32
    %mul3A_193 = arith.muli %add3A, %mul3A_192 : i32
    %add3A_194 = arith.constant 1 : i32
    %add3A_195 = arith.addi %mul3A_193, %add3A_194 : i32
    %mul3A_196 = arith.constant 2049 : i32
    %mul3A_197 = arith.muli %add3A_195, %mul3A_196 : i32
    %mul3A_198 = arith.constant 200 : i32
    %mul3A_199 = arith.muli %mul3A_197, %mul3A_198 : i32
    %multiple_of3A_200 = tpu.assume_multiple %mul3A_199, 8 : i32
    "tpu.region"() ({
      %run_scoped3A = tpu.sem_alloc : memref<!tpu.dma_semaphore, #tpu.memory_space<semaphore_mem>>
      %dma_start3A = arith.constant 0 : i32
      %dma_start3A_357 = tpu.memref_slice %arg8[%dma_start3A] : memref<12800xf32, #tpu.memory_space<vmem>> -> memref<200xf32, #tpu.memory_space<vmem>>
      %dma_start3A_358 = tpu.memref_slice %arg2[%multiple_of3A_200] : memref<26227200xf32, #tpu.memory_space<hbm>> -> memref<200xf32, #tpu.memory_space<hbm>>
      %dma_start3A_359 = arith.constant 0 : i32
      %dma_start3A_360 = tpu.memref_slice %arg8[%dma_start3A_359] : memref<12800xf32, #tpu.memory_space<vmem>> -> memref<200xf32, #tpu.memory_space<vmem>>
      %dma_start3A_361 = tpu.memref_slice %arg2[%multiple_of3A_200] : memref<26227200xf32, #tpu.memory_space<hbm>> -> memref<200xf32, #tpu.memory_space<hbm>>
      tpu.enqueue_dma source(%dma_start3A_361 : memref<200xf32, #tpu.memory_space<hbm>>) target(%dma_start3A_360 : memref<200xf32, #tpu.memory_space<vmem>>) target_semaphore(%run_scoped3A : memref<!tpu.dma_semaphore, #tpu.memory_space<semaphore_mem>>)
      %dma_wait3A = arith.constant 0 : i32
      %dma_wait3A_362 = tpu.memref_slice %arg8[%dma_wait3A] : memref<12800xf32, #tpu.memory_space<vmem>> -> memref<200xf32, #tpu.memory_space<vmem>>
      %dma_wait3A_363 = tpu.memref_slice %arg2[%multiple_of3A_200] : memref<26227200xf32, #tpu.memory_space<hbm>> -> memref<200xf32, #tpu.memory_space<hbm>>
      %dma_wait3A_364 = arith.constant 0 : i32
      %dma_wait3A_365 = tpu.memref_slice %arg8[%dma_wait3A_364] : memref<12800xf32, #tpu.memory_space<vmem>> -> memref<200xf32, #tpu.memory_space<vmem>>
      %dma_wait3A_366 = tpu.memref_slice %arg2[%multiple_of3A_200] : memref<26227200xf32, #tpu.memory_space<hbm>> -> memref<200xf32, #tpu.memory_space<hbm>>
      tpu.wait_dma2 semaphore(%run_scoped3A : memref<!tpu.dma_semaphore, #tpu.memory_space<semaphore_mem>>) src(%dma_wait3A_366 : memref<200xf32, #tpu.memory_space<hbm>>) dst(%dma_wait3A_365 : memref<200xf32, #tpu.memory_space<vmem>>)
      tpu.yield
    }) : () -> ()
    %get3A_201 = arith.constant 0 : index
    %get3A_202 = tpu.vector_load %arg8[%get3A_201] {strides = array<i32>} : memref<12800xf32, #tpu.memory_space<vmem>>, vector<16xf32>,
    %get3A_203 = vector.shape_cast %get3A_202 : vector<16xf32> to vector<16xf32>
    %get3A_204 = arith.constant 0 : index
    %get3A_205 = tpu.vector_load %arg10[%get3A_204] {strides = array<i32>} : memref<208xf32, #tpu.memory_space<vmem>>, vector<16xf32>,
    %get3A_206 = vector.shape_cast %get3A_205 : vector<16xf32> to vector<16xf32>
    %add3A_207 = arith.addf %get3A_203, %get3A_206 : vector<16xf32>
    %swap3A_208 = arith.constant 0 : index
    %swap3A_209 = tpu.vector_load %arg8[%swap3A_208] {strides = array<i32>} : memref<12800xf32, #tpu.memory_space<vmem>>, vector<16xf32>,
    %swap3A_210 = vector.shape_cast %swap3A_209 : vector<16xf32> to vector<16xf32>
    %swap3A_211 = vector.shape_cast %add3A_207 : vector<16xf32> to vector<16xf32>
    tpu.vector_store %arg8[%swap3A_208], %swap3A_211 {strides = array<i32>} : memref<12800xf32, #tpu.memory_space<vmem>>, vector<16xf32>,
    %get3A_212 = arith.constant 16 : index
    %get3A_213 = tpu.vector_load %arg8[%get3A_212] {strides = array<i32>} : memref<12800xf32, #tpu.memory_space<vmem>>, vector<16xf32>,
    %get3A_214 = vector.shape_cast %get3A_213 : vector<16xf32> to vector<16xf32>
    %get3A_215 = arith.constant 16 : index
    %get3A_216 = tpu.vector_load %arg10[%get3A_215] {strides = array<i32>} : memref<208xf32, #tpu.memory_space<vmem>>, vector<16xf32>,
    %get3A_217 = vector.shape_cast %get3A_216 : vector<16xf32> to vector<16xf32>
    %add3A_218 = arith.addf %get3A_214, %get3A_217 : vector<16xf32>
    %swap3A_219 = arith.constant 16 : index
    %swap3A_220 = tpu.vector_load %arg8[%swap3A_219] {strides = array<i32>} : memref<12800xf32, #tpu.memory_space<vmem>>, vector<16xf32>,
    %swap3A_221 = vector.shape_cast %swap3A_220 : vector<16xf32> to vector<16xf32>
    %swap3A_222 = vector.shape_cast %add3A_218 : vector<16xf32> to vector<16xf32>
    tpu.vector_store %arg8[%swap3A_219], %swap3A_222 {strides = array<i32>} : memref<12800xf32, #tpu.memory_space<vmem>>, vector<16xf32>,
    %get3A_223 = arith.constant 32 : index
    %get3A_224 = tpu.vector_load %arg8[%get3A_223] {strides = array<i32>} : memref<12800xf32, #tpu.memory_space<vmem>>, vector<16xf32>,
    %get3A_225 = vector.shape_cast %get3A_224 : vector<16xf32> to vector<16xf32>
    %get3A_226 = arith.constant 32 : index
    %get3A_227 = tpu.vector_load %arg10[%get3A_226] {strides = array<i32>} : memref<208xf32, #tpu.memory_space<vmem>>, vector<16xf32>,
    %get3A_228 = vector.shape_cast %get3A_227 : vector<16xf32> to vector<16xf32>
    %add3A_229 = arith.addf %get3A_225, %get3A_228 : vector<16xf32>
    %swap3A_230 = arith.constant 32 : index
    %swap3A_231 = tpu.vector_load %arg8[%swap3A_230] {strides = array<i32>} : memref<12800xf32, #tpu.memory_space<vmem>>, vector<16xf32>,
    %swap3A_232 = vector.shape_cast %swap3A_231 : vector<16xf32> to vector<16xf32>
    %swap3A_233 = vector.shape_cast %add3A_229 : vector<16xf32> to vector<16xf32>
    tpu.vector_store %arg8[%swap3A_230], %swap3A_233 {strides = array<i32>} : memref<12800xf32, #tpu.memory_space<vmem>>, vector<16xf32>,
    %get3A_234 = arith.constant 48 : index
    %get3A_235 = tpu.vector_load %arg8[%get3A_234] {strides = array<i32>} : memref<12800xf32, #tpu.memory_space<vmem>>, vector<16xf32>,
    %get3A_236 = vector.shape_cast %get3A_235 : vector<16xf32> to vector<16xf32>
    %get3A_237 = arith.constant 48 : index
    %get3A_238 = tpu.vector_load %arg10[%get3A_237] {strides = array<i32>} : memref<208xf32, #tpu.memory_space<vmem>>, vector<16xf32>,
    %get3A_239 = vector.shape_cast %get3A_238 : vector<16xf32> to vector<16xf32>
    %add3A_240 = arith.addf %get3A_236, %get3A_239 : vector<16xf32>
    %swap3A_241 = arith.constant 48 : index
    %swap3A_242 = tpu.vector_load %arg8[%swap3A_241] {strides = array<i32>} : memref<12800xf32, #tpu.memory_space<vmem>>, vector<16xf32>,
    %swap3A_243 = vector.shape_cast %swap3A_242 : vector<16xf32> to vector<16xf32>
    %swap3A_244 = vector.shape_cast %add3A_240 : vector<16xf32> to vector<16xf32>
    tpu.vector_store %arg8[%swap3A_241], %swap3A_244 {strides = array<i32>} : memref<12800xf32, #tpu.memory_space<vmem>>, vector<16xf32>,
    %get3A_245 = arith.constant 64 : index
    %get3A_246 = tpu.vector_load %arg8[%get3A_245] {strides = array<i32>} : memref<12800xf32, #tpu.memory_space<vmem>>, vector<16xf32>,
    %get3A_247 = vector.shape_cast %get3A_246 : vector<16xf32> to vector<16xf32>
    %get3A_248 = arith.constant 64 : index
    %get3A_249 = tpu.vector_load %arg10[%get3A_248] {strides = array<i32>} : memref<208xf32, #tpu.memory_space<vmem>>, vector<16xf32>,
    %get3A_250 = vector.shape_cast %get3A_249 : vector<16xf32> to vector<16xf32>
    %add3A_251 = arith.addf %get3A_247, %get3A_250 : vector<16xf32>
    %swap3A_252 = arith.constant 64 : index
    %swap3A_253 = tpu.vector_load %arg8[%swap3A_252] {strides = array<i32>} : memref<12800xf32, #tpu.memory_space<vmem>>, vector<16xf32>,
    %swap3A_254 = vector.shape_cast %swap3A_253 : vector<16xf32> to vector<16xf32>
    %swap3A_255 = vector.shape_cast %add3A_251 : vector<16xf32> to vector<16xf32>
    tpu.vector_store %arg8[%swap3A_252], %swap3A_255 {strides = array<i32>} : memref<12800xf32, #tpu.memory_space<vmem>>, vector<16xf32>,
    %get3A_256 = arith.constant 80 : index
    %get3A_257 = tpu.vector_load %arg8[%get3A_256] {strides = array<i32>} : memref<12800xf32, #tpu.memory_space<vmem>>, vector<16xf32>,
    %get3A_258 = vector.shape_cast %get3A_257 : vector<16xf32> to vector<16xf32>
    %get3A_259 = arith.constant 80 : index
    %get3A_260 = tpu.vector_load %arg10[%get3A_259] {strides = array<i32>} : memref<208xf32, #tpu.memory_space<vmem>>, vector<16xf32>,
    %get3A_261 = vector.shape_cast %get3A_260 : vector<16xf32> to vector<16xf32>
    %add3A_262 = arith.addf %get3A_258, %get3A_261 : vector<16xf32>
    %swap3A_263 = arith.constant 80 : index
    %swap3A_264 = tpu.vector_load %arg8[%swap3A_263] {strides = array<i32>} : memref<12800xf32, #tpu.memory_space<vmem>>, vector<16xf32>,
    %swap3A_265 = vector.shape_cast %swap3A_264 : vector<16xf32> to vector<16xf32>
    %swap3A_266 = vector.shape_cast %add3A_262 : vector<16xf32> to vector<16xf32>
    tpu.vector_store %arg8[%swap3A_263], %swap3A_266 {strides = array<i32>} : memref<12800xf32, #tpu.memory_space<vmem>>, vector<16xf32>,
    %get3A_267 = arith.constant 96 : index
    %get3A_268 = tpu.vector_load %arg8[%get3A_267] {strides = array<i32>} : memref<12800xf32, #tpu.memory_space<vmem>>, vector<16xf32>,
    %get3A_269 = vector.shape_cast %get3A_268 : vector<16xf32> to vector<16xf32>
    %get3A_270 = arith.constant 96 : index
    %get3A_271 = tpu.vector_load %arg10[%get3A_270] {strides = array<i32>} : memref<208xf32, #tpu.memory_space<vmem>>, vector<16xf32>,
    %get3A_272 = vector.shape_cast %get3A_271 : vector<16xf32> to vector<16xf32>
    %add3A_273 = arith.addf %get3A_269, %get3A_272 : vector<16xf32>
    %swap3A_274 = arith.constant 96 : index
    %swap3A_275 = tpu.vector_load %arg8[%swap3A_274] {strides = array<i32>} : memref<12800xf32, #tpu.memory_space<vmem>>, vector<16xf32>,
    %swap3A_276 = vector.shape_cast %swap3A_275 : vector<16xf32> to vector<16xf32>
    %swap3A_277 = vector.shape_cast %add3A_273 : vector<16xf32> to vector<16xf32>
    tpu.vector_store %arg8[%swap3A_274], %swap3A_277 {strides = array<i32>} : memref<12800xf32, #tpu.memory_space<vmem>>, vector<16xf32>,
    %get3A_278 = arith.constant 112 : index
    %get3A_279 = tpu.vector_load %arg8[%get3A_278] {strides = array<i32>} : memref<12800xf32, #tpu.memory_space<vmem>>, vector<16xf32>,
    %get3A_280 = vector.shape_cast %get3A_279 : vector<16xf32> to vector<16xf32>
    %get3A_281 = arith.constant 112 : index
    %get3A_282 = tpu.vector_load %arg10[%get3A_281] {strides = array<i32>} : memref<208xf32, #tpu.memory_space<vmem>>, vector<16xf32>,
    %get3A_283 = vector.shape_cast %get3A_282 : vector<16xf32> to vector<16xf32>
    %add3A_284 = arith.addf %get3A_280, %get3A_283 : vector<16xf32>
    %swap3A_285 = arith.constant 112 : index
    %swap3A_286 = tpu.vector_load %arg8[%swap3A_285] {strides = array<i32>} : memref<12800xf32, #tpu.memory_space<vmem>>, vector<16xf32>,
    %swap3A_287 = vector.shape_cast %swap3A_286 : vector<16xf32> to vector<16xf32>
    %swap3A_288 = vector.shape_cast %add3A_284 : vector<16xf32> to vector<16xf32>
    tpu.vector_store %arg8[%swap3A_285], %swap3A_288 {strides = array<i32>} : memref<12800xf32, #tpu.memory_space<vmem>>, vector<16xf32>,
    %get3A_289 = arith.constant 128 : index
    %get3A_290 = tpu.vector_load %arg8[%get3A_289] {strides = array<i32>} : memref<12800xf32, #tpu.memory_space<vmem>>, vector<16xf32>,
    %get3A_291 = vector.shape_cast %get3A_290 : vector<16xf32> to vector<16xf32>
    %get3A_292 = arith.constant 128 : index
    %get3A_293 = tpu.vector_load %arg10[%get3A_292] {strides = array<i32>} : memref<208xf32, #tpu.memory_space<vmem>>, vector<16xf32>,
    %get3A_294 = vector.shape_cast %get3A_293 : vector<16xf32> to vector<16xf32>
    %add3A_295 = arith.addf %get3A_291, %get3A_294 : vector<16xf32>
    %swap3A_296 = arith.constant 128 : index
    %swap3A_297 = tpu.vector_load %arg8[%swap3A_296] {strides = array<i32>} : memref<12800xf32, #tpu.memory_space<vmem>>, vector<16xf32>,
    %swap3A_298 = vector.shape_cast %swap3A_297 : vector<16xf32> to vector<16xf32>
    %swap3A_299 = vector.shape_cast %add3A_295 : vector<16xf32> to vector<16xf32>
    tpu.vector_store %arg8[%swap3A_296], %swap3A_299 {strides = array<i32>} : memref<12800xf32, #tpu.memory_space<vmem>>, vector<16xf32>,
    %get3A_300 = arith.constant 144 : index
    %get3A_301 = tpu.vector_load %arg8[%get3A_300] {strides = array<i32>} : memref<12800xf32, #tpu.memory_space<vmem>>, vector<16xf32>,
    %get3A_302 = vector.shape_cast %get3A_301 : vector<16xf32> to vector<16xf32>
    %get3A_303 = arith.constant 144 : index
    %get3A_304 = tpu.vector_load %arg10[%get3A_303] {strides = array<i32>} : memref<208xf32, #tpu.memory_space<vmem>>, vector<16xf32>,
    %get3A_305 = vector.shape_cast %get3A_304 : vector<16xf32> to vector<16xf32>
    %add3A_306 = arith.addf %get3A_302, %get3A_305 : vector<16xf32>
    %swap3A_307 = arith.constant 144 : index
    %swap3A_308 = tpu.vector_load %arg8[%swap3A_307] {strides = array<i32>} : memref<12800xf32, #tpu.memory_space<vmem>>, vector<16xf32>,
    %swap3A_309 = vector.shape_cast %swap3A_308 : vector<16xf32> to vector<16xf32>
    %swap3A_310 = vector.shape_cast %add3A_306 : vector<16xf32> to vector<16xf32>
    tpu.vector_store %arg8[%swap3A_307], %swap3A_310 {strides = array<i32>} : memref<12800xf32, #tpu.memory_space<vmem>>, vector<16xf32>,
    %get3A_311 = arith.constant 160 : index
    %get3A_312 = tpu.vector_load %arg8[%get3A_311] {strides = array<i32>} : memref<12800xf32, #tpu.memory_space<vmem>>, vector<16xf32>,
    %get3A_313 = vector.shape_cast %get3A_312 : vector<16xf32> to vector<16xf32>
    %get3A_314 = arith.constant 160 : index
    %get3A_315 = tpu.vector_load %arg10[%get3A_314] {strides = array<i32>} : memref<208xf32, #tpu.memory_space<vmem>>, vector<16xf32>,
    %get3A_316 = vector.shape_cast %get3A_315 : vector<16xf32> to vector<16xf32>
    %add3A_317 = arith.addf %get3A_313, %get3A_316 : vector<16xf32>
    %swap3A_318 = arith.constant 160 : index
    %swap3A_319 = tpu.vector_load %arg8[%swap3A_318] {strides = array<i32>} : memref<12800xf32, #tpu.memory_space<vmem>>, vector<16xf32>,
    %swap3A_320 = vector.shape_cast %swap3A_319 : vector<16xf32> to vector<16xf32>
    %swap3A_321 = vector.shape_cast %add3A_317 : vector<16xf32> to vector<16xf32>
    tpu.vector_store %arg8[%swap3A_318], %swap3A_321 {strides = array<i32>} : memref<12800xf32, #tpu.memory_space<vmem>>, vector<16xf32>,
    %get3A_322 = arith.constant 176 : index
    %get3A_323 = tpu.vector_load %arg8[%get3A_322] {strides = array<i32>} : memref<12800xf32, #tpu.memory_space<vmem>>, vector<16xf32>,
    %get3A_324 = vector.shape_cast %get3A_323 : vector<16xf32> to vector<16xf32>
    %get3A_325 = arith.constant 176 : index
    %get3A_326 = tpu.vector_load %arg10[%get3A_325] {strides = array<i32>} : memref<208xf32, #tpu.memory_space<vmem>>, vector<16xf32>,
    %get3A_327 = vector.shape_cast %get3A_326 : vector<16xf32> to vector<16xf32>
    %add3A_328 = arith.addf %get3A_324, %get3A_327 : vector<16xf32>
    %swap3A_329 = arith.constant 176 : index
    %swap3A_330 = tpu.vector_load %arg8[%swap3A_329] {strides = array<i32>} : memref<12800xf32, #tpu.memory_space<vmem>>, vector<16xf32>,
    %swap3A_331 = vector.shape_cast %swap3A_330 : vector<16xf32> to vector<16xf32>
    %swap3A_332 = vector.shape_cast %add3A_328 : vector<16xf32> to vector<16xf32>
    tpu.vector_store %arg8[%swap3A_329], %swap3A_332 {strides = array<i32>} : memref<12800xf32, #tpu.memory_space<vmem>>, vector<16xf32>,
    %get3A_333 = arith.constant 192 : index
    %get3A_334 = tpu.vector_load %arg8[%get3A_333] {strides = array<i32>} : memref<12800xf32, #tpu.memory_space<vmem>>, vector<16xf32>,
    %get3A_335 = vector.shape_cast %get3A_334 : vector<16xf32> to vector<16xf32>
    %get3A_336 = arith.constant 192 : index
    %get3A_337 = tpu.vector_load %arg10[%get3A_336] {strides = array<i32>} : memref<208xf32, #tpu.memory_space<vmem>>, vector<16xf32>,
    %get3A_338 = vector.shape_cast %get3A_337 : vector<16xf32> to vector<16xf32>
    %add3A_339 = arith.addf %get3A_335, %get3A_338 : vector<16xf32>
    %swap3A_340 = arith.constant 192 : index
    %swap3A_341 = tpu.vector_load %arg8[%swap3A_340] {strides = array<i32>} : memref<12800xf32, #tpu.memory_space<vmem>>, vector<16xf32>,
    %swap3A_342 = vector.shape_cast %swap3A_341 : vector<16xf32> to vector<16xf32>
    %swap3A_343 = vector.shape_cast %add3A_339 : vector<16xf32> to vector<16xf32>
    tpu.vector_store %arg8[%swap3A_340], %swap3A_343 {strides = array<i32>} : memref<12800xf32, #tpu.memory_space<vmem>>, vector<16xf32>,
    "tpu.region"() ({
      %run_scoped3A = tpu.sem_alloc : memref<!tpu.dma_semaphore, #tpu.memory_space<semaphore_mem>>
      %dma_start3A = arith.constant 0 : i32
      %dma_start3A_357 = tpu.memref_slice %arg8[%dma_start3A] : memref<12800xf32, #tpu.memory_space<vmem>> -> memref<200xf32, #tpu.memory_space<vmem>>
      %dma_start3A_358 = tpu.memref_slice %arg5[%multiple_of3A_200] : memref<26227200xf32, #tpu.memory_space<hbm>> -> memref<200xf32, #tpu.memory_space<hbm>>
      %dma_start3A_359 = tpu.memref_slice %arg5[%multiple_of3A_200] : memref<26227200xf32, #tpu.memory_space<hbm>> -> memref<200xf32, #tpu.memory_space<hbm>>
      %dma_start3A_360 = arith.constant 0 : i32
      %dma_start3A_361 = tpu.memref_slice %arg8[%dma_start3A_360] : memref<12800xf32, #tpu.memory_space<vmem>> -> memref<200xf32, #tpu.memory_space<vmem>>
      tpu.enqueue_dma source(%dma_start3A_361 : memref<200xf32, #tpu.memory_space<vmem>>) target(%dma_start3A_359 : memref<200xf32, #tpu.memory_space<hbm>>) target_semaphore(%run_scoped3A : memref<!tpu.dma_semaphore, #tpu.memory_space<semaphore_mem>>)
      %dma_wait3A = arith.constant 0 : i32
      %dma_wait3A_362 = tpu.memref_slice %arg8[%dma_wait3A] : memref<12800xf32, #tpu.memory_space<vmem>> -> memref<200xf32, #tpu.memory_space<vmem>>
      %dma_wait3A_363 = tpu.memref_slice %arg5[%multiple_of3A_200] : memref<26227200xf32, #tpu.memory_space<hbm>> -> memref<200xf32, #tpu.memory_space<hbm>>
      %dma_wait3A_364 = tpu.memref_slice %arg5[%multiple_of3A_200] : memref<26227200xf32, #tpu.memory_space<hbm>> -> memref<200xf32, #tpu.memory_space<hbm>>
      %dma_wait3A_365 = arith.constant 0 : i32
      %dma_wait3A_366 = tpu.memref_slice %arg8[%dma_wait3A_365] : memref<12800xf32, #tpu.memory_space<vmem>> -> memref<200xf32, #tpu.memory_space<vmem>>
      tpu.wait_dma2 semaphore(%run_scoped3A : memref<!tpu.dma_semaphore, #tpu.memory_space<semaphore_mem>>) src(%dma_wait3A_366 : memref<200xf32, #tpu.memory_space<vmem>>) dst(%dma_wait3A_364 : memref<200xf32, #tpu.memory_space<hbm>>)
      tpu.yield
    }) : () -> ()
    %mul3A_344 = arith.constant 64 : i32
    %mul3A_345 = arith.muli %add3A, %mul3A_344 : i32
    %add3A_346 = arith.constant 1 : i32
    %add3A_347 = arith.addi %add3A_346, %mul3A_345 : i32
    %mul3A_348 = arith.constant 200 : i32
    %mul3A_349 = arith.muli %add3A_347, %mul3A_348 : i32
    %scan3A_350 = arith.constant 0 : i32
    %scan3A_351 = arith.constant 0 : i32
    %scan3A_352 = arith.constant 32 : i32
    %scan3A_353 = arith.addi %scan3A_351, %scan3A_352 : i32
    %scan3A_354 = arith.constant 1 : i32
    %scan3A_355 = scf.for %scan3A_357 = %scan3A_351 to %scan3A_353 step %scan3A_354 iter_args(%scan3A_358 = %scan3A_350) -> (i32)  : i32 {
      %mul3A_359 = arith.constant 2 : i32
      %mul3A_360 = arith.muli %mul3A_359, %scan3A_357 : i32
      %mul3A_361 = arith.constant 2049 : i32
      %mul3A_362 = arith.muli %mul3A_360, %mul3A_361 : i32
      %mul3A_363 = arith.constant 200 : i32
      %mul3A_364 = arith.muli %mul3A_362, %mul3A_363 : i32
      %add3A_365 = arith.addi %mul3A_364, %mul3A_349 : i32
      %multiple_of3A_366 = tpu.assume_multiple %add3A_365, 8 : i32
      "tpu.region"() ({
        %run_scoped3A = tpu.sem_alloc : memref<!tpu.dma_semaphore, #tpu.memory_space<semaphore_mem>>
        %dma_start3A = tpu.memref_slice %arg2[%multiple_of3A_366] : memref<26227200xf32, #tpu.memory_space<hbm>> -> memref<12800xf32, #tpu.memory_space<hbm>>
        %dma_start3A_392 = tpu.memref_slice %arg2[%multiple_of3A_366] : memref<26227200xf32, #tpu.memory_space<hbm>> -> memref<12800xf32, #tpu.memory_space<hbm>>
        tpu.enqueue_dma source(%dma_start3A_392 : memref<12800xf32, #tpu.memory_space<hbm>>) target(%arg8 : memref<12800xf32, #tpu.memory_space<vmem>>) target_semaphore(%run_scoped3A : memref<!tpu.dma_semaphore, #tpu.memory_space<semaphore_mem>>)
        %dma_wait3A = tpu.memref_slice %arg2[%multiple_of3A_366] : memref<26227200xf32, #tpu.memory_space<hbm>> -> memref<12800xf32, #tpu.memory_space<hbm>>
        %dma_wait3A_393 = tpu.memref_slice %arg2[%multiple_of3A_366] : memref<26227200xf32, #tpu.memory_space<hbm>> -> memref<12800xf32, #tpu.memory_space<hbm>>
        tpu.wait_dma2 semaphore(%run_scoped3A : memref<!tpu.dma_semaphore, #tpu.memory_space<semaphore_mem>>) src(%dma_wait3A_393 : memref<12800xf32, #tpu.memory_space<hbm>>) dst(%arg8 : memref<12800xf32, #tpu.memory_space<vmem>>)
        tpu.yield
      }) : () -> ()
      %scan3A_367 = arith.constant 0 : i32
      %scan3A_368 = arith.constant 0 : i32
      %scan3A_369 = arith.constant 800 : i32
      %scan3A_370 = arith.addi %scan3A_368, %scan3A_369 : i32
      %scan3A_371 = arith.constant 1 : i32
      %scan3A_372 = scf.for %scan3A_392 = %scan3A_368 to %scan3A_370 step %scan3A_371 iter_args(%scan3A_393 = %scan3A_367) -> (i32)  : i32 {
        %mul3A_394 = arith.constant 16 : i32
        %mul3A_395 = arith.muli %scan3A_392, %mul3A_394 : i32
        %get3A_396 = arith.index_cast %mul3A_395 : i32 to index
        %get3A_397 = tpu.vector_load %arg8[%get3A_396] {strides = array<i32>} : memref<12800xf32, #tpu.memory_space<vmem>>, vector<16xf32>,
        %get3A_398 = vector.shape_cast %get3A_397 : vector<16xf32> to vector<16xf32>
        %get3A_399 = arith.index_cast %mul3A_395 : i32 to index
        %get3A_400 = tpu.vector_load %arg6[%get3A_399] {strides = array<i32>} : memref<12800xf32, #tpu.memory_space<vmem>>, vector<16xf32>,
        %get3A_401 = vector.shape_cast %get3A_400 : vector<16xf32> to vector<16xf32>
        %add3A_402 = arith.addf %get3A_398, %get3A_401 : vector<16xf32>
        %swap3A_403 = arith.index_cast %mul3A_395 : i32 to index
        %swap3A_404 = tpu.vector_load %arg8[%swap3A_403] {strides = array<i32>} : memref<12800xf32, #tpu.memory_space<vmem>>, vector<16xf32>,
        %swap3A_405 = vector.shape_cast %swap3A_404 : vector<16xf32> to vector<16xf32>
        %swap3A_406 = vector.shape_cast %add3A_402 : vector<16xf32> to vector<16xf32>
        tpu.vector_store %arg8[%swap3A_403], %swap3A_406 {strides = array<i32>} : memref<12800xf32, #tpu.memory_space<vmem>>, vector<16xf32>,
        %scan3A_407 = arith.constant 0 : i32
        scf.yield %scan3A_407 : i32
      }
      %scan3A_373 = arith.constant 800 : i32
      "tpu.region"() ({
        %run_scoped3A = tpu.sem_alloc : memref<!tpu.dma_semaphore, #tpu.memory_space<semaphore_mem>>
        %dma_start3A = tpu.memref_slice %arg5[%multiple_of3A_366] : memref<26227200xf32, #tpu.memory_space<hbm>> -> memref<12800xf32, #tpu.memory_space<hbm>>
        %dma_start3A_392 = tpu.memref_slice %arg5[%multiple_of3A_366] : memref<26227200xf32, #tpu.memory_space<hbm>> -> memref<12800xf32, #tpu.memory_space<hbm>>
        tpu.enqueue_dma source(%arg8 : memref<12800xf32, #tpu.memory_space<vmem>>) target(%dma_start3A_392 : memref<12800xf32, #tpu.memory_space<hbm>>) target_semaphore(%run_scoped3A : memref<!tpu.dma_semaphore, #tpu.memory_space<semaphore_mem>>)
        %dma_wait3A = tpu.memref_slice %arg5[%multiple_of3A_366] : memref<26227200xf32, #tpu.memory_space<hbm>> -> memref<12800xf32, #tpu.memory_space<hbm>>
        %dma_wait3A_393 = tpu.memref_slice %arg5[%multiple_of3A_366] : memref<26227200xf32, #tpu.memory_space<hbm>> -> memref<12800xf32, #tpu.memory_space<hbm>>
        tpu.wait_dma2 semaphore(%run_scoped3A : memref<!tpu.dma_semaphore, #tpu.memory_space<semaphore_mem>>) src(%arg8 : memref<12800xf32, #tpu.memory_space<vmem>>) dst(%dma_wait3A_393 : memref<12800xf32, #tpu.memory_space<hbm>>)
        tpu.yield
      }) : () -> ()
      %mul3A_374 = arith.constant 2 : i32
      %mul3A_375 = arith.muli %mul3A_374, %scan3A_357 : i32
      %add3A_376 = arith.constant 1 : i32
      %add3A_377 = arith.addi %mul3A_375, %add3A_376 : i32
      %mul3A_378 = arith.constant 2049 : i32
      %mul3A_379 = arith.muli %add3A_377, %mul3A_378 : i32
      %mul3A_380 = arith.constant 200 : i32
      %mul3A_381 = arith.muli %mul3A_379, %mul3A_380 : i32
      %add3A_382 = arith.addi %mul3A_381, %mul3A_349 : i32
      %multiple_of3A_383 = tpu.assume_multiple %add3A_382, 8 : i32
      "tpu.region"() ({
        %run_scoped3A = tpu.sem_alloc : memref<!tpu.dma_semaphore, #tpu.memory_space<semaphore_mem>>
        %dma_start3A = tpu.memref_slice %arg2[%multiple_of3A_383] : memref<26227200xf32, #tpu.memory_space<hbm>> -> memref<12800xf32, #tpu.memory_space<hbm>>
        %dma_start3A_392 = tpu.memref_slice %arg2[%multiple_of3A_383] : memref<26227200xf32, #tpu.memory_space<hbm>> -> memref<12800xf32, #tpu.memory_space<hbm>>
        tpu.enqueue_dma source(%dma_start3A_392 : memref<12800xf32, #tpu.memory_space<hbm>>) target(%arg9 : memref<12800xf32, #tpu.memory_space<vmem>>) target_semaphore(%run_scoped3A : memref<!tpu.dma_semaphore, #tpu.memory_space<semaphore_mem>>)
        %dma_wait3A = tpu.memref_slice %arg2[%multiple_of3A_383] : memref<26227200xf32, #tpu.memory_space<hbm>> -> memref<12800xf32, #tpu.memory_space<hbm>>
        %dma_wait3A_393 = tpu.memref_slice %arg2[%multiple_of3A_383] : memref<26227200xf32, #tpu.memory_space<hbm>> -> memref<12800xf32, #tpu.memory_space<hbm>>
        tpu.wait_dma2 semaphore(%run_scoped3A : memref<!tpu.dma_semaphore, #tpu.memory_space<semaphore_mem>>) src(%dma_wait3A_393 : memref<12800xf32, #tpu.memory_space<hbm>>) dst(%arg9 : memref<12800xf32, #tpu.memory_space<vmem>>)
        tpu.yield
      }) : () -> ()
      %scan3A_384 = arith.constant 0 : i32
      %scan3A_385 = arith.constant 0 : i32
      %scan3A_386 = arith.constant 800 : i32
      %scan3A_387 = arith.addi %scan3A_385, %scan3A_386 : i32
      %scan3A_388 = arith.constant 1 : i32
      %scan3A_389 = scf.for %scan3A_392 = %scan3A_385 to %scan3A_387 step %scan3A_388 iter_args(%scan3A_393 = %scan3A_384) -> (i32)  : i32 {
        %mul3A_394 = arith.constant 16 : i32
        %mul3A_395 = arith.muli %scan3A_392, %mul3A_394 : i32
        %get3A_396 = arith.index_cast %mul3A_395 : i32 to index
        %get3A_397 = tpu.vector_load %arg9[%get3A_396] {strides = array<i32>} : memref<12800xf32, #tpu.memory_space<vmem>>, vector<16xf32>,
        %get3A_398 = vector.shape_cast %get3A_397 : vector<16xf32> to vector<16xf32>
        %get3A_399 = arith.index_cast %mul3A_395 : i32 to index
        %get3A_400 = tpu.vector_load %arg6[%get3A_399] {strides = array<i32>} : memref<12800xf32, #tpu.memory_space<vmem>>, vector<16xf32>,
        %get3A_401 = vector.shape_cast %get3A_400 : vector<16xf32> to vector<16xf32>
        %add3A_402 = arith.addf %get3A_398, %get3A_401 : vector<16xf32>
        %swap3A_403 = arith.index_cast %mul3A_395 : i32 to index
        %swap3A_404 = tpu.vector_load %arg9[%swap3A_403] {strides = array<i32>} : memref<12800xf32, #tpu.memory_space<vmem>>, vector<16xf32>,
        %swap3A_405 = vector.shape_cast %swap3A_404 : vector<16xf32> to vector<16xf32>
        %swap3A_406 = vector.shape_cast %add3A_402 : vector<16xf32> to vector<16xf32>
        tpu.vector_store %arg9[%swap3A_403], %swap3A_406 {strides = array<i32>} : memref<12800xf32, #tpu.memory_space<vmem>>, vector<16xf32>,
        %scan3A_407 = arith.constant 0 : i32
        scf.yield %scan3A_407 : i32
      }
      %scan3A_390 = arith.constant 800 : i32
      "tpu.region"() ({
        %run_scoped3A = tpu.sem_alloc : memref<!tpu.dma_semaphore, #tpu.memory_space<semaphore_mem>>
        %dma_start3A = tpu.memref_slice %arg5[%multiple_of3A_383] : memref<26227200xf32, #tpu.memory_space<hbm>> -> memref<12800xf32, #tpu.memory_space<hbm>>
        %dma_start3A_392 = tpu.memref_slice %arg5[%multiple_of3A_383] : memref<26227200xf32, #tpu.memory_space<hbm>> -> memref<12800xf32, #tpu.memory_space<hbm>>
        tpu.enqueue_dma source(%arg9 : memref<12800xf32, #tpu.memory_space<vmem>>) target(%dma_start3A_392 : memref<12800xf32, #tpu.memory_space<hbm>>) target_semaphore(%run_scoped3A : memref<!tpu.dma_semaphore, #tpu.memory_space<semaphore_mem>>)
        %dma_wait3A = tpu.memref_slice %arg5[%multiple_of3A_383] : memref<26227200xf32, #tpu.memory_space<hbm>> -> memref<12800xf32, #tpu.memory_space<hbm>>
        %dma_wait3A_393 = tpu.memref_slice %arg5[%multiple_of3A_383] : memref<26227200xf32, #tpu.memory_space<hbm>> -> memref<12800xf32, #tpu.memory_space<hbm>>
        tpu.wait_dma2 semaphore(%run_scoped3A : memref<!tpu.dma_semaphore, #tpu.memory_space<semaphore_mem>>) src(%arg9 : memref<12800xf32, #tpu.memory_space<vmem>>) dst(%dma_wait3A_393 : memref<12800xf32, #tpu.memory_space<hbm>>)
        tpu.yield
      }) : () -> ()
      %scan3A_391 = arith.constant 0 : i32
      scf.yield %scan3A_391 : i32
    }
    %scan3A_356 = arith.constant 32 : i32
    return
  }
}

</mosaic_0001>

<sc_bundles>
// kernel: kernel.3.cloned.1.call-start
scs
__scs_entry_jumppad:
0x0: {  	(pc) =	sbr.rel $0x88, $3  }
0x1: {  	(tag) =	ssettag $0x0;
	lr =	simm.s32 $0x1  }
0x2: {  	[smem:$0x3F9E] =	sst lr;
	_ =	strace $0xD0000000  }
0x3: {  	_ = 	snop  }
0x4: {  	_ = 	snop  }
0x5: {  	_ = 	snop  }
0x6: {  	_ = 	snop  }
0x7: {  	_ = 	snop  }
__scs_overlays_trampoline_lowered:
0x8: {  	[smem:$0x3FAD] =	sst s0  }
0x9: {  	[smem:$0x3FAE] =	sst s1  }
0xa: {  	[smem:$0x3FAF] =	sst s2  }
0xb: {  	[smem:$0x3FB0] =	sst s3  }
0xc: {  	[smem:$0x3FB1] =	sst s4  }
0xd: {  	[smem:$0x3FB2] =	sst s5  }
0xe: {  	[smem:$0x3FB3] =	sst s6  }
0xf: {  	[smem:$0x3FB4] =	sst s7  }
0x10: {  	[smem:$0x3FB5] =	sst s8  }
0x11: {  	[smem:$0x3FB6] =	sst s9;
	s0 =	simm.s32 @!p0 $0x0  }
0x12: {  	s1 =	sld [smem:$0x3F9C];
	s0 =	simm.s32 @p0 $0x1  }
0x13: {  	[smem:$0x3FB7] =	sst s0;
	s0 =	simm.s32 @!p1 $0x0  }
0x14: {  	s2 =	sld [smem:$0x3F9B];
	s0 =	simm.s32 @p1 $0x1  }
0x15: {  	[smem:$0x3FB8] =	sst s0;
	s0 =	simm.s32 @!p2 $0x0  }
0x16: {  	s3 =	sld [smem:$0x3FDB];
	s0 =	simm.s32 @p2 $0x1  }
0x17: {  	s4 =	simm.s32 $0x1BF5;
	[smem:$0x3FBA] =	sst s0  }
0x18: {  	s0 =	sld [smem:$0x3F9D];
	_ =	swait.ge [sflag:s4], $0x0  }
0x19: {  	s7 =	sld [smem:$0x3F9E]  }
0x1a: {  	s8 =	sadd.s32 $0xFFFFE003, lr  }
0x1b: {  	s9 =	sadd.s32 $0xFFFFFEF7, lr;
	s5 =	simm.s32 $0xFFFFFFFF;
	p2 =	slt.u32 s8, $0xFFFFF086  }
0x1c: {  	p1 =	slt.u32 s9, $0xF7A;
	s5 =	simm.s32 @!p2 $0x0  }
0x1d: {  	s5 =	simm.s32 @p1 $0x1;
	p0 =	seq.s32 s7, s2  }
0x1e: {  	s7 =	smul.u32 @!p0 $0xF7A, s2;
	p2 =	seq.s32 @!p0 s5, $0x0  }
0x1f: {  	s9 =	smul.u32 $0xF7A, s1;
	s8 =	simm.s32 @!p0 $0x1BF5;
	p2 =	por !p2, p0  }
0x20: {  	[sflag:s8] =	ssyncset.s32 @!p0 $0xFFFFF086;
	s6 =	sadd.s32 @!p0 s3, s7;
	s7 =	simm.s32 @!p0 $0x108  }
0x21: {  	s3 =	sadd.s32 s3, s9;
	s6 =	sadd.s32 @!p0 $0x88, s6;
	s7 =	simm.s32 @p2 $0x1082  }
0x22: {  	[simem:s7], [sflag:s8] =	dma.local @!p0 [hbm:s6], $0xF7A  }
0x23: {  	s9 =	sor.u32 $0xD0000000, s2;
	s6 =	simm.s32 $0x108;
	_ =	swait.ge @!p0 [sflag:s8], $0x0  }
0x24: {  	s3 =	sadd.s32 $0x88, s3;
	s6 =	simm.s32 @!p1 $0x1082;
	[sflag:s4] =	ssyncset.s32 $0xFFFFF086  }
0x25: {  	[simem:s6], [sflag:s4] =	dma.local [hbm:s3], $0xF7A  }
0x26: {  	[smem:$0x3F9E] =	sst s1;
	(tag) =	ssettag s2;
	_ =	strace s9  }
0x27: {  	s1 =	sld [smem:$0x3FAE]  }
0x28: {  	s2 =	sld [smem:$0x3FAF]  }
0x29: {  	s4 =	sld [smem:$0x3FB1]  }
0x2a: {  	p0 =	seq.s32 s5, $0x0;
	s5 =	sld [smem:$0x3FB2]  }
0x2b: {  	s6 =	sld [smem:$0x3FB3]  }
0x2c: {  	s7 =	sld [smem:$0x3FB4]  }
0x2d: {  	s3 =	simm.s32 $0x108;
	s8 =	sld [smem:$0x3FB5]  }
0x2e: {  	s3 =	simm.s32 @!p0 $0x1082;
	s9 =	sld [smem:$0x3FB6]  }
0x2f: {  	lr =	sadd.s32 s0, s3;
	s0 =	sld [smem:$0x3FAD]  }
0x30: {  	s3 =	sld [smem:$0x3FB0]  }
0x31: {  	[smem:$0x3FB9] =	sst s10  }
0x32: {  	s10 =	sld [smem:$0x3FB7];
	_ =	sdelay $0x3  }
0x33: {  	p0 =	seq.s32 s10, $0x1;
	s10 =	sld [smem:$0x3FB9];
	_ =	sdelay $0x3  }
0x34: {  	[smem:$0x3FB9] =	sst s10  }
0x35: {  	s10 =	sld [smem:$0x3FB8];
	_ =	sdelay $0x3  }
0x36: {  	p1 =	seq.s32 s10, $0x1;
	s10 =	sld [smem:$0x3FB9];
	_ =	sdelay $0x3  }
0x37: {  	[smem:$0x3FB9] =	sst s10  }
0x38: {  	s10 =	sld [smem:$0x3FBA]  }
0x39: {  	_ = 	snop;
	(pc) =	sbr.ind lr, $3  }
0x3a: {  	_ = 	snop  }
0x3b: {  	_ = 	snop  }
0x3c: {  	p2 =	seq.s32 s10, $0x1;
	s10 =	sld [smem:$0x3FB9]  }
0x3d: {  	_ =	shalt  }
0x3e: {  	_ =	shalt  }
0x3f: {  	_ =	shalt  }
0x40: {  	_ =	shalt  }
0x41: {  	_ =	shalt  }
0x42: {  	_ =	shalt  }
0x43: {  	_ =	shalt  }
0x44: {  	_ =	shalt  }
0x45: {  	_ =	shalt  }
0x46: {  	_ =	shalt  }
0x47: {  	_ =	shalt  }
0x48: {  	_ =	shalt  }
0x49: {  	_ =	shalt  }
0x4a: {  	_ =	shalt  }
0x4b: {  	_ =	shalt  }
0x4c: {  	_ =	shalt  }
0x4d: {  	_ =	shalt  }
0x4e: {  	_ =	shalt  }
0x4f: {  	_ =	shalt  }
0x50: {  	_ =	shalt  }
0x51: {  	_ =	shalt  }
0x52: {  	_ =	shalt  }
0x53: {  	_ =	shalt  }
0x54: {  	_ =	shalt  }
0x55: {  	_ =	shalt  }
0x56: {  	_ =	shalt  }
0x57: {  	_ =	shalt  }
0x58: {  	_ =	shalt  }
0x59: {  	_ =	shalt  }
0x5a: {  	_ =	shalt  }
0x5b: {  	_ =	shalt  }
0x5c: {  	_ =	shalt  }
0x5d: {  	_ =	shalt  }
0x5e: {  	_ =	shalt  }
0x5f: {  	_ =	shalt  }
0x60: {  	_ =	shalt  }
0x61: {  	_ =	shalt  }
0x62: {  	_ =	shalt  }
0x63: {  	_ =	shalt  }
0x64: {  	_ =	shalt  }
0x65: {  	_ =	shalt  }
0x66: {  	_ =	shalt  }
0x67: {  	_ =	shalt  }
0x68: {  	_ =	shalt  }
0x69: {  	_ =	shalt  }
0x6a: {  	_ =	shalt  }
0x6b: {  	_ =	shalt  }
0x6c: {  	_ =	shalt  }
0x6d: {  	_ =	shalt  }
0x6e: {  	_ =	shalt  }
0x6f: {  	_ =	shalt  }
0x70: {  	_ =	shalt  }
0x71: {  	_ =	shalt  }
0x72: {  	_ =	shalt  }
0x73: {  	_ =	shalt  }
0x74: {  	_ =	shalt  }
0x75: {  	_ =	shalt  }
0x76: {  	_ =	shalt  }
0x77: {  	_ =	shalt  }
0x78: {  	_ =	shalt  }
0x79: {  	_ =	shalt  }
0x7a: {  	_ =	shalt  }
0x7b: {  	_ =	shalt  }
0x7c: {  	_ =	shalt  }
0x7d: {  	_ =	shalt  }
0x7e: {  	_ =	shalt  }
0x7f: {  	_ =	shalt  }
0x80: {  	_ =	shalt  }
0x81: {  	_ =	shalt  }
0x82: {  	_ =	shalt  }
0x83: {  	_ =	shalt  }
0x84: {  	_ =	shalt  }
0x85: {  	_ =	shalt  }
0x86: {  	_ =	shalt  }
0x87: {  	_ =	shalt  }
.Lfunc_end0:
.L_simem_size_0:
called_computation_lowered:
.L_overlay_start_0:
0x88: {  	s2 =	sld [smem:$0x3FD9]  }
0x89: {  	s3 =	sld [smem:$0x3FFE];
	_ =	sdelay $0x1  }
0x8a: {  	s1 =	srdreg.scid  }
0x8b: {  	s0 =	sand.u32 $0x1, s1  }
0x8c: {  	s17 =	sshll.u32 s0, $0xA;
	s2 =	sadd.s32 s3, s2  }
0x8d: {  	s2 =	sadd.s32 s2, s17  }
0x8e: {  	[smem:$0x3FC5] =	sst s2  }
0x8f: {  	_ = 	snop  }
0x90: {  	s2 =	sld [smem:$0x3FD0];
	(tm) =	ssettm $0x1  }
0x91: {  	s18 =	sld [smem:$0x3FFB];
	_ =	sdelay $0x3  }
0x92: {  	_ =	strace s18  }
0x93: {  	s3 =	sld [smem:$0x3FFC];
	_ =	sdelay $0x3  }
0x94: {  	_ =	strace s3  }
0x95: {  	s3 =	sld [smem:$0x3FFD];
	_ =	sdelay $0x3  }
0x96: {  	_ =	strace s3  }
0x97: {  	_ =	strace $0x8FFFFFFF  }
0x98: {  	s19 =	sld [smem:$0x3FDB];
	_ =	sdelay $0x1  }
0x99: {  	s4 =	simm.s32 $_scs_section_size  }
0x9a: {  	s5 =	simm.s32 $_size__tile_overlayer_lowered;
	s6 =	simm.s32 $_tile_overlayer_lowered  }
0x9b: {  	s22 =	simm.s32 $0x1BFF;
	s21 =	sshll.u32 s6, $0x1;
	s3 =	sadd.s32 s4, s19  }
0x9c: {  	s7 =	simm.s32 $0x0;
	s20 =	sshll.u32 s5, $0x1;
	s5 =	sadd.s32 s21, s3  }
0x9d: {  	[timem:s7], [sflag:s22] =	dma.local [hbm:s5], s20  }
0x9e: {  	_ =	swait.ge [sflag:s22], s20  }
0x9f: {  	s4 =	ssub.s32 $0x0, s20;
	[sflag:s22] =	ssyncset.done $0x0  }
0xa0: {  	[sflag:s22] =	ssyncadd.s32 s4;
	_ =	sdelay $0x1  }
0xa1: {  	s23 =	simm.s32 $0x1B8B  }
0xa2: {  	_ =	swait.ge [sflag:s23], $0x1  }
0xa3: {  	[sflag:s23] =	ssyncset.done $0x0  }
0xa4: {  	s25 =	simm.s32 $0x1B8E;
	s24 =	sld [smem:$0x3FFE];
	[sflag:s23] =	ssyncadd.s32 $0xFFFFFFFF  }
0xa5: {  	s26 =	simm.s32 $execute0_lowered;
	[smem:$0x3FD2] =	sst s25  }
0xa6: {  	s5 =	sshll.u32 s26, $0x1;
	_ =	strace $0x80000046;
	[dreg:$0x1] =	wrdreg $0xFFFFFFFF  }
0xa7: {  	s28 =	simm.s32 $_size_execute0_lowered;
	s3 =	sadd.s32 s3, s5;
	[dreg:$0x0] =	wrdreg $0x0  }
0xa8: {  	s5 =	sshll.u32 s28, $0x1;
	[dreg:$0x2] =	wrdreg s3  }
0xa9: {  	[dreg:$0x3] =	wrdreg s5  }
0xaa: {  	[dreg:$0x4] =	wrdreg $0xC0  }
0xab: {  	_ =	task [dreg:s7], $0x5FFFF  }
0xac: {  	[dreg:$0x1] =	wrdreg $0xFFFFFFFF  }
0xad: {  	[dreg:$0x0] =	wrdreg $0x60  }
0xae: {  	[dreg:$0x2] =	wrdreg s2  }
0xaf: {  	[dreg:$0x3] =	wrdreg s24  }
0xb0: {  	[dreg:$0x4] =	wrdreg $0x9  }
0xb1: {  	_ =	task.clear_ibuf [dreg:s7], $0x5FFFF;
	_ =	strace $0x90000046  }
0xb2: {  	s29 =	simm.s32 $0x9;
	_ =	strace $0x80000048  }
0xb3: {  	_ =	swait.ge [sflag:s29], $0x1  }
0xb4: {  	[sflag:s29] =	ssyncadd.s32 $0xFFFFFFFF  }
0xb5: {  	_ =	strace $0x90000048  }
0xb6: {  	_ =	sfence  }
0xb7: {  	s30 =	sld [smem:$0x0];
	_ =	sdelay $0x2  }
0xb8: {  	s31 =	sshll.u32 s1, $0xD;
	s1 =	sshrl.u32 s1, $0x2  }
0xb9: {  	s3 =	sand.u32 $0x4000, s31;
	s1 =	sadd.s32 s1, s30  }
0xba: {  	s0 =	sor.u32 s3, s0;
	s1 =	sshll.u32 s1, $0x11  }
0xbb: {  	s0 =	sor.u32 s1, s0  }
0xbc: {  	s0 =	sadd.s32 $0x8F2B, s0  }
0xbd: {  	[sflag:s0] =	ssyncadd.remote.s32 $0x1  }
0xbe: {  	_ =	sfence.sel $0xFFFF  }
0xbf: {  	[dreg:$0x0] =	wrdreg $0xFFFFFFFF;
	(pc) =	sbr.abs _section_cstart, $3  }
0xc0: {  	[dreg:$0x1] =	wrdreg $0xFFFFFFFF  }
0xc1: {  	_ =	task.clear_ibuf [dreg:s7], $0x2FFFF;
	_ =	strace $0x9FFFFFFF  }
0xc2: {  	(tm) =	ssettm $0x7FFFFFFF  }
0xc3: {  	_ =	shalt  }
tec
execute0_lowered:
.L_overlay_start_1:
0x0: {  	(tag) =	ssettag $0x1  }
0x1: {  	s2 =	rddreg [dreg:$0x0];
	s0 =	srdreg.scid  }
0x2: {  	s3 =	stileid.u32;
	s1 =	rddreg [dreg:$0x1];
	s18 =	simm.s32 $0x1  }
0x3: {  	s28 =	simm.s32 $0x3E80;
	s29 =	simm.s32 $0x4B00;
	s30 =	simm.s32 $0x5780  }
0x4: {  	s31 =	simm.s32 $0xC800;
	s0 =	sand.u32 $0x1, s0;
	s4 =	sshll.u32 s3, $0x1  }
0x5: {  	s19 =	simm.s32 $0x0;
	s3 =	simm.s32 $0x0;
	s12 =	sor.u32 s0, s4  }
0x6: {  	s5 =	sadd.s32 $0xC00, s1;
	s6 =	sadd.s32 $0x1C00, s1;
	s8 =	smul.u32 $0x320, s12  }
0x7: {  	[smem:$0x7FF] =	sst s3;
	s0 =	ssub.s32 $0x2, s0;
	s11 =	smul.u32 $0xC8190, s12  }
0x8: {  	s4 =	sadd.s32 $0xE00, s1;
	s24 =	sshrl.u32 s0, $0x1;
	s13 =	smul.u32 $0x19032, s12  }
0x9: {  	_ =	strace $0x80000047;
	s16 =	smul.u32 $0x3200, s12;
	s0 =	ssub.s32 s0, s24  }
0xa: {  	s7 =	sadd.s32 $0xC8, s8;
	s25 =	sshrl.u32 s8, $0x3;
	s9 =	sadd.s32 $0x258, s8  }
0xb: {  	s26 =	sadd.s32 $0x640C8, s11;
	s11 =	sadd.s32 s2, s13;
	s12 =	sadd.s32 s6, s13  }
0xc: {  	s15 =	sor.u32 $0xC8, s16;
	s16 =	sadd.s32 $0x64190, s16;
	s17 =	smax.u32 s0, $0x1  }
0xd: {  	s0 =	simm.s32 $0x9600;
	s7 =	sshrl.u32 s7, $0x3;
	s1 =	sadd.s32 s4, s25  }
0xe: {  	s9 =	sshrl.u32 s9, $0x3;
	s7 =	sadd.s32 s4, s7;
	s8 =	sadd.s32 $0x32, s1  }
0xf: {  	s9 =	sadd.s32 s4, s9;
	s10 =	sadd.s32 $0x64, s1;
	s1 =	sshrl.u32 s26, $0x3  }
0x10: {  	s13 =	sadd.s32 s2, s1;
	s14 =	sadd.s32 s6, s1;
	s1 =	simm.s32 $0x6400  }
.LBB2_1:
0x11: {  	[tilespmem:s3], [sflag:$0x1] =	stream.linear.gather [hbm4b:s7+s3], $0xC8, $0x38;
	[tilespmem:$0xC900] =	vst v63  }
0x12: {  	_ =	swait.ge [sflag:s18], $0xC8  }
0x13: {  	[sflag:s18] =	ssyncset.done $0x0  }
0x14: {  	s20 =	simm.s32 $0xC8;
	[sflag:s18] =	ssyncadd.s32 $0xFFFFFF38  }
0x15: {  	[tilespmem:s20], [sflag:$0x1] =	stream.linear.gather [hbm4b:s7+s3], $0xC8, $0x38;
	[tilespmem:$0xC900] =	vst v63  }
0x16: {  	_ =	swait.ge [sflag:s18], $0xC8  }
0x17: {  	[sflag:s18] =	ssyncset.done $0x0  }
0x18: {  	s24 =	simm.s32 $0x190;
	[sflag:s18] =	ssyncadd.s32 $0xFFFFFF38  }
0x19: {  	[tilespmem:s24], [sflag:$0x1] =	stream.linear.gather [hbm4b:s7+s3], $0xC8, $0x38;
	[tilespmem:$0xC900] =	vst v63  }
0x1a: {  	_ =	swait.ge [sflag:s18], $0xC8  }
0x1b: {  	[sflag:s18] =	ssyncset.done $0x0  }
0x1c: {  	s25 =	simm.s32 $0x258;
	[sflag:s18] =	ssyncadd.s32 $0xFFFFFF38  }
0x1d: {  	[tilespmem:s25], [sflag:$0x1] =	stream.linear.gather [hbm4b:s7+s3], $0xC8, $0x38;
	[tilespmem:$0xC900] =	vst v63  }
0x1e: {  	_ =	swait.ge [sflag:s18], $0xC8  }
0x1f: {  	[sflag:s18] =	ssyncset.done $0x0  }
0x20: {  	s26 =	simm.s32 $0x320;
	[sflag:s18] =	ssyncadd.s32 $0xFFFFFF38  }
0x21: {  	[tilespmem:s26], [sflag:$0x1] =	stream.linear.gather [hbm4b:s7+s3], $0xC8, $0x38;
	[tilespmem:$0xC900] =	vst v63  }
0x22: {  	_ =	swait.ge [sflag:s18], $0xC8  }
0x23: {  	[sflag:s18] =	ssyncset.done $0x0  }
0x24: {  	s21 =	simm.s32 $0x3E8;
	[sflag:s18] =	ssyncadd.s32 $0xFFFFFF38  }
0x25: {  	[tilespmem:s21], [sflag:$0x1] =	stream.linear.gather [hbm4b:s7+s3], $0xC8, $0x38;
	[tilespmem:$0xC900] =	vst v63  }
0x26: {  	_ =	swait.ge [sflag:s18], $0xC8  }
0x27: {  	[sflag:s18] =	ssyncset.done $0x0  }
0x28: {  	s22 =	simm.s32 $0x4B0;
	[sflag:s18] =	ssyncadd.s32 $0xFFFFFF38  }
0x29: {  	[tilespmem:s22], [sflag:$0x1] =	stream.linear.gather [hbm4b:s7+s3], $0xC8, $0x38;
	[tilespmem:$0xC900] =	vst v63  }
0x2a: {  	_ =	swait.ge [sflag:s18], $0xC8  }
0x2b: {  	[sflag:s18] =	ssyncset.done $0x0  }
0x2c: {  	s23 =	simm.s32 $0x578;
	[sflag:s18] =	ssyncadd.s32 $0xFFFFFF38  }
0x2d: {  	[tilespmem:s23], [sflag:$0x1] =	stream.linear.gather [hbm4b:s7+s3], $0xC8, $0x38;
	[tilespmem:$0xC900] =	vst v63  }
0x2e: {  	_ =	swait.ge [sflag:s18], $0xC8  }
0x2f: {  	[sflag:s18] =	ssyncset.done $0x0  }
0x30: {  	s24 =	simm.s32 $0x640;
	[sflag:s18] =	ssyncadd.s32 $0xFFFFFF38  }
0x31: {  	[tilespmem:s24], [sflag:$0x1] =	stream.linear.gather [hbm4b:s7+s3], $0xC8, $0x38;
	[tilespmem:$0xC900] =	vst v63  }
0x32: {  	_ =	swait.ge [sflag:s18], $0xC8  }
0x33: {  	[sflag:s18] =	ssyncset.done $0x0  }
0x34: {  	s25 =	simm.s32 $0x708;
	[sflag:s18] =	ssyncadd.s32 $0xFFFFFF38  }
0x35: {  	[tilespmem:s25], [sflag:$0x1] =	stream.linear.gather [hbm4b:s7+s3], $0xC8, $0x38;
	[tilespmem:$0xC900] =	vst v63  }
0x36: {  	_ =	swait.ge [sflag:s18], $0xC8  }
0x37: {  	[sflag:s18] =	ssyncset.done $0x0  }
0x38: {  	s26 =	simm.s32 $0x7D0;
	[sflag:s18] =	ssyncadd.s32 $0xFFFFFF38  }
0x39: {  	[tilespmem:s26], [sflag:$0x1] =	stream.linear.gather [hbm4b:s7+s3], $0xC8, $0x38;
	[tilespmem:$0xC900] =	vst v63  }
0x3a: {  	_ =	swait.ge [sflag:s18], $0xC8  }
0x3b: {  	[sflag:s18] =	ssyncset.done $0x0  }
0x3c: {  	s21 =	simm.s32 $0x898;
	[sflag:s18] =	ssyncadd.s32 $0xFFFFFF38  }
0x3d: {  	[tilespmem:s21], [sflag:$0x1] =	stream.linear.gather [hbm4b:s7+s3], $0xC8, $0x38;
	[tilespmem:$0xC900] =	vst v63  }
0x3e: {  	_ =	swait.ge [sflag:s18], $0xC8  }
0x3f: {  	[sflag:s18] =	ssyncset.done $0x0  }
0x40: {  	s22 =	simm.s32 $0x960;
	[sflag:s18] =	ssyncadd.s32 $0xFFFFFF38  }
0x41: {  	[tilespmem:s22], [sflag:$0x1] =	stream.linear.gather [hbm4b:s7+s3], $0xC8, $0x38;
	[tilespmem:$0xC900] =	vst v63  }
0x42: {  	_ =	swait.ge [sflag:s18], $0xC8  }
0x43: {  	[sflag:s18] =	ssyncset.done $0x0  }
0x44: {  	s23 =	simm.s32 $0xA28;
	[sflag:s18] =	ssyncadd.s32 $0xFFFFFF38  }
0x45: {  	[tilespmem:s23], [sflag:$0x1] =	stream.linear.gather [hbm4b:s7+s3], $0xC8, $0x38;
	[tilespmem:$0xC900] =	vst v63  }
0x46: {  	_ =	swait.ge [sflag:s18], $0xC8  }
0x47: {  	[sflag:s18] =	ssyncset.done $0x0  }
0x48: {  	s24 =	simm.s32 $0xAF0;
	[sflag:s18] =	ssyncadd.s32 $0xFFFFFF38  }
0x49: {  	[tilespmem:s24], [sflag:$0x1] =	stream.linear.gather [hbm4b:s7+s3], $0xC8, $0x38;
	[tilespmem:$0xC900] =	vst v63  }
0x4a: {  	_ =	swait.ge [sflag:s18], $0xC8  }
0x4b: {  	[sflag:s18] =	ssyncset.done $0x0  }
0x4c: {  	s25 =	simm.s32 $0xBB8;
	[sflag:s18] =	ssyncadd.s32 $0xFFFFFF38  }
0x4d: {  	[tilespmem:s25], [sflag:$0x1] =	stream.linear.gather [hbm4b:s7+s3], $0xC8, $0x38;
	[tilespmem:$0xC900] =	vst v63  }
0x4e: {  	_ =	swait.ge [sflag:s18], $0xC8  }
0x4f: {  	[sflag:s18] =	ssyncset.done $0x0  }
0x50: {  	s26 =	simm.s32 $0xC80;
	[sflag:s18] =	ssyncadd.s32 $0xFFFFFF38  }
0x51: {  	[tilespmem:s26], [sflag:$0x1] =	stream.linear.gather [hbm4b:s8+s3], $0xC8, $0x38;
	[tilespmem:$0xC900] =	vst v63  }
0x52: {  	_ =	swait.ge [sflag:s18], $0xC8  }
0x53: {  	[sflag:s18] =	ssyncset.done $0x0  }
0x54: {  	s21 =	simm.s32 $0xD48;
	[sflag:s18] =	ssyncadd.s32 $0xFFFFFF38  }
0x55: {  	[tilespmem:s21], [sflag:$0x1] =	stream.linear.gather [hbm4b:s8+s3], $0xC8, $0x38;
	[tilespmem:$0xC900] =	vst v63  }
0x56: {  	_ =	swait.ge [sflag:s18], $0xC8  }
0x57: {  	[sflag:s18] =	ssyncset.done $0x0  }
0x58: {  	s22 =	simm.s32 $0xE10;
	[sflag:s18] =	ssyncadd.s32 $0xFFFFFF38  }
0x59: {  	[tilespmem:s22], [sflag:$0x1] =	stream.linear.gather [hbm4b:s8+s3], $0xC8, $0x38;
	[tilespmem:$0xC900] =	vst v63  }
0x5a: {  	_ =	swait.ge [sflag:s18], $0xC8  }
0x5b: {  	[sflag:s18] =	ssyncset.done $0x0  }
0x5c: {  	s23 =	simm.s32 $0xED8;
	[sflag:s18] =	ssyncadd.s32 $0xFFFFFF38  }
0x5d: {  	[tilespmem:s23], [sflag:$0x1] =	stream.linear.gather [hbm4b:s8+s3], $0xC8, $0x38;
	[tilespmem:$0xC900] =	vst v63  }
0x5e: {  	_ =	swait.ge [sflag:s18], $0xC8  }
0x5f: {  	[sflag:s18] =	ssyncset.done $0x0  }
0x60: {  	s24 =	simm.s32 $0xFA0;
	[sflag:s18] =	ssyncadd.s32 $0xFFFFFF38  }
0x61: {  	[tilespmem:s24], [sflag:$0x1] =	stream.linear.gather [hbm4b:s8+s3], $0xC8, $0x38;
	[tilespmem:$0xC900] =	vst v63  }
0x62: {  	_ =	swait.ge [sflag:s18], $0xC8  }
0x63: {  	[sflag:s18] =	ssyncset.done $0x0  }
0x64: {  	s25 =	simm.s32 $0x1068;
	[sflag:s18] =	ssyncadd.s32 $0xFFFFFF38  }
0x65: {  	[tilespmem:s25], [sflag:$0x1] =	stream.linear.gather [hbm4b:s8+s3], $0xC8, $0x38;
	[tilespmem:$0xC900] =	vst v63  }
0x66: {  	_ =	swait.ge [sflag:s18], $0xC8  }
0x67: {  	[sflag:s18] =	ssyncset.done $0x0  }
0x68: {  	s26 =	simm.s32 $0x1130;
	[sflag:s18] =	ssyncadd.s32 $0xFFFFFF38  }
0x69: {  	[tilespmem:s26], [sflag:$0x1] =	stream.linear.gather [hbm4b:s8+s3], $0xC8, $0x38;
	[tilespmem:$0xC900] =	vst v63  }
0x6a: {  	_ =	swait.ge [sflag:s18], $0xC8  }
0x6b: {  	[sflag:s18] =	ssyncset.done $0x0  }
0x6c: {  	s21 =	simm.s32 $0x11F8;
	[sflag:s18] =	ssyncadd.s32 $0xFFFFFF38  }
0x6d: {  	[tilespmem:s21], [sflag:$0x1] =	stream.linear.gather [hbm4b:s8+s3], $0xC8, $0x38;
	[tilespmem:$0xC900] =	vst v63  }
0x6e: {  	_ =	swait.ge [sflag:s18], $0xC8  }
0x6f: {  	[sflag:s18] =	ssyncset.done $0x0  }
0x70: {  	s22 =	simm.s32 $0x12C0;
	[sflag:s18] =	ssyncadd.s32 $0xFFFFFF38  }
0x71: {  	[tilespmem:s22], [sflag:$0x1] =	stream.linear.gather [hbm4b:s8+s3], $0xC8, $0x38;
	[tilespmem:$0xC900] =	vst v63  }
0x72: {  	_ =	swait.ge [sflag:s18], $0xC8  }
0x73: {  	[sflag:s18] =	ssyncset.done $0x0  }
0x74: {  	s23 =	simm.s32 $0x1388;
	[sflag:s18] =	ssyncadd.s32 $0xFFFFFF38  }
0x75: {  	[tilespmem:s23], [sflag:$0x1] =	stream.linear.gather [hbm4b:s8+s3], $0xC8, $0x38;
	[tilespmem:$0xC900] =	vst v63  }
0x76: {  	_ =	swait.ge [sflag:s18], $0xC8  }
0x77: {  	[sflag:s18] =	ssyncset.done $0x0  }
0x78: {  	s24 =	simm.s32 $0x1450;
	[sflag:s18] =	ssyncadd.s32 $0xFFFFFF38  }
0x79: {  	[tilespmem:s24], [sflag:$0x1] =	stream.linear.gather [hbm4b:s8+s3], $0xC8, $0x38;
	[tilespmem:$0xC900] =	vst v63  }
0x7a: {  	_ =	swait.ge [sflag:s18], $0xC8  }
0x7b: {  	[sflag:s18] =	ssyncset.done $0x0  }
0x7c: {  	s25 =	simm.s32 $0x1518;
	[sflag:s18] =	ssyncadd.s32 $0xFFFFFF38  }
0x7d: {  	[tilespmem:s25], [sflag:$0x1] =	stream.linear.gather [hbm4b:s8+s3], $0xC8, $0x38;
	[tilespmem:$0xC900] =	vst v63  }
0x7e: {  	_ =	swait.ge [sflag:s18], $0xC8  }
0x7f: {  	[sflag:s18] =	ssyncset.done $0x0  }
0x80: {  	s26 =	simm.s32 $0x15E0;
	[sflag:s18] =	ssyncadd.s32 $0xFFFFFF38  }
0x81: {  	[tilespmem:s26], [sflag:$0x1] =	stream.linear.gather [hbm4b:s8+s3], $0xC8, $0x38;
	[tilespmem:$0xC900] =	vst v63  }
0x82: {  	_ =	swait.ge [sflag:s18], $0xC8  }
0x83: {  	[sflag:s18] =	ssyncset.done $0x0  }
0x84: {  	s21 =	simm.s32 $0x16A8;
	[sflag:s18] =	ssyncadd.s32 $0xFFFFFF38  }
0x85: {  	[tilespmem:s21], [sflag:$0x1] =	stream.linear.gather [hbm4b:s8+s3], $0xC8, $0x38;
	[tilespmem:$0xC900] =	vst v63  }
0x86: {  	_ =	swait.ge [sflag:s18], $0xC8  }
0x87: {  	[sflag:s18] =	ssyncset.done $0x0  }
0x88: {  	s22 =	simm.s32 $0x1770;
	[sflag:s18] =	ssyncadd.s32 $0xFFFFFF38  }
0x89: {  	[tilespmem:s22], [sflag:$0x1] =	stream.linear.gather [hbm4b:s8+s3], $0xC8, $0x38;
	[tilespmem:$0xC900] =	vst v63  }
0x8a: {  	_ =	swait.ge [sflag:s18], $0xC8  }
0x8b: {  	[sflag:s18] =	ssyncset.done $0x0  }
0x8c: {  	s23 =	simm.s32 $0x1838;
	[sflag:s18] =	ssyncadd.s32 $0xFFFFFF38  }
0x8d: {  	[tilespmem:s23], [sflag:$0x1] =	stream.linear.gather [hbm4b:s8+s3], $0xC8, $0x38;
	[tilespmem:$0xC900] =	vst v63  }
0x8e: {  	_ =	swait.ge [sflag:s18], $0xC8  }
0x8f: {  	[sflag:s18] =	ssyncset.done $0x0  }
0x90: {  	s24 =	simm.s32 $0x1900;
	[sflag:s18] =	ssyncadd.s32 $0xFFFFFF38  }
0x91: {  	[tilespmem:s24], [sflag:$0x1] =	stream.linear.gather [hbm4b:s9+s3], $0xC8, $0x38;
	[tilespmem:$0xC900] =	vst v63  }
0x92: {  	_ =	swait.ge [sflag:s18], $0xC8  }
0x93: {  	[sflag:s18] =	ssyncset.done $0x0  }
0x94: {  	s25 =	simm.s32 $0x19C8;
	[sflag:s18] =	ssyncadd.s32 $0xFFFFFF38  }
0x95: {  	[tilespmem:s25], [sflag:$0x1] =	stream.linear.gather [hbm4b:s9+s3], $0xC8, $0x38;
	[tilespmem:$0xC900] =	vst v63  }
0x96: {  	_ =	swait.ge [sflag:s18], $0xC8  }
0x97: {  	[sflag:s18] =	ssyncset.done $0x0  }
0x98: {  	s26 =	simm.s32 $0x1A90;
	[sflag:s18] =	ssyncadd.s32 $0xFFFFFF38  }
0x99: {  	[tilespmem:s26], [sflag:$0x1] =	stream.linear.gather [hbm4b:s9+s3], $0xC8, $0x38;
	[tilespmem:$0xC900] =	vst v63  }
0x9a: {  	_ =	swait.ge [sflag:s18], $0xC8  }
0x9b: {  	[sflag:s18] =	ssyncset.done $0x0  }
0x9c: {  	s21 =	simm.s32 $0x1B58;
	[sflag:s18] =	ssyncadd.s32 $0xFFFFFF38  }
0x9d: {  	[tilespmem:s21], [sflag:$0x1] =	stream.linear.gather [hbm4b:s9+s3], $0xC8, $0x38;
	[tilespmem:$0xC900] =	vst v63  }
0x9e: {  	_ =	swait.ge [sflag:s18], $0xC8  }
0x9f: {  	[sflag:s18] =	ssyncset.done $0x0  }
0xa0: {  	s22 =	simm.s32 $0x1C20;
	[sflag:s18] =	ssyncadd.s32 $0xFFFFFF38  }
0xa1: {  	[tilespmem:s22], [sflag:$0x1] =	stream.linear.gather [hbm4b:s9+s3], $0xC8, $0x38;
	[tilespmem:$0xC900] =	vst v63  }
0xa2: {  	_ =	swait.ge [sflag:s18], $0xC8  }
0xa3: {  	[sflag:s18] =	ssyncset.done $0x0  }
0xa4: {  	s23 =	simm.s32 $0x1CE8;
	[sflag:s18] =	ssyncadd.s32 $0xFFFFFF38  }
0xa5: {  	[tilespmem:s23], [sflag:$0x1] =	stream.linear.gather [hbm4b:s9+s3], $0xC8, $0x38;
	[tilespmem:$0xC900] =	vst v63  }
0xa6: {  	_ =	swait.ge [sflag:s18], $0xC8  }
0xa7: {  	[sflag:s18] =	ssyncset.done $0x0  }
0xa8: {  	s24 =	simm.s32 $0x1DB0;
	[sflag:s18] =	ssyncadd.s32 $0xFFFFFF38  }
0xa9: {  	[tilespmem:s24], [sflag:$0x1] =	stream.linear.gather [hbm4b:s9+s3], $0xC8, $0x38;
	[tilespmem:$0xC900] =	vst v63  }
0xaa: {  	_ =	swait.ge [sflag:s18], $0xC8  }
0xab: {  	[sflag:s18] =	ssyncset.done $0x0  }
0xac: {  	s25 =	simm.s32 $0x1E78;
	[sflag:s18] =	ssyncadd.s32 $0xFFFFFF38  }
0xad: {  	[tilespmem:s25], [sflag:$0x1] =	stream.linear.gather [hbm4b:s9+s3], $0xC8, $0x38;
	[tilespmem:$0xC900] =	vst v63  }
0xae: {  	_ =	swait.ge [sflag:s18], $0xC8  }
0xaf: {  	[sflag:s18] =	ssyncset.done $0x0  }
0xb0: {  	s26 =	simm.s32 $0x1F40;
	[sflag:s18] =	ssyncadd.s32 $0xFFFFFF38  }
0xb1: {  	[tilespmem:s26], [sflag:$0x1] =	stream.linear.gather [hbm4b:s9+s3], $0xC8, $0x38;
	[tilespmem:$0xC900] =	vst v63  }
0xb2: {  	_ =	swait.ge [sflag:s18], $0xC8  }
0xb3: {  	[sflag:s18] =	ssyncset.done $0x0  }
0xb4: {  	s21 =	simm.s32 $0x2008;
	[sflag:s18] =	ssyncadd.s32 $0xFFFFFF38  }
0xb5: {  	[tilespmem:s21], [sflag:$0x1] =	stream.linear.gather [hbm4b:s9+s3], $0xC8, $0x38;
	[tilespmem:$0xC900] =	vst v63  }
0xb6: {  	_ =	swait.ge [sflag:s18], $0xC8  }
0xb7: {  	[sflag:s18] =	ssyncset.done $0x0  }
0xb8: {  	s22 =	simm.s32 $0x20D0;
	[sflag:s18] =	ssyncadd.s32 $0xFFFFFF38  }
0xb9: {  	[tilespmem:s22], [sflag:$0x1] =	stream.linear.gather [hbm4b:s9+s3], $0xC8, $0x38;
	[tilespmem:$0xC900] =	vst v63  }
0xba: {  	_ =	swait.ge [sflag:s18], $0xC8  }
0xbb: {  	[sflag:s18] =	ssyncset.done $0x0  }
0xbc: {  	s23 =	simm.s32 $0x2198;
	[sflag:s18] =	ssyncadd.s32 $0xFFFFFF38  }
0xbd: {  	[tilespmem:s23], [sflag:$0x1] =	stream.linear.gather [hbm4b:s9+s3], $0xC8, $0x38;
	[tilespmem:$0xC900] =	vst v63  }
0xbe: {  	_ =	swait.ge [sflag:s18], $0xC8  }
0xbf: {  	[sflag:s18] =	ssyncset.done $0x0  }
0xc0: {  	s24 =	simm.s32 $0x2260;
	[sflag:s18] =	ssyncadd.s32 $0xFFFFFF38  }
0xc1: {  	[tilespmem:s24], [sflag:$0x1] =	stream.linear.gather [hbm4b:s9+s3], $0xC8, $0x38;
	[tilespmem:$0xC900] =	vst v63  }
0xc2: {  	_ =	swait.ge [sflag:s18], $0xC8  }
0xc3: {  	[sflag:s18] =	ssyncset.done $0x0  }
0xc4: {  	s25 =	simm.s32 $0x2328;
	[sflag:s18] =	ssyncadd.s32 $0xFFFFFF38  }
0xc5: {  	[tilespmem:s25], [sflag:$0x1] =	stream.linear.gather [hbm4b:s9+s3], $0xC8, $0x38;
	[tilespmem:$0xC900] =	vst v63  }
0xc6: {  	_ =	swait.ge [sflag:s18], $0xC8  }
0xc7: {  	[sflag:s18] =	ssyncset.done $0x0  }
0xc8: {  	s26 =	simm.s32 $0x23F0;
	[sflag:s18] =	ssyncadd.s32 $0xFFFFFF38  }
0xc9: {  	[tilespmem:s26], [sflag:$0x1] =	stream.linear.gather [hbm4b:s9+s3], $0xC8, $0x38;
	[tilespmem:$0xC900] =	vst v63  }
0xca: {  	_ =	swait.ge [sflag:s18], $0xC8  }
0xcb: {  	[sflag:s18] =	ssyncset.done $0x0  }
0xcc: {  	s21 =	simm.s32 $0x24B8;
	[sflag:s18] =	ssyncadd.s32 $0xFFFFFF38  }
0xcd: {  	[tilespmem:s21], [sflag:$0x1] =	stream.linear.gather [hbm4b:s9+s3], $0xC8, $0x38;
	[tilespmem:$0xC900] =	vst v63  }
0xce: {  	_ =	swait.ge [sflag:s18], $0xC8  }
0xcf: {  	[sflag:s18] =	ssyncset.done $0x0  }
0xd0: {  	s22 =	simm.s32 $0x2580;
	[sflag:s18] =	ssyncadd.s32 $0xFFFFFF38  }
0xd1: {  	[tilespmem:s22], [sflag:$0x1] =	stream.linear.gather [hbm4b:s10+s3], $0xC8, $0x38;
	[tilespmem:$0xC900] =	vst v63  }
0xd2: {  	_ =	swait.ge [sflag:s18], $0xC8  }
0xd3: {  	[sflag:s18] =	ssyncset.done $0x0  }
0xd4: {  	s23 =	simm.s32 $0x2648;
	[sflag:s18] =	ssyncadd.s32 $0xFFFFFF38  }
0xd5: {  	[tilespmem:s23], [sflag:$0x1] =	stream.linear.gather [hbm4b:s10+s3], $0xC8, $0x38;
	[tilespmem:$0xC900] =	vst v63  }
0xd6: {  	_ =	swait.ge [sflag:s18], $0xC8  }
0xd7: {  	[sflag:s18] =	ssyncset.done $0x0  }
0xd8: {  	s24 =	simm.s32 $0x2710;
	[sflag:s18] =	ssyncadd.s32 $0xFFFFFF38  }
0xd9: {  	[tilespmem:s24], [sflag:$0x1] =	stream.linear.gather [hbm4b:s10+s3], $0xC8, $0x38;
	[tilespmem:$0xC900] =	vst v63  }
0xda: {  	_ =	swait.ge [sflag:s18], $0xC8  }
0xdb: {  	[sflag:s18] =	ssyncset.done $0x0  }
0xdc: {  	s25 =	simm.s32 $0x27D8;
	[sflag:s18] =	ssyncadd.s32 $0xFFFFFF38  }
0xdd: {  	[tilespmem:s25], [sflag:$0x1] =	stream.linear.gather [hbm4b:s10+s3], $0xC8, $0x38;
	[tilespmem:$0xC900] =	vst v63  }
0xde: {  	_ =	swait.ge [sflag:s18], $0xC8  }
0xdf: {  	[sflag:s18] =	ssyncset.done $0x0  }
0xe0: {  	s26 =	simm.s32 $0x28A0;
	[sflag:s18] =	ssyncadd.s32 $0xFFFFFF38  }
0xe1: {  	[tilespmem:s26], [sflag:$0x1] =	stream.linear.gather [hbm4b:s10+s3], $0xC8, $0x38;
	[tilespmem:$0xC900] =	vst v63  }
0xe2: {  	_ =	swait.ge [sflag:s18], $0xC8  }
0xe3: {  	[sflag:s18] =	ssyncset.done $0x0  }
0xe4: {  	s21 =	simm.s32 $0x2968;
	[sflag:s18] =	ssyncadd.s32 $0xFFFFFF38  }
0xe5: {  	[tilespmem:s21], [sflag:$0x1] =	stream.linear.gather [hbm4b:s10+s3], $0xC8, $0x38;
	[tilespmem:$0xC900] =	vst v63  }
0xe6: {  	_ =	swait.ge [sflag:s18], $0xC8  }
0xe7: {  	[sflag:s18] =	ssyncset.done $0x0  }
0xe8: {  	s22 =	simm.s32 $0x2A30;
	[sflag:s18] =	ssyncadd.s32 $0xFFFFFF38  }
0xe9: {  	[tilespmem:s22], [sflag:$0x1] =	stream.linear.gather [hbm4b:s10+s3], $0xC8, $0x38;
	[tilespmem:$0xC900] =	vst v63  }
0xea: {  	_ =	swait.ge [sflag:s18], $0xC8  }
0xeb: {  	[sflag:s18] =	ssyncset.done $0x0  }
0xec: {  	s23 =	simm.s32 $0x2AF8;
	[sflag:s18] =	ssyncadd.s32 $0xFFFFFF38  }
0xed: {  	[tilespmem:s23], [sflag:$0x1] =	stream.linear.gather [hbm4b:s10+s3], $0xC8, $0x38;
	[tilespmem:$0xC900] =	vst v63  }
0xee: {  	_ =	swait.ge [sflag:s18], $0xC8  }
0xef: {  	[sflag:s18] =	ssyncset.done $0x0  }
0xf0: {  	s24 =	simm.s32 $0x2BC0;
	[sflag:s18] =	ssyncadd.s32 $0xFFFFFF38  }
0xf1: {  	[tilespmem:s24], [sflag:$0x1] =	stream.linear.gather [hbm4b:s10+s3], $0xC8, $0x38;
	[tilespmem:$0xC900] =	vst v63  }
0xf2: {  	_ =	swait.ge [sflag:s18], $0xC8  }
0xf3: {  	[sflag:s18] =	ssyncset.done $0x0  }
0xf4: {  	s25 =	simm.s32 $0x2C88;
	[sflag:s18] =	ssyncadd.s32 $0xFFFFFF38  }
0xf5: {  	[tilespmem:s25], [sflag:$0x1] =	stream.linear.gather [hbm4b:s10+s3], $0xC8, $0x38;
	[tilespmem:$0xC900] =	vst v63  }
0xf6: {  	_ =	swait.ge [sflag:s18], $0xC8  }
0xf7: {  	[sflag:s18] =	ssyncset.done $0x0  }
0xf8: {  	s26 =	simm.s32 $0x2D50;
	[sflag:s18] =	ssyncadd.s32 $0xFFFFFF38  }
0xf9: {  	[tilespmem:s26], [sflag:$0x1] =	stream.linear.gather [hbm4b:s10+s3], $0xC8, $0x38;
	[tilespmem:$0xC900] =	vst v63  }
0xfa: {  	_ =	swait.ge [sflag:s18], $0xC8  }
0xfb: {  	[sflag:s18] =	ssyncset.done $0x0  }
0xfc: {  	s21 =	simm.s32 $0x2E18;
	[sflag:s18] =	ssyncadd.s32 $0xFFFFFF38  }
0xfd: {  	[tilespmem:s21], [sflag:$0x1] =	stream.linear.gather [hbm4b:s10+s3], $0xC8, $0x38;
	[tilespmem:$0xC900] =	vst v63  }
0xfe: {  	_ =	swait.ge [sflag:s18], $0xC8  }
0xff: {  	[sflag:s18] =	ssyncset.done $0x0  }
0x100: {  	s22 =	simm.s32 $0x2EE0;
	[sflag:s18] =	ssyncadd.s32 $0xFFFFFF38  }
0x101: {  	[tilespmem:s22], [sflag:$0x1] =	stream.linear.gather [hbm4b:s10+s3], $0xC8, $0x38;
	[tilespmem:$0xC900] =	vst v63  }
0x102: {  	_ =	swait.ge [sflag:s18], $0xC8  }
0x103: {  	[sflag:s18] =	ssyncset.done $0x0  }
0x104: {  	s23 =	simm.s32 $0x2FA8;
	[sflag:s18] =	ssyncadd.s32 $0xFFFFFF38  }
0x105: {  	[tilespmem:s23], [sflag:$0x1] =	stream.linear.gather [hbm4b:s10+s3], $0xC8, $0x38;
	[tilespmem:$0xC900] =	vst v63  }
0x106: {  	_ =	swait.ge [sflag:s18], $0xC8  }
0x107: {  	[sflag:s18] =	ssyncset.done $0x0  }
0x108: {  	s24 =	simm.s32 $0x3070;
	[sflag:s18] =	ssyncadd.s32 $0xFFFFFF38  }
0x109: {  	[tilespmem:s24], [sflag:$0x1] =	stream.linear.gather [hbm4b:s10+s3], $0xC8, $0x38;
	[tilespmem:$0xC900] =	vst v63  }
0x10a: {  	_ =	swait.ge [sflag:s18], $0xC8  }
0x10b: {  	[sflag:s18] =	ssyncset.done $0x0  }
0x10c: {  	s25 =	simm.s32 $0x3138;
	[sflag:s18] =	ssyncadd.s32 $0xFFFFFF38  }
0x10d: {  	[tilespmem:s25], [sflag:$0x1] =	stream.linear.gather [hbm4b:s10+s3], $0xC8, $0x38;
	[tilespmem:$0xC900] =	vst v63  }
0x10e: {  	_ =	swait.ge [sflag:s18], $0xC8  }
0x10f: {  	[sflag:s18] =	ssyncset.done $0x0  }
0x110: {  	s26 =	simm.s32 $0x3200;
	[sflag:s18] =	ssyncadd.s32 $0xFFFFFF38  }
0x111: {  	[tilespmem:s26], [sflag:$0x1] =	stream.linear.gather [hbm4b:s5+s3], $0xC80, $0x38;
	[tilespmem:$0xC900] =	vst v63  }
0x112: {  	_ =	swait.ge [sflag:s18], $0xC80  }
0x113: {  	[sflag:s18] =	ssyncset.done $0x0  }
0x114: {  	[sflag:s18] =	ssyncadd.s32 $0xFFFFF380  }
0x115: {  	[tilespmem:s28], [sflag:$0x1] =	stream.linear.gather [hbm4b:s5+s3], $0xC80, $0x38;
	[tilespmem:$0xC900] =	vst v63  }
0x116: {  	_ =	swait.ge [sflag:s18], $0xC80  }
0x117: {  	[sflag:s18] =	ssyncset.done $0x0  }
0x118: {  	[sflag:s18] =	ssyncadd.s32 $0xFFFFF380  }
0x119: {  	[tilespmem:s29], [sflag:$0x1] =	stream.linear.gather [hbm4b:s5+s3], $0xC80, $0x38;
	[tilespmem:$0xC900] =	vst v63  }
0x11a: {  	_ =	swait.ge [sflag:s18], $0xC80  }
0x11b: {  	[sflag:s18] =	ssyncset.done $0x0  }
0x11c: {  	[sflag:s18] =	ssyncadd.s32 $0xFFFFF380  }
0x11d: {  	[tilespmem:s30], [sflag:$0x1] =	stream.linear.gather [hbm4b:s5+s3], $0xC80, $0x38;
	[tilespmem:$0xC900] =	vst v63  }
0x11e: {  	_ =	swait.ge [sflag:s18], $0xC80  }
0x11f: {  	[sflag:s18] =	ssyncset.done $0x0  }
0x120: {  	s20 =	simm.s32 $0x0;
	[sflag:s18] =	ssyncadd.s32 $0xFFFFF380  }
0x121: {  	s21 =	simm.s32 $0x40;
	v0 =	vld [tilespmem:s20+$0x3200]  }
.LBB2_2:
0x122: {  	p0 =	sne.s32 s21, $0xC7C0;
	v1 =	vld [tilespmem:s20+$0x0];
	_ =	sdelay $0x2  }
.Ltmp0:
0x123: {  	(pc) =	sbr.rel @p0 .LBB2_2-.Ltmp0, $4  }
0x124: {  	_ = 	snop  }
0x125: {  	v1 =	vadd.f32 v0, v1  }
0x126: {  	s22 =	sshra.s32 s21, $0x2  }
0x127: {  	s21 =	sadd.s32 $0x40, s21;
	v0 =	vld [tilespmem:s22+$0x3200];
	[tilespmem:s20+$0x0] =	vst v1;
	s20 =	smov.u32 s22  }
0x128: {  	v1 =	vld [tilespmem:s20+$0x0];
	_ =	sdelay $0x4  }
0x129: {  	v0 =	vadd.f32 v0, v1;
	_ =	sdelay $0x1  }
0x12a: {  	[tilespmem:s20+$0x0] =	vst v0;
	s20 =	simm.s32 $0x0  }
0x12b: {  	[tilespmem:s31], [sflag:$0x1] =	stream.linear.gather [hbm4b:s4+s20], $0xC8, $0x38;
	[tilespmem:$0xC900] =	vst v63  }
0x12c: {  	_ =	swait.ge [sflag:s18], $0xC8  }
0x12d: {  	[sflag:s18] =	ssyncset.done $0x0  }
0x12e: {  	[sflag:s18] =	ssyncadd.s32 $0xFFFFFF38  }
0x12f: {  	[tilespmem:s1], [sflag:$0x1] =	stream.linear.gather [hbm4b:s11+s20], $0xC8, $0x38;
	[tilespmem:$0xC900] =	vst v63  }
0x130: {  	_ =	swait.ge [sflag:s18], $0xC8  }
0x131: {  	[sflag:s18] =	ssyncset.done $0x0  }
0x132: {  	[sflag:s18] =	ssyncadd.s32 $0xFFFFFF38  }
0x133: {  	v54 =	vld [tilespmem:$0x6400]  }
0x134: {  	v55 =	vld [tilespmem:$0xC800]  }
0x135: {  	v2 =	vld [tilespmem:$0x6410]  }
0x136: {  	v3 =	vld [tilespmem:$0xC810]  }
0x137: {  	v4 =	vld [tilespmem:$0x6420]  }
0x138: {  	v5 =	vld [tilespmem:$0xC820]  }
0x139: {  	v6 =	vld [tilespmem:$0x6430]  }
0x13a: {  	v7 =	vld [tilespmem:$0xC830]  }
0x13b: {  	v8 =	vld [tilespmem:$0x6440]  }
0x13c: {  	v9 =	vld [tilespmem:$0xC840]  }
0x13d: {  	v10 =	vld [tilespmem:$0x6450]  }
0x13e: {  	v11 =	vld [tilespmem:$0xC850]  }
0x13f: {  	v12 =	vld [tilespmem:$0x6460]  }
0x140: {  	v13 =	vld [tilespmem:$0xC860]  }
0x141: {  	v14 =	vld [tilespmem:$0x6470]  }
0x142: {  	v15 =	vld [tilespmem:$0xC870]  }
0x143: {  	v16 =	vld [tilespmem:$0x6480]  }
0x144: {  	v17 =	vld [tilespmem:$0xC880]  }
0x145: {  	v56 =	vld [tilespmem:$0x6490];
	v0 =	vadd.f32 v55, v54  }
0x146: {  	v57 =	vld [tilespmem:$0xC890];
	v2 =	vadd.f32 v3, v2  }
0x147: {  	v59 =	vld [tilespmem:$0x64A0];
	v58 =	vadd.f32 v5, v4;
	[tilespmem:$0x6400] =	vst v0  }
0x148: {  	v61 =	vld [tilespmem:$0xC8A0];
	v60 =	vadd.f32 v7, v6;
	[tilespmem:$0x6410] =	vst v2  }
0x149: {  	v63 =	vld [tilespmem:$0x64B0];
	v62 =	vadd.f32 v9, v8;
	[tilespmem:$0x6420] =	vst v58  }
0x14a: {  	v19 =	vld [tilespmem:$0xC8B0];
	v18 =	vadd.f32 v11, v10;
	[tilespmem:$0x6430] =	vst v60  }
0x14b: {  	v21 =	vld [tilespmem:$0x64C0];
	v20 =	vadd.f32 v13, v12;
	[tilespmem:$0x6440] =	vst v62  }
0x14c: {  	v23 =	vld [tilespmem:$0xC8C0];
	v22 =	vadd.f32 v15, v14;
	[tilespmem:$0x6450] =	vst v18  }
0x14d: {  	v24 =	vadd.f32 v17, v16;
	[tilespmem:$0x6460] =	vst v20  }
0x14e: {  	v1 =	vadd.f32 v57, v56;
	[tilespmem:$0x6470] =	vst v22  }
0x14f: {  	v25 =	vadd.f32 v61, v59;
	[tilespmem:$0x6480] =	vst v24  }
0x150: {  	v26 =	vadd.f32 v19, v63;
	[tilespmem:$0x6490] =	vst v1  }
0x151: {  	v27 =	vadd.f32 v23, v21;
	[tilespmem:$0x64A0] =	vst v25  }
0x152: {  	[tilespmem:$0x64B0] =	vst v26  }
0x153: {  	[tilespmem:$0x64C0] =	vst v27  }
0x154: {  	[hbm4b:s12+s20] =	stream.linear.scatter [tilespmem:s1], [sflag:$0x1], $0xC8, $0x38;
	[tilespmem:$0xC900] =	vst v63  }
0x155: {  	_ =	swait.ge [sflag:s18], $0xC8  }
0x156: {  	[sflag:s18] =	ssyncset.done $0x0  }
0x157: {  	[sflag:s18] =	ssyncadd.s32 $0xFFFFFF38  }
0x158: {  	[tilespmem:s1], [sflag:$0x1] =	stream.linear.gather [hbm4b:s13+s20], $0xC8, $0x38;
	[tilespmem:$0xC900] =	vst v63  }
0x159: {  	_ =	swait.ge [sflag:s18], $0xC8  }
0x15a: {  	[sflag:s18] =	ssyncset.done $0x0  }
0x15b: {  	[sflag:s18] =	ssyncadd.s32 $0xFFFFFF38  }
0x15c: {  	v28 =	vld [tilespmem:$0x6400]  }
0x15d: {  	v29 =	vld [tilespmem:$0xC800]  }
0x15e: {  	v30 =	vld [tilespmem:$0x6410]  }
0x15f: {  	v31 =	vld [tilespmem:$0xC810]  }
0x160: {  	v32 =	vld [tilespmem:$0x6420]  }
0x161: {  	v33 =	vld [tilespmem:$0xC820]  }
0x162: {  	v34 =	vld [tilespmem:$0x6430]  }
0x163: {  	v35 =	vld [tilespmem:$0xC830]  }
0x164: {  	v36 =	vld [tilespmem:$0x6440]  }
0x165: {  	v37 =	vld [tilespmem:$0xC840]  }
0x166: {  	v38 =	vld [tilespmem:$0x6450]  }
0x167: {  	v39 =	vld [tilespmem:$0xC850]  }
0x168: {  	v40 =	vld [tilespmem:$0x6460]  }
0x169: {  	v41 =	vld [tilespmem:$0xC860]  }
0x16a: {  	v42 =	vld [tilespmem:$0x6470]  }
0x16b: {  	v43 =	vld [tilespmem:$0xC870]  }
0x16c: {  	v44 =	vld [tilespmem:$0x6480]  }
0x16d: {  	v45 =	vld [tilespmem:$0xC880]  }
0x16e: {  	v46 =	vld [tilespmem:$0x6490];
	v0 =	vadd.f32 v29, v28  }
0x16f: {  	v47 =	vld [tilespmem:$0xC890];
	v2 =	vadd.f32 v31, v30  }
0x170: {  	v49 =	vld [tilespmem:$0x64A0];
	v48 =	vadd.f32 v33, v32;
	[tilespmem:$0x6400] =	vst v0  }
0x171: {  	v51 =	vld [tilespmem:$0xC8A0];
	v50 =	vadd.f32 v35, v34;
	[tilespmem:$0x6410] =	vst v2  }
0x172: {  	v53 =	vld [tilespmem:$0x64B0];
	v52 =	vadd.f32 v37, v36;
	[tilespmem:$0x6420] =	vst v48  }
0x173: {  	v55 =	vld [tilespmem:$0xC8B0];
	v54 =	vadd.f32 v39, v38;
	[tilespmem:$0x6430] =	vst v50  }
0x174: {  	v57 =	vld [tilespmem:$0x64C0];
	v56 =	vadd.f32 v41, v40;
	[tilespmem:$0x6440] =	vst v52  }
0x175: {  	v59 =	vld [tilespmem:$0xC8C0];
	v58 =	vadd.f32 v43, v42;
	[tilespmem:$0x6450] =	vst v54  }
0x176: {  	v60 =	vadd.f32 v45, v44;
	[tilespmem:$0x6460] =	vst v56  }
0x177: {  	v1 =	vadd.f32 v47, v46;
	[tilespmem:$0x6470] =	vst v58  }
0x178: {  	v61 =	vadd.f32 v51, v49;
	[tilespmem:$0x6480] =	vst v60  }
0x179: {  	v62 =	vadd.f32 v55, v53;
	[tilespmem:$0x6490] =	vst v1  }
0x17a: {  	v63 =	vadd.f32 v59, v57;
	[tilespmem:$0x64A0] =	vst v61  }
0x17b: {  	[tilespmem:$0x64B0] =	vst v62  }
0x17c: {  	[tilespmem:$0x64C0] =	vst v63  }
0x17d: {  	[hbm4b:s14+s20] =	stream.linear.scatter [tilespmem:s1], [sflag:$0x1], $0xC8, $0x38;
	[tilespmem:$0xC900] =	vst v63  }
0x17e: {  	_ =	swait.ge [sflag:s18], $0xC8  }
0x17f: {  	[sflag:s18] =	ssyncset.done $0x0  }
0x180: {  	s21 =	simm.s32 $0x0;
	[sflag:s18] =	ssyncadd.s32 $0xFFFFFF38  }
.LBB2_4:
0x181: {  	s22 =	smul.u32 $0xC8190, s21;
	_ =	sdelay $0x1  }
0x182: {  	s23 =	sadd.s32 s15, s22  }
0x183: {  	s23 =	sshrl.u32 s23, $0x3  }
0x184: {  	s24 =	sadd.s32 s2, s23  }
0x185: {  	[tilespmem:s1], [sflag:$0x1] =	stream.linear.gather [hbm4b:s24+s20], $0x3200, $0x38;
	[tilespmem:$0xC900] =	vst v63  }
0x186: {  	_ =	swait.ge [sflag:s18], $0x3200  }
0x187: {  	[sflag:s18] =	ssyncset.done $0x0  }
0x188: {  	s24 =	simm.s32 $0x0;
	[sflag:s18] =	ssyncadd.s32 $0xFFFFCE00  }
0x189: {  	s25 =	simm.s32 $0x40;
	v0 =	vld [tilespmem:s24+$0x0]  }
.LBB2_5:
0x18a: {  	p0 =	sne.s32 s25, $0xC7C0;
	v1 =	vld [tilespmem:s24+$0x6400];
	_ =	sdelay $0x2  }
.Ltmp1:
0x18b: {  	(pc) =	sbr.rel @p0 .LBB2_5-.Ltmp1, $4  }
0x18c: {  	_ = 	snop  }
0x18d: {  	v1 =	vadd.f32 v0, v1  }
0x18e: {  	s26 =	sshra.s32 s25, $0x2  }
0x18f: {  	s25 =	sadd.s32 $0x40, s25;
	v0 =	vld [tilespmem:s26+$0x0];
	[tilespmem:s24+$0x6400] =	vst v1;
	s24 =	smov.u32 s26  }
0x190: {  	v1 =	vld [tilespmem:s24+$0x6400];
	_ =	sdelay $0x4  }
0x191: {  	v0 =	vadd.f32 v0, v1;
	_ =	sdelay $0x1  }
0x192: {  	s23 =	sadd.s32 s6, s23;
	s25 =	simm.s32 $0x0;
	[tilespmem:s24+$0x6400] =	vst v0  }
0x193: {  	[hbm4b:s23+s25] =	stream.linear.scatter [tilespmem:s1], [sflag:$0x1], $0x3200, $0x38;
	[tilespmem:$0xC900] =	vst v63  }
0x194: {  	s22 =	sadd.s32 s22, s16;
	_ =	swait.ge [sflag:s18], $0x3200  }
0x195: {  	s22 =	sshrl.u32 s22, $0x3;
	[sflag:s18] =	ssyncset.done $0x0  }
0x196: {  	s26 =	sadd.s32 s2, s22;
	[sflag:s18] =	ssyncadd.s32 $0xFFFFCE00  }
0x197: {  	[tilespmem:s0], [sflag:$0x1] =	stream.linear.gather [hbm4b:s26+s25], $0x3200, $0x38;
	[tilespmem:$0xC900] =	vst v63  }
0x198: {  	_ =	swait.ge [sflag:s18], $0x3200  }
0x199: {  	[sflag:s18] =	ssyncset.done $0x0  }
0x19a: {  	s23 =	simm.s32 $0x0;
	[sflag:s18] =	ssyncadd.s32 $0xFFFFCE00  }
0x19b: {  	s24 =	simm.s32 $0x40;
	v0 =	vld [tilespmem:s23+$0x0]  }
.LBB2_7:
0x19c: {  	p0 =	sne.s32 s24, $0xC7C0;
	v1 =	vld [tilespmem:s23+$0x9600];
	_ =	sdelay $0x2  }
.Ltmp2:
0x19d: {  	(pc) =	sbr.rel @p0 .LBB2_7-.Ltmp2, $4  }
0x19e: {  	_ = 	snop  }
0x19f: {  	v1 =	vadd.f32 v0, v1  }
0x1a0: {  	s25 =	sshra.s32 s24, $0x2  }
0x1a1: {  	s24 =	sadd.s32 $0x40, s24;
	v0 =	vld [tilespmem:s25+$0x0];
	[tilespmem:s23+$0x9600] =	vst v1;
	s23 =	smov.u32 s25  }
0x1a2: {  	v1 =	vld [tilespmem:s23+$0x9600];
	_ =	sdelay $0x4  }
0x1a3: {  	s21 =	sadd.s32 $0x1, s21;
	v0 =	vadd.f32 v0, v1  }
0x1a4: {  	p0 =	sne.s32 s21, $0x20  }
.Ltmp3:
0x1a5: {  	s22 =	sadd.s32 s6, s22;
	[tilespmem:s23+$0x9600] =	vst v0;
	(pc) =	sbr.rel @p0 .LBB2_4-.Ltmp3, $4  }
0x1a6: {  	[hbm4b:s22+s3] =	stream.linear.scatter [tilespmem:s0], [sflag:$0x1], $0x3200, $0x38;
	[tilespmem:$0xC900] =	vst v63  }
0x1a7: {  	_ =	swait.ge [sflag:s18], $0x3200  }
0x1a8: {  	[sflag:s18] =	ssyncset.done $0x0  }
0x1a9: {  	[sflag:s18] =	ssyncadd.s32 $0xFFFFCE00  }
0x1aa: {  	s19 =	sadd.s32 $0x1, s19  }
0x1ab: {  	p0 =	sne.s32 s19, s17  }
.Ltmp4:
0x1ac: {  	_ = 	snop;
	(pc) =	sbr.rel @p0 .LBB2_1-.Ltmp4, $1  }
0x1ad: {  	_ =	sdelay $0x3  }
0x1ae: {  	_ =	sfence.sel $0x180000  }
0x1af: {  	[bflag:$0x0] =	sbarrier.arrive $0xFFFF  }
0x1b0: {  	_ =	strace $0x90000047  }
0x1b1: {  	s0 =	stileid.u32;
	[bflag:$0x2] =	sbarrier.arrive $0xFFFF  }
0x1b2: {  	p0 =	sne.s32 s0, $0x0;
	s0 =	rddreg [dreg:$0x2]  }
0x1b3: {  	s0 =	sadd.s32 @!p0 $0x100000, s0  }
0x1b4: {  	[sflag:s0] =	ssyncadd.tile.s32 @!p0 $0x1;
	_ =	shalt  }
.Lfunc_end2:
_tile_overlayer_lowered:
.L_overlay_start_2:
0x1b5: {  	(tag) =	ssettag $0x2  }
0x1b6: {  	s0 =	rddreg [dreg:$0x0];
	s2 =	stileid.u32  }
0x1b7: {  	s1 =	rddreg [dreg:$0x1];
	p0 =	sne.s32 s2, $0x0  }
0x1b8: {  	s3 =	rddreg [dreg:$0x2];
	[bflag:$0x3] =	sbarrier.arrive $0xFFFF;
	s2 =	simm.s32 @!p0 $0x1C01  }
0x1b9: {  	[timem:s3], [sflag:s2] =	dma.local @!p0 [hbm:s0], s1  }
0x1ba: {  	s0 =	simm.s32 @!p0 $0x1  }
0x1bb: {  	_ =	swait.ge @!p0 [sflag:s0], s1  }
0x1bc: {  	s1 =	ssub.s32 @!p0 $0x0, s1;
	[sflag:s0] =	ssyncset.done @!p0 $0x0  }
0x1bd: {  	[sflag:s0] =	ssyncadd.s32 @!p0 s1  }
0x1be: {  	[bflag:$0x3] =	sbarrier.arrive $0xFFFF  }
0x1bf: {  	_ =	shalt  }

</sc_bundles>
